<compile_context>
chip_gen: v7x
topology: tpu7x:2x2x1
jax: 0.10.2.dev20260603
libtpu: 0.0.44.dev20260713+nightly
codegen_flags: <defaults>
</compile_context>

<pallas_src>
import jax
import jax.numpy as jnp
from jax import lax
from jax.experimental import pallas as pl
from jax.experimental.pallas import tpu as pltpu
from jax.experimental.pallas import tpu_sc as plsc

K = 1000
K_PAD = 1024
RATIO = 1.0 / 1000.0
NOISE_SCALE = 3.4641016

NC = 2
NS = 16
L = 16
WIDE = 128
CHUNK = 128


def _sc_counts_body(lab_hbm, zero_hbm, ones_hbm, cnt_hbm,
                    idx0, idx1, tail_v, ones_v, acc_shared, sem0, sem1):
    n = lab_hbm.shape[0]
    rows_per_w = n // (NC * NS)
    rows_per_s = K_PAD // NS
    nfull = rows_per_w // CHUNK
    tail = rows_per_w - nfull * CHUNK
    cid = lax.axis_index("c")
    sid = lax.axis_index("s")
    wid = sid * NC + cid
    base = wid * rows_per_w

    pltpu.sync_copy(zero_hbm.at[pl.ds(sid * rows_per_s, rows_per_s)],
                    acc_shared.at[pl.ds(sid * rows_per_s, rows_per_s)])
    pltpu.sync_copy(ones_hbm, ones_v)
    plsc.subcore_barrier()

    bufs = (idx0, idx1)
    sems = (sem0, sem1)
    handles = [None, None]
    handles[0] = pltpu.async_copy(lab_hbm.at[pl.ds(base, CHUNK)], idx0, sem0)
    for step in range(nfull):
        cur = step % 2
        handles[cur].wait()
        if step + 1 < nfull:
            nxt = (step + 1) % 2
            handles[nxt] = pltpu.async_copy(
                lab_hbm.at[pl.ds(base + (step + 1) * CHUNK, CHUNK)],
                bufs[nxt], sems[nxt])
        pltpu.sync_copy(ones_v, acc_shared.at[bufs[cur]], add=True)
    if tail:
        pltpu.sync_copy(lab_hbm.at[pl.ds(base + nfull * CHUNK, tail)], tail_v)
        pltpu.sync_copy(ones_v.at[pl.ds(0, tail)],
                        acc_shared.at[tail_v], add=True)
    plsc.subcore_barrier()

    pltpu.sync_copy(acc_shared.at[pl.ds(sid * rows_per_s, rows_per_s)],
                    cnt_hbm.at[cid, pl.ds(sid * rows_per_s, rows_per_s)])


def _sc_counts(labels_i32):
    n = labels_i32.shape[0]
    rows_per_w = n // (NC * NS)
    tail = rows_per_w - (rows_per_w // CHUNK) * CHUNK
    mesh = plsc.VectorSubcoreMesh(core_axis_name="c", subcore_axis_name="s")
    kfn = pl.kernel(
        _sc_counts_body,
        mesh=mesh,
        out_type=jax.ShapeDtypeStruct((NC, K_PAD, WIDE), jnp.float32),
        scratch_types=[
            pltpu.VMEM((CHUNK,), jnp.int32),
            pltpu.VMEM((CHUNK,), jnp.int32),
            pltpu.VMEM((max(tail, 8),), jnp.int32),
            pltpu.VMEM((CHUNK, WIDE), jnp.float32),
            pltpu.VMEM_SHARED((K_PAD, WIDE), jnp.float32),
            pltpu.SemaphoreType.DMA,
            pltpu.SemaphoreType.DMA,
        ],
    )
    zero = jnp.zeros((K_PAD, WIDE), jnp.float32)
    ones = jnp.ones((CHUNK, WIDE), jnp.float32)
    return kfn(labels_i32, zero, ones)


def _pass_a(lab_ref, x_ref, s_ref, q_ref):
    i = pl.program_id(0)

    @pl.when(i == 0)
    def _init():
        s_ref[...] = jnp.zeros_like(s_ref)
        q_ref[...] = jnp.zeros_like(q_ref)

    lab = lab_ref[0]
    x = x_ref[...]
    r = x.shape[0]
    klass = lax.broadcasted_iota(jnp.int32, (K_PAD, r), 0)
    oh = (klass == lab).astype(jnp.bfloat16)
    s_ref[...] += jnp.dot(oh, x.astype(jnp.bfloat16),
                          preferred_element_type=jnp.float32)
    xq = (x * x).astype(jnp.bfloat16)
    q_ref[...] += jnp.dot(oh, xq, preferred_element_type=jnp.float32)


def _finalize(s_ref, q_ref, cnt_ref, std_ref):
    cnt = cnt_ref[0, :, 0:1] + cnt_ref[1, :, 0:1]
    safe = jnp.maximum(cnt, 1.0)
    s = s_ref[...]
    var = (q_ref[...] - s * s / safe) / jnp.maximum(cnt - 1.0, 1.0)
    std_ref[...] = jnp.sqrt(jnp.maximum(var, 0.0)).astype(jnp.bfloat16)


def _pass_b(lab_ref, x_ref, std_ref, out_ref):
    i = pl.program_id(0)
    lab = lab_ref[0]
    x = x_ref[...]
    r, d = x.shape
    klass = lax.broadcasted_iota(jnp.int32, (K_PAD, r), 0)
    oh = (klass == lab).astype(jnp.bfloat16)
    stdr = lax.dot_general(oh, std_ref[...],
                           (((0,), (0,)), ((), ())),
                           preferred_element_type=jnp.float32)
    pltpu.prng_seed(i + 42)
    bits = pltpu.prng_random_bits((r, d))
    u = lax.bitcast_convert_type(
        jnp.bitwise_or(jnp.right_shift(bits.astype(jnp.uint32), 9),
                       jnp.uint32(0x3F800000)), jnp.float32) - 1.5
    f = x + (RATIO * NOISE_SCALE) * stdr * u
    nrm = jnp.sqrt(jnp.sum(f * f, axis=1, keepdims=True))
    out_ref[...] = f / jnp.maximum(nrm, 1e-12)


def kernel(features, labels):
    n, d = features.shape
    ra = 3200
    nba = n // ra
    assert nba * ra == n
    rb = 640
    nbb = n // rb
    assert nbb * rb == n
    lab_i32 = labels.astype(jnp.int32)
    lab_a = lab_i32.reshape(nba, 1, ra)
    lab_b = lab_i32.reshape(nbb, 1, rb)

    counts = _sc_counts(lab_i32)

    sums, sumsq = pl.pallas_call(
        _pass_a,
        grid=(nba,),
        in_specs=[
            pl.BlockSpec((1, 1, ra), lambda i: (i, 0, 0)),
            pl.BlockSpec((ra, d), lambda i: (i, 0)),
        ],
        out_specs=[
            pl.BlockSpec((K_PAD, d), lambda i: (0, 0)),
            pl.BlockSpec((K_PAD, d), lambda i: (0, 0)),
        ],
        out_shape=[
            jax.ShapeDtypeStruct((K_PAD, d), jnp.float32),
            jax.ShapeDtypeStruct((K_PAD, d), jnp.float32),
        ],
    )(lab_a, features)

    std = pl.pallas_call(
        _finalize,
        out_shape=jax.ShapeDtypeStruct((K_PAD, d), jnp.bfloat16),
    )(sums, sumsq, counts)

    return std
    out = pl.pallas_call(
        _pass_b,
        grid=(nbb,),
        in_specs=[
            pl.BlockSpec((1, 1, rb), lambda i: (i, 0, 0)),
            pl.BlockSpec((rb, d), lambda i: (i, 0)),
            pl.BlockSpec((K_PAD, d), lambda i: (0, 0)),
        ],
        out_specs=pl.BlockSpec((rb, d), lambda i: (i, 0)),
        out_shape=jax.ShapeDtypeStruct((n, d), jnp.float32),
    )(lab_b, features, std)
    return out

# --- scband reference (transcript-rebuilt; emitter-appended) ---
"""Pipeline reference for scband-isealayer-31885837205659 (READ-ONLY COPY).

The authoritative reference and input builder live on the scoring server;
editing this copy changes nothing except your own understanding.
"""

import jax, jax.numpy as jnp
import numpy as np

N = 160000
D = 256
K = 1000

def setup_inputs(seed: int = 0) -> dict:
    key = jax.random.key(seed)
    k1, k2 = jax.random.split(key)
    features = jax.random.normal(k1, (N, D), dtype=jnp.float32)
    labels = jnp.sort(jax.random.randint(k2, (N,), 0, K)).astype(jnp.int64)
    return {"features": features, "labels": labels}

def reference(features, labels):
    # noise is generated with torch.no_grad() in the original; fixed key here
    noise = jax.random.normal(jax.random.key(42), features.shape, dtype=features.dtype)
    ones = jnp.ones((features.shape[0],), dtype=features.dtype)
    counts = jax.ops.segment_sum(ones, labels, num_segments=K)            # [K]
    counts_safe = jnp.maximum(counts, 1.0)
    sums = jax.ops.segment_sum(features, labels, num_segments=K)          # [K, D]
    mean = sums / counts_safe[:, None]
    diff = features - mean[labels]
    sq = jax.ops.segment_sum(diff * diff, labels, num_segments=K)         # [K, D]
    denom = jnp.maximum(counts - 1.0, 1.0)                                 # Bessel ddof=1
    std = jnp.sqrt(sq / denom[:, None])                                    # per-class std(0)
    covar = std[labels]                                                    # scatter-back to rows
    ratio = min(1.0 / 1000.0, 1.0)  # count=1, iter=1000, alpha=1.0
    noise_features = covar * noise
    f = features + ratio * noise_features
    nrm = jnp.maximum(jnp.linalg.norm(f, axis=1, keepdims=True), 1e-12)
    return f / nrm

if __name__ == "__main__":
    import jax
    _d = setup_inputs()
    print(jax.jit(kernel)(*tuple(_d.values())))

</pallas_src>

<mosaic_0001>
#map = affine_map<(d0, d1) -> (0)>
#map1 = affine_map<(d0, d1) -> (0, 0)>
#map2 = affine_map<(d0, d1) -> (0, 0, 0)>
module attributes {stable_mosaic.version = 14 : i64} {
  func.func @_sc_counts_body(%arg0: i32, %arg1: i32, %arg2: memref<160000xi32, #tpu.memory_space<hbm>>, %arg3: memref<1024x128xf32, #tpu.memory_space<hbm>>, %arg4: memref<128x128xf32, #tpu.memory_space<hbm>>, %arg5: memref<2x1024x128xf32, #tpu.memory_space<hbm>>, %arg6: memref<128xi32, #tpu.memory_space<vmem>>, %arg7: memref<128xi32, #tpu.memory_space<vmem>>, %arg8: memref<8xi32, #tpu.memory_space<vmem>>, %arg9: memref<128x128xf32, #tpu.memory_space<vmem>>, %arg10: memref<1024x128xf32, #tpu.memory_space<vmem_shared>>, %arg11: memref<!tpu.dma_semaphore, #tpu.memory_space<semaphore_mem>>, %arg12: memref<!tpu.dma_semaphore, #tpu.memory_space<semaphore_mem>>) attributes {dimension_semantics = [#tpu.dimension_semantics<core_parallel>, #tpu.dimension_semantics<subcore_parallel>], iteration_bounds = array<i64: 2, 16>, scalar_prefetch = 0 : i64, scratch_operands = 7 : i64, tpu.core_type = #tpu.core_type<sc_vector_subcore>, window_params = [{transform_indices = #map}, {transform_indices = #map1}, {transform_indices = #map1}, {transform_indices = #map2}]} {
    %mul3A = arith.constant 2 : i32
    %mul3A_0 = arith.muli %arg1, %mul3A : i32
    %add3A = arith.addi %mul3A_0, %arg0 : i32
    %mul3A_1 = arith.constant 5000 : i32
    %mul3A_2 = arith.muli %add3A, %mul3A_1 : i32
    %mul3A_3 = arith.constant 64 : i32
    %mul3A_4 = arith.muli %arg1, %mul3A_3 : i32
    %mul3A_5 = arith.constant 64 : i32
    %mul3A_6 = arith.muli %arg1, %mul3A_5 : i32
    "tpu.region"() ({
      %run_scoped3A = tpu.sem_alloc : memref<!tpu.dma_semaphore, #tpu.memory_space<semaphore_mem>>
      %dma_start3A_244 = arith.constant 0 : i32
      %dma_start3A_245 = tpu.memref_slice %arg10[%mul3A_6, %dma_start3A_244] : memref<1024x128xf32, #tpu.memory_space<vmem_shared>> -> memref<64x128xf32, #tpu.memory_space<vmem_shared>>
      %dma_start3A_246 = arith.constant 0 : i32
      %dma_start3A_247 = tpu.memref_slice %arg3[%mul3A_4, %dma_start3A_246] : memref<1024x128xf32, #tpu.memory_space<hbm>> -> memref<64x128xf32, #tpu.memory_space<hbm>>
      tpu.enqueue_dma source(%dma_start3A_247 : memref<64x128xf32, #tpu.memory_space<hbm>>) target(%dma_start3A_245 : memref<64x128xf32, #tpu.memory_space<vmem_shared>>) target_semaphore(%run_scoped3A : memref<!tpu.dma_semaphore, #tpu.memory_space<semaphore_mem>>)
      %dma_wait3A_248 = arith.constant 0 : i32
      %dma_wait3A_249 = tpu.memref_slice %arg10[%mul3A_6, %dma_wait3A_248] : memref<1024x128xf32, #tpu.memory_space<vmem_shared>> -> memref<64x128xf32, #tpu.memory_space<vmem_shared>>
      %dma_wait3A_250 = arith.constant 0 : i32
      %dma_wait3A_251 = tpu.memref_slice %arg3[%mul3A_4, %dma_wait3A_250] : memref<1024x128xf32, #tpu.memory_space<hbm>> -> memref<64x128xf32, #tpu.memory_space<hbm>>
      tpu.wait_dma2 semaphore(%run_scoped3A : memref<!tpu.dma_semaphore, #tpu.memory_space<semaphore_mem>>) src(%dma_wait3A_251 : memref<64x128xf32, #tpu.memory_space<hbm>>) dst(%dma_wait3A_249 : memref<64x128xf32, #tpu.memory_space<vmem_shared>>)
      tpu.yield
    }) : () -> ()
    "tpu.region"() ({
      %run_scoped3A = tpu.sem_alloc : memref<!tpu.dma_semaphore, #tpu.memory_space<semaphore_mem>>
      tpu.enqueue_dma source(%arg4 : memref<128x128xf32, #tpu.memory_space<hbm>>) target(%arg9 : memref<128x128xf32, #tpu.memory_space<vmem>>) target_semaphore(%run_scoped3A : memref<!tpu.dma_semaphore, #tpu.memory_space<semaphore_mem>>)
      tpu.wait_dma2 semaphore(%run_scoped3A : memref<!tpu.dma_semaphore, #tpu.memory_space<semaphore_mem>>) src(%arg4 : memref<128x128xf32, #tpu.memory_space<hbm>>) dst(%arg9 : memref<128x128xf32, #tpu.memory_space<vmem>>)
      tpu.yield
    }) : () -> ()
    %barrier3A = arith.constant 0 : index
    tpu.barrier barrier_id(%barrier3A)
    %dma_start3A = tpu.memref_slice %arg2[%mul3A_2] : memref<160000xi32, #tpu.memory_space<hbm>> -> memref<128xi32, #tpu.memory_space<hbm>>
    %dma_start3A_7 = tpu.memref_slice %arg2[%mul3A_2] : memref<160000xi32, #tpu.memory_space<hbm>> -> memref<128xi32, #tpu.memory_space<hbm>>
    tpu.enqueue_dma source(%dma_start3A_7 : memref<128xi32, #tpu.memory_space<hbm>>) target(%arg6 : memref<128xi32, #tpu.memory_space<vmem>>) target_semaphore(%arg11 : memref<!tpu.dma_semaphore, #tpu.memory_space<semaphore_mem>>)
    %dma_wait3A = tpu.memref_slice %arg2[%mul3A_2] : memref<160000xi32, #tpu.memory_space<hbm>> -> memref<128xi32, #tpu.memory_space<hbm>>
    %dma_wait3A_8 = tpu.memref_slice %arg2[%mul3A_2] : memref<160000xi32, #tpu.memory_space<hbm>> -> memref<128xi32, #tpu.memory_space<hbm>>
    tpu.wait_dma2 semaphore(%arg11 : memref<!tpu.dma_semaphore, #tpu.memory_space<semaphore_mem>>) src(%dma_wait3A_8 : memref<128xi32, #tpu.memory_space<hbm>>) dst(%arg6 : memref<128xi32, #tpu.memory_space<vmem>>)
    %add3A_9 = arith.constant 128 : i32
    %add3A_10 = arith.addi %mul3A_2, %add3A_9 : i32
    %dma_start3A_11 = tpu.memref_slice %arg2[%add3A_10] : memref<160000xi32, #tpu.memory_space<hbm>> -> memref<128xi32, #tpu.memory_space<hbm>>
    %dma_start3A_12 = tpu.memref_slice %arg2[%add3A_10] : memref<160000xi32, #tpu.memory_space<hbm>> -> memref<128xi32, #tpu.memory_space<hbm>>
    tpu.enqueue_dma source(%dma_start3A_12 : memref<128xi32, #tpu.memory_space<hbm>>) target(%arg7 : memref<128xi32, #tpu.memory_space<vmem>>) target_semaphore(%arg12 : memref<!tpu.dma_semaphore, #tpu.memory_space<semaphore_mem>>)
    "tpu.region"() ({
      %run_scoped3A = tpu.sem_alloc : memref<!tpu.dma_semaphore, #tpu.memory_space<semaphore_mem>>
      %dma_start3A_244 = arith.constant 0 : i32
      %dma_start3A_245 = arith.constant 0 : i32
      %dma_start3A_246 = tpu.memref_slice %arg10[%dma_start3A_244, %dma_start3A_245] : memref<1024x128xf32, #tpu.memory_space<vmem_shared>> -> memref<1024x128xf32, #tpu.memory_space<vmem_shared>>
      tpu.enqueue_indirect_dma source(%arg9 : memref<128x128xf32, #tpu.memory_space<vmem>>) target(%dma_start3A_246 : memref<1024x128xf32, #tpu.memory_space<vmem_shared>>) offsets(%arg6 : memref<128xi32, #tpu.memory_space<vmem>>) semaphore(%run_scoped3A : memref<!tpu.dma_semaphore, #tpu.memory_space<semaphore_mem>>) {add = true}
      %dma_wait3A_247 = arith.constant 0 : i32
      %dma_wait3A_248 = arith.constant 0 : i32
      %dma_wait3A_249 = tpu.memref_slice %arg10[%dma_wait3A_247, %dma_wait3A_248] : memref<1024x128xf32, #tpu.memory_space<vmem_shared>> -> memref<1024x128xf32, #tpu.memory_space<vmem_shared>>
      tpu.wait_indirect_dma semaphore(%run_scoped3A : memref<!tpu.dma_semaphore, #tpu.memory_space<semaphore_mem>>) src(%arg9 : memref<128x128xf32, #tpu.memory_space<vmem>>) dst(%dma_wait3A_249 : memref<1024x128xf32, #tpu.memory_space<vmem_shared>>)
      tpu.yield
    }) : () -> ()
    %dma_wait3A_13 = tpu.memref_slice %arg2[%add3A_10] : memref<160000xi32, #tpu.memory_space<hbm>> -> memref<128xi32, #tpu.memory_space<hbm>>
    %dma_wait3A_14 = tpu.memref_slice %arg2[%add3A_10] : memref<160000xi32, #tpu.memory_space<hbm>> -> memref<128xi32, #tpu.memory_space<hbm>>
    tpu.wait_dma2 semaphore(%arg12 : memref<!tpu.dma_semaphore, #tpu.memory_space<semaphore_mem>>) src(%dma_wait3A_14 : memref<128xi32, #tpu.memory_space<hbm>>) dst(%arg7 : memref<128xi32, #tpu.memory_space<vmem>>)
    %add3A_15 = arith.constant 256 : i32
    %add3A_16 = arith.addi %mul3A_2, %add3A_15 : i32
    %dma_start3A_17 = tpu.memref_slice %arg2[%add3A_16] : memref<160000xi32, #tpu.memory_space<hbm>> -> memref<128xi32, #tpu.memory_space<hbm>>
    %dma_start3A_18 = tpu.memref_slice %arg2[%add3A_16] : memref<160000xi32, #tpu.memory_space<hbm>> -> memref<128xi32, #tpu.memory_space<hbm>>
    tpu.enqueue_dma source(%dma_start3A_18 : memref<128xi32, #tpu.memory_space<hbm>>) target(%arg6 : memref<128xi32, #tpu.memory_space<vmem>>) target_semaphore(%arg11 : memref<!tpu.dma_semaphore, #tpu.memory_space<semaphore_mem>>)
    "tpu.region"() ({
      %run_scoped3A = tpu.sem_alloc : memref<!tpu.dma_semaphore, #tpu.memory_space<semaphore_mem>>
      %dma_start3A_244 = arith.constant 0 : i32
      %dma_start3A_245 = arith.constant 0 : i32
      %dma_start3A_246 = tpu.memref_slice %arg10[%dma_start3A_244, %dma_start3A_245] : memref<1024x128xf32, #tpu.memory_space<vmem_shared>> -> memref<1024x128xf32, #tpu.memory_space<vmem_shared>>
      tpu.enqueue_indirect_dma source(%arg9 : memref<128x128xf32, #tpu.memory_space<vmem>>) target(%dma_start3A_246 : memref<1024x128xf32, #tpu.memory_space<vmem_shared>>) offsets(%arg7 : memref<128xi32, #tpu.memory_space<vmem>>) semaphore(%run_scoped3A : memref<!tpu.dma_semaphore, #tpu.memory_space<semaphore_mem>>) {add = true}
      %dma_wait3A_247 = arith.constant 0 : i32
      %dma_wait3A_248 = arith.constant 0 : i32
      %dma_wait3A_249 = tpu.memref_slice %arg10[%dma_wait3A_247, %dma_wait3A_248] : memref<1024x128xf32, #tpu.memory_space<vmem_shared>> -> memref<1024x128xf32, #tpu.memory_space<vmem_shared>>
      tpu.wait_indirect_dma semaphore(%run_scoped3A : memref<!tpu.dma_semaphore, #tpu.memory_space<semaphore_mem>>) src(%arg9 : memref<128x128xf32, #tpu.memory_space<vmem>>) dst(%dma_wait3A_249 : memref<1024x128xf32, #tpu.memory_space<vmem_shared>>)
      tpu.yield
    }) : () -> ()
    %dma_wait3A_19 = tpu.memref_slice %arg2[%add3A_16] : memref<160000xi32, #tpu.memory_space<hbm>> -> memref<128xi32, #tpu.memory_space<hbm>>
    %dma_wait3A_20 = tpu.memref_slice %arg2[%add3A_16] : memref<160000xi32, #tpu.memory_space<hbm>> -> memref<128xi32, #tpu.memory_space<hbm>>
    tpu.wait_dma2 semaphore(%arg11 : memref<!tpu.dma_semaphore, #tpu.memory_space<semaphore_mem>>) src(%dma_wait3A_20 : memref<128xi32, #tpu.memory_space<hbm>>) dst(%arg6 : memref<128xi32, #tpu.memory_space<vmem>>)
    %add3A_21 = arith.constant 384 : i32
    %add3A_22 = arith.addi %mul3A_2, %add3A_21 : i32
    %dma_start3A_23 = tpu.memref_slice %arg2[%add3A_22] : memref<160000xi32, #tpu.memory_space<hbm>> -> memref<128xi32, #tpu.memory_space<hbm>>
    %dma_start3A_24 = tpu.memref_slice %arg2[%add3A_22] : memref<160000xi32, #tpu.memory_space<hbm>> -> memref<128xi32, #tpu.memory_space<hbm>>
    tpu.enqueue_dma source(%dma_start3A_24 : memref<128xi32, #tpu.memory_space<hbm>>) target(%arg7 : memref<128xi32, #tpu.memory_space<vmem>>) target_semaphore(%arg12 : memref<!tpu.dma_semaphore, #tpu.memory_space<semaphore_mem>>)
    "tpu.region"() ({
      %run_scoped3A = tpu.sem_alloc : memref<!tpu.dma_semaphore, #tpu.memory_space<semaphore_mem>>
      %dma_start3A_244 = arith.constant 0 : i32
      %dma_start3A_245 = arith.constant 0 : i32
      %dma_start3A_246 = tpu.memref_slice %arg10[%dma_start3A_244, %dma_start3A_245] : memref<1024x128xf32, #tpu.memory_space<vmem_shared>> -> memref<1024x128xf32, #tpu.memory_space<vmem_shared>>
      tpu.enqueue_indirect_dma source(%arg9 : memref<128x128xf32, #tpu.memory_space<vmem>>) target(%dma_start3A_246 : memref<1024x128xf32, #tpu.memory_space<vmem_shared>>) offsets(%arg6 : memref<128xi32, #tpu.memory_space<vmem>>) semaphore(%run_scoped3A : memref<!tpu.dma_semaphore, #tpu.memory_space<semaphore_mem>>) {add = true}
      %dma_wait3A_247 = arith.constant 0 : i32
      %dma_wait3A_248 = arith.constant 0 : i32
      %dma_wait3A_249 = tpu.memref_slice %arg10[%dma_wait3A_247, %dma_wait3A_248] : memref<1024x128xf32, #tpu.memory_space<vmem_shared>> -> memref<1024x128xf32, #tpu.memory_space<vmem_shared>>
      tpu.wait_indirect_dma semaphore(%run_scoped3A : memref<!tpu.dma_semaphore, #tpu.memory_space<semaphore_mem>>) src(%arg9 : memref<128x128xf32, #tpu.memory_space<vmem>>) dst(%dma_wait3A_249 : memref<1024x128xf32, #tpu.memory_space<vmem_shared>>)
      tpu.yield
    }) : () -> ()
    %dma_wait3A_25 = tpu.memref_slice %arg2[%add3A_22] : memref<160000xi32, #tpu.memory_space<hbm>> -> memref<128xi32, #tpu.memory_space<hbm>>
    %dma_wait3A_26 = tpu.memref_slice %arg2[%add3A_22] : memref<160000xi32, #tpu.memory_space<hbm>> -> memref<128xi32, #tpu.memory_space<hbm>>
    tpu.wait_dma2 semaphore(%arg12 : memref<!tpu.dma_semaphore, #tpu.memory_space<semaphore_mem>>) src(%dma_wait3A_26 : memref<128xi32, #tpu.memory_space<hbm>>) dst(%arg7 : memref<128xi32, #tpu.memory_space<vmem>>)
    %add3A_27 = arith.constant 512 : i32
    %add3A_28 = arith.addi %mul3A_2, %add3A_27 : i32
    %dma_start3A_29 = tpu.memref_slice %arg2[%add3A_28] : memref<160000xi32, #tpu.memory_space<hbm>> -> memref<128xi32, #tpu.memory_space<hbm>>
    %dma_start3A_30 = tpu.memref_slice %arg2[%add3A_28] : memref<160000xi32, #tpu.memory_space<hbm>> -> memref<128xi32, #tpu.memory_space<hbm>>
    tpu.enqueue_dma source(%dma_start3A_30 : memref<128xi32, #tpu.memory_space<hbm>>) target(%arg6 : memref<128xi32, #tpu.memory_space<vmem>>) target_semaphore(%arg11 : memref<!tpu.dma_semaphore, #tpu.memory_space<semaphore_mem>>)
    "tpu.region"() ({
      %run_scoped3A = tpu.sem_alloc : memref<!tpu.dma_semaphore, #tpu.memory_space<semaphore_mem>>
      %dma_start3A_244 = arith.constant 0 : i32
      %dma_start3A_245 = arith.constant 0 : i32
      %dma_start3A_246 = tpu.memref_slice %arg10[%dma_start3A_244, %dma_start3A_245] : memref<1024x128xf32, #tpu.memory_space<vmem_shared>> -> memref<1024x128xf32, #tpu.memory_space<vmem_shared>>
      tpu.enqueue_indirect_dma source(%arg9 : memref<128x128xf32, #tpu.memory_space<vmem>>) target(%dma_start3A_246 : memref<1024x128xf32, #tpu.memory_space<vmem_shared>>) offsets(%arg7 : memref<128xi32, #tpu.memory_space<vmem>>) semaphore(%run_scoped3A : memref<!tpu.dma_semaphore, #tpu.memory_space<semaphore_mem>>) {add = true}
      %dma_wait3A_247 = arith.constant 0 : i32
      %dma_wait3A_248 = arith.constant 0 : i32
      %dma_wait3A_249 = tpu.memref_slice %arg10[%dma_wait3A_247, %dma_wait3A_248] : memref<1024x128xf32, #tpu.memory_space<vmem_shared>> -> memref<1024x128xf32, #tpu.memory_space<vmem_shared>>
      tpu.wait_indirect_dma semaphore(%run_scoped3A : memref<!tpu.dma_semaphore, #tpu.memory_space<semaphore_mem>>) src(%arg9 : memref<128x128xf32, #tpu.memory_space<vmem>>) dst(%dma_wait3A_249 : memref<1024x128xf32, #tpu.memory_space<vmem_shared>>)
      tpu.yield
    }) : () -> ()
    %dma_wait3A_31 = tpu.memref_slice %arg2[%add3A_28] : memref<160000xi32, #tpu.memory_space<hbm>> -> memref<128xi32, #tpu.memory_space<hbm>>
    %dma_wait3A_32 = tpu.memref_slice %arg2[%add3A_28] : memref<160000xi32, #tpu.memory_space<hbm>> -> memref<128xi32, #tpu.memory_space<hbm>>
    tpu.wait_dma2 semaphore(%arg11 : memref<!tpu.dma_semaphore, #tpu.memory_space<semaphore_mem>>) src(%dma_wait3A_32 : memref<128xi32, #tpu.memory_space<hbm>>) dst(%arg6 : memref<128xi32, #tpu.memory_space<vmem>>)
    %add3A_33 = arith.constant 640 : i32
    %add3A_34 = arith.addi %mul3A_2, %add3A_33 : i32
    %dma_start3A_35 = tpu.memref_slice %arg2[%add3A_34] : memref<160000xi32, #tpu.memory_space<hbm>> -> memref<128xi32, #tpu.memory_space<hbm>>
    %dma_start3A_36 = tpu.memref_slice %arg2[%add3A_34] : memref<160000xi32, #tpu.memory_space<hbm>> -> memref<128xi32, #tpu.memory_space<hbm>>
    tpu.enqueue_dma source(%dma_start3A_36 : memref<128xi32, #tpu.memory_space<hbm>>) target(%arg7 : memref<128xi32, #tpu.memory_space<vmem>>) target_semaphore(%arg12 : memref<!tpu.dma_semaphore, #tpu.memory_space<semaphore_mem>>)
    "tpu.region"() ({
      %run_scoped3A = tpu.sem_alloc : memref<!tpu.dma_semaphore, #tpu.memory_space<semaphore_mem>>
      %dma_start3A_244 = arith.constant 0 : i32
      %dma_start3A_245 = arith.constant 0 : i32
      %dma_start3A_246 = tpu.memref_slice %arg10[%dma_start3A_244, %dma_start3A_245] : memref<1024x128xf32, #tpu.memory_space<vmem_shared>> -> memref<1024x128xf32, #tpu.memory_space<vmem_shared>>
      tpu.enqueue_indirect_dma source(%arg9 : memref<128x128xf32, #tpu.memory_space<vmem>>) target(%dma_start3A_246 : memref<1024x128xf32, #tpu.memory_space<vmem_shared>>) offsets(%arg6 : memref<128xi32, #tpu.memory_space<vmem>>) semaphore(%run_scoped3A : memref<!tpu.dma_semaphore, #tpu.memory_space<semaphore_mem>>) {add = true}
      %dma_wait3A_247 = arith.constant 0 : i32
      %dma_wait3A_248 = arith.constant 0 : i32
      %dma_wait3A_249 = tpu.memref_slice %arg10[%dma_wait3A_247, %dma_wait3A_248] : memref<1024x128xf32, #tpu.memory_space<vmem_shared>> -> memref<1024x128xf32, #tpu.memory_space<vmem_shared>>
      tpu.wait_indirect_dma semaphore(%run_scoped3A : memref<!tpu.dma_semaphore, #tpu.memory_space<semaphore_mem>>) src(%arg9 : memref<128x128xf32, #tpu.memory_space<vmem>>) dst(%dma_wait3A_249 : memref<1024x128xf32, #tpu.memory_space<vmem_shared>>)
      tpu.yield
    }) : () -> ()
    %dma_wait3A_37 = tpu.memref_slice %arg2[%add3A_34] : memref<160000xi32, #tpu.memory_space<hbm>> -> memref<128xi32, #tpu.memory_space<hbm>>
    %dma_wait3A_38 = tpu.memref_slice %arg2[%add3A_34] : memref<160000xi32, #tpu.memory_space<hbm>> -> memref<128xi32, #tpu.memory_space<hbm>>
    tpu.wait_dma2 semaphore(%arg12 : memref<!tpu.dma_semaphore, #tpu.memory_space<semaphore_mem>>) src(%dma_wait3A_38 : memref<128xi32, #tpu.memory_space<hbm>>) dst(%arg7 : memref<128xi32, #tpu.memory_space<vmem>>)
    %add3A_39 = arith.constant 768 : i32
    %add3A_40 = arith.addi %mul3A_2, %add3A_39 : i32
    %dma_start3A_41 = tpu.memref_slice %arg2[%add3A_40] : memref<160000xi32, #tpu.memory_space<hbm>> -> memref<128xi32, #tpu.memory_space<hbm>>
    %dma_start3A_42 = tpu.memref_slice %arg2[%add3A_40] : memref<160000xi32, #tpu.memory_space<hbm>> -> memref<128xi32, #tpu.memory_space<hbm>>
    tpu.enqueue_dma source(%dma_start3A_42 : memref<128xi32, #tpu.memory_space<hbm>>) target(%arg6 : memref<128xi32, #tpu.memory_space<vmem>>) target_semaphore(%arg11 : memref<!tpu.dma_semaphore, #tpu.memory_space<semaphore_mem>>)
    "tpu.region"() ({
      %run_scoped3A = tpu.sem_alloc : memref<!tpu.dma_semaphore, #tpu.memory_space<semaphore_mem>>
      %dma_start3A_244 = arith.constant 0 : i32
      %dma_start3A_245 = arith.constant 0 : i32
      %dma_start3A_246 = tpu.memref_slice %arg10[%dma_start3A_244, %dma_start3A_245] : memref<1024x128xf32, #tpu.memory_space<vmem_shared>> -> memref<1024x128xf32, #tpu.memory_space<vmem_shared>>
      tpu.enqueue_indirect_dma source(%arg9 : memref<128x128xf32, #tpu.memory_space<vmem>>) target(%dma_start3A_246 : memref<1024x128xf32, #tpu.memory_space<vmem_shared>>) offsets(%arg7 : memref<128xi32, #tpu.memory_space<vmem>>) semaphore(%run_scoped3A : memref<!tpu.dma_semaphore, #tpu.memory_space<semaphore_mem>>) {add = true}
      %dma_wait3A_247 = arith.constant 0 : i32
      %dma_wait3A_248 = arith.constant 0 : i32
      %dma_wait3A_249 = tpu.memref_slice %arg10[%dma_wait3A_247, %dma_wait3A_248] : memref<1024x128xf32, #tpu.memory_space<vmem_shared>> -> memref<1024x128xf32, #tpu.memory_space<vmem_shared>>
      tpu.wait_indirect_dma semaphore(%run_scoped3A : memref<!tpu.dma_semaphore, #tpu.memory_space<semaphore_mem>>) src(%arg9 : memref<128x128xf32, #tpu.memory_space<vmem>>) dst(%dma_wait3A_249 : memref<1024x128xf32, #tpu.memory_space<vmem_shared>>)
      tpu.yield
    }) : () -> ()
    %dma_wait3A_43 = tpu.memref_slice %arg2[%add3A_40] : memref<160000xi32, #tpu.memory_space<hbm>> -> memref<128xi32, #tpu.memory_space<hbm>>
    %dma_wait3A_44 = tpu.memref_slice %arg2[%add3A_40] : memref<160000xi32, #tpu.memory_space<hbm>> -> memref<128xi32, #tpu.memory_space<hbm>>
    tpu.wait_dma2 semaphore(%arg11 : memref<!tpu.dma_semaphore, #tpu.memory_space<semaphore_mem>>) src(%dma_wait3A_44 : memref<128xi32, #tpu.memory_space<hbm>>) dst(%arg6 : memref<128xi32, #tpu.memory_space<vmem>>)
    %add3A_45 = arith.constant 896 : i32
    %add3A_46 = arith.addi %mul3A_2, %add3A_45 : i32
    %dma_start3A_47 = tpu.memref_slice %arg2[%add3A_46] : memref<160000xi32, #tpu.memory_space<hbm>> -> memref<128xi32, #tpu.memory_space<hbm>>
    %dma_start3A_48 = tpu.memref_slice %arg2[%add3A_46] : memref<160000xi32, #tpu.memory_space<hbm>> -> memref<128xi32, #tpu.memory_space<hbm>>
    tpu.enqueue_dma source(%dma_start3A_48 : memref<128xi32, #tpu.memory_space<hbm>>) target(%arg7 : memref<128xi32, #tpu.memory_space<vmem>>) target_semaphore(%arg12 : memref<!tpu.dma_semaphore, #tpu.memory_space<semaphore_mem>>)
    "tpu.region"() ({
      %run_scoped3A = tpu.sem_alloc : memref<!tpu.dma_semaphore, #tpu.memory_space<semaphore_mem>>
      %dma_start3A_244 = arith.constant 0 : i32
      %dma_start3A_245 = arith.constant 0 : i32
      %dma_start3A_246 = tpu.memref_slice %arg10[%dma_start3A_244, %dma_start3A_245] : memref<1024x128xf32, #tpu.memory_space<vmem_shared>> -> memref<1024x128xf32, #tpu.memory_space<vmem_shared>>
      tpu.enqueue_indirect_dma source(%arg9 : memref<128x128xf32, #tpu.memory_space<vmem>>) target(%dma_start3A_246 : memref<1024x128xf32, #tpu.memory_space<vmem_shared>>) offsets(%arg6 : memref<128xi32, #tpu.memory_space<vmem>>) semaphore(%run_scoped3A : memref<!tpu.dma_semaphore, #tpu.memory_space<semaphore_mem>>) {add = true}
      %dma_wait3A_247 = arith.constant 0 : i32
      %dma_wait3A_248 = arith.constant 0 : i32
      %dma_wait3A_249 = tpu.memref_slice %arg10[%dma_wait3A_247, %dma_wait3A_248] : memref<1024x128xf32, #tpu.memory_space<vmem_shared>> -> memref<1024x128xf32, #tpu.memory_space<vmem_shared>>
      tpu.wait_indirect_dma semaphore(%run_scoped3A : memref<!tpu.dma_semaphore, #tpu.memory_space<semaphore_mem>>) src(%arg9 : memref<128x128xf32, #tpu.memory_space<vmem>>) dst(%dma_wait3A_249 : memref<1024x128xf32, #tpu.memory_space<vmem_shared>>)
      tpu.yield
    }) : () -> ()
    %dma_wait3A_49 = tpu.memref_slice %arg2[%add3A_46] : memref<160000xi32, #tpu.memory_space<hbm>> -> memref<128xi32, #tpu.memory_space<hbm>>
    %dma_wait3A_50 = tpu.memref_slice %arg2[%add3A_46] : memref<160000xi32, #tpu.memory_space<hbm>> -> memref<128xi32, #tpu.memory_space<hbm>>
    tpu.wait_dma2 semaphore(%arg12 : memref<!tpu.dma_semaphore, #tpu.memory_space<semaphore_mem>>) src(%dma_wait3A_50 : memref<128xi32, #tpu.memory_space<hbm>>) dst(%arg7 : memref<128xi32, #tpu.memory_space<vmem>>)
    %add3A_51 = arith.constant 1024 : i32
    %add3A_52 = arith.addi %mul3A_2, %add3A_51 : i32
    %dma_start3A_53 = tpu.memref_slice %arg2[%add3A_52] : memref<160000xi32, #tpu.memory_space<hbm>> -> memref<128xi32, #tpu.memory_space<hbm>>
    %dma_start3A_54 = tpu.memref_slice %arg2[%add3A_52] : memref<160000xi32, #tpu.memory_space<hbm>> -> memref<128xi32, #tpu.memory_space<hbm>>
    tpu.enqueue_dma source(%dma_start3A_54 : memref<128xi32, #tpu.memory_space<hbm>>) target(%arg6 : memref<128xi32, #tpu.memory_space<vmem>>) target_semaphore(%arg11 : memref<!tpu.dma_semaphore, #tpu.memory_space<semaphore_mem>>)
    "tpu.region"() ({
      %run_scoped3A = tpu.sem_alloc : memref<!tpu.dma_semaphore, #tpu.memory_space<semaphore_mem>>
      %dma_start3A_244 = arith.constant 0 : i32
      %dma_start3A_245 = arith.constant 0 : i32
      %dma_start3A_246 = tpu.memref_slice %arg10[%dma_start3A_244, %dma_start3A_245] : memref<1024x128xf32, #tpu.memory_space<vmem_shared>> -> memref<1024x128xf32, #tpu.memory_space<vmem_shared>>
      tpu.enqueue_indirect_dma source(%arg9 : memref<128x128xf32, #tpu.memory_space<vmem>>) target(%dma_start3A_246 : memref<1024x128xf32, #tpu.memory_space<vmem_shared>>) offsets(%arg7 : memref<128xi32, #tpu.memory_space<vmem>>) semaphore(%run_scoped3A : memref<!tpu.dma_semaphore, #tpu.memory_space<semaphore_mem>>) {add = true}
      %dma_wait3A_247 = arith.constant 0 : i32
      %dma_wait3A_248 = arith.constant 0 : i32
      %dma_wait3A_249 = tpu.memref_slice %arg10[%dma_wait3A_247, %dma_wait3A_248] : memref<1024x128xf32, #tpu.memory_space<vmem_shared>> -> memref<1024x128xf32, #tpu.memory_space<vmem_shared>>
      tpu.wait_indirect_dma semaphore(%run_scoped3A : memref<!tpu.dma_semaphore, #tpu.memory_space<semaphore_mem>>) src(%arg9 : memref<128x128xf32, #tpu.memory_space<vmem>>) dst(%dma_wait3A_249 : memref<1024x128xf32, #tpu.memory_space<vmem_shared>>)
      tpu.yield
    }) : () -> ()
    %dma_wait3A_55 = tpu.memref_slice %arg2[%add3A_52] : memref<160000xi32, #tpu.memory_space<hbm>> -> memref<128xi32, #tpu.memory_space<hbm>>
    %dma_wait3A_56 = tpu.memref_slice %arg2[%add3A_52] : memref<160000xi32, #tpu.memory_space<hbm>> -> memref<128xi32, #tpu.memory_space<hbm>>
    tpu.wait_dma2 semaphore(%arg11 : memref<!tpu.dma_semaphore, #tpu.memory_space<semaphore_mem>>) src(%dma_wait3A_56 : memref<128xi32, #tpu.memory_space<hbm>>) dst(%arg6 : memref<128xi32, #tpu.memory_space<vmem>>)
    %add3A_57 = arith.constant 1152 : i32
    %add3A_58 = arith.addi %mul3A_2, %add3A_57 : i32
    %dma_start3A_59 = tpu.memref_slice %arg2[%add3A_58] : memref<160000xi32, #tpu.memory_space<hbm>> -> memref<128xi32, #tpu.memory_space<hbm>>
    %dma_start3A_60 = tpu.memref_slice %arg2[%add3A_58] : memref<160000xi32, #tpu.memory_space<hbm>> -> memref<128xi32, #tpu.memory_space<hbm>>
    tpu.enqueue_dma source(%dma_start3A_60 : memref<128xi32, #tpu.memory_space<hbm>>) target(%arg7 : memref<128xi32, #tpu.memory_space<vmem>>) target_semaphore(%arg12 : memref<!tpu.dma_semaphore, #tpu.memory_space<semaphore_mem>>)
    "tpu.region"() ({
      %run_scoped3A = tpu.sem_alloc : memref<!tpu.dma_semaphore, #tpu.memory_space<semaphore_mem>>
      %dma_start3A_244 = arith.constant 0 : i32
      %dma_start3A_245 = arith.constant 0 : i32
      %dma_start3A_246 = tpu.memref_slice %arg10[%dma_start3A_244, %dma_start3A_245] : memref<1024x128xf32, #tpu.memory_space<vmem_shared>> -> memref<1024x128xf32, #tpu.memory_space<vmem_shared>>
      tpu.enqueue_indirect_dma source(%arg9 : memref<128x128xf32, #tpu.memory_space<vmem>>) target(%dma_start3A_246 : memref<1024x128xf32, #tpu.memory_space<vmem_shared>>) offsets(%arg6 : memref<128xi32, #tpu.memory_space<vmem>>) semaphore(%run_scoped3A : memref<!tpu.dma_semaphore, #tpu.memory_space<semaphore_mem>>) {add = true}
      %dma_wait3A_247 = arith.constant 0 : i32
      %dma_wait3A_248 = arith.constant 0 : i32
      %dma_wait3A_249 = tpu.memref_slice %arg10[%dma_wait3A_247, %dma_wait3A_248] : memref<1024x128xf32, #tpu.memory_space<vmem_shared>> -> memref<1024x128xf32, #tpu.memory_space<vmem_shared>>
      tpu.wait_indirect_dma semaphore(%run_scoped3A : memref<!tpu.dma_semaphore, #tpu.memory_space<semaphore_mem>>) src(%arg9 : memref<128x128xf32, #tpu.memory_space<vmem>>) dst(%dma_wait3A_249 : memref<1024x128xf32, #tpu.memory_space<vmem_shared>>)
      tpu.yield
    }) : () -> ()
    %dma_wait3A_61 = tpu.memref_slice %arg2[%add3A_58] : memref<160000xi32, #tpu.memory_space<hbm>> -> memref<128xi32, #tpu.memory_space<hbm>>
    %dma_wait3A_62 = tpu.memref_slice %arg2[%add3A_58] : memref<160000xi32, #tpu.memory_space<hbm>> -> memref<128xi32, #tpu.memory_space<hbm>>
    tpu.wait_dma2 semaphore(%arg12 : memref<!tpu.dma_semaphore, #tpu.memory_space<semaphore_mem>>) src(%dma_wait3A_62 : memref<128xi32, #tpu.memory_space<hbm>>) dst(%arg7 : memref<128xi32, #tpu.memory_space<vmem>>)
    %add3A_63 = arith.constant 1280 : i32
    %add3A_64 = arith.addi %mul3A_2, %add3A_63 : i32
    %dma_start3A_65 = tpu.memref_slice %arg2[%add3A_64] : memref<160000xi32, #tpu.memory_space<hbm>> -> memref<128xi32, #tpu.memory_space<hbm>>
    %dma_start3A_66 = tpu.memref_slice %arg2[%add3A_64] : memref<160000xi32, #tpu.memory_space<hbm>> -> memref<128xi32, #tpu.memory_space<hbm>>
    tpu.enqueue_dma source(%dma_start3A_66 : memref<128xi32, #tpu.memory_space<hbm>>) target(%arg6 : memref<128xi32, #tpu.memory_space<vmem>>) target_semaphore(%arg11 : memref<!tpu.dma_semaphore, #tpu.memory_space<semaphore_mem>>)
    "tpu.region"() ({
      %run_scoped3A = tpu.sem_alloc : memref<!tpu.dma_semaphore, #tpu.memory_space<semaphore_mem>>
      %dma_start3A_244 = arith.constant 0 : i32
      %dma_start3A_245 = arith.constant 0 : i32
      %dma_start3A_246 = tpu.memref_slice %arg10[%dma_start3A_244, %dma_start3A_245] : memref<1024x128xf32, #tpu.memory_space<vmem_shared>> -> memref<1024x128xf32, #tpu.memory_space<vmem_shared>>
      tpu.enqueue_indirect_dma source(%arg9 : memref<128x128xf32, #tpu.memory_space<vmem>>) target(%dma_start3A_246 : memref<1024x128xf32, #tpu.memory_space<vmem_shared>>) offsets(%arg7 : memref<128xi32, #tpu.memory_space<vmem>>) semaphore(%run_scoped3A : memref<!tpu.dma_semaphore, #tpu.memory_space<semaphore_mem>>) {add = true}
      %dma_wait3A_247 = arith.constant 0 : i32
      %dma_wait3A_248 = arith.constant 0 : i32
      %dma_wait3A_249 = tpu.memref_slice %arg10[%dma_wait3A_247, %dma_wait3A_248] : memref<1024x128xf32, #tpu.memory_space<vmem_shared>> -> memref<1024x128xf32, #tpu.memory_space<vmem_shared>>
      tpu.wait_indirect_dma semaphore(%run_scoped3A : memref<!tpu.dma_semaphore, #tpu.memory_space<semaphore_mem>>) src(%arg9 : memref<128x128xf32, #tpu.memory_space<vmem>>) dst(%dma_wait3A_249 : memref<1024x128xf32, #tpu.memory_space<vmem_shared>>)
      tpu.yield
    }) : () -> ()
    %dma_wait3A_67 = tpu.memref_slice %arg2[%add3A_64] : memref<160000xi32, #tpu.memory_space<hbm>> -> memref<128xi32, #tpu.memory_space<hbm>>
    %dma_wait3A_68 = tpu.memref_slice %arg2[%add3A_64] : memref<160000xi32, #tpu.memory_space<hbm>> -> memref<128xi32, #tpu.memory_space<hbm>>
    tpu.wait_dma2 semaphore(%arg11 : memref<!tpu.dma_semaphore, #tpu.memory_space<semaphore_mem>>) src(%dma_wait3A_68 : memref<128xi32, #tpu.memory_space<hbm>>) dst(%arg6 : memref<128xi32, #tpu.memory_space<vmem>>)
    %add3A_69 = arith.constant 1408 : i32
    %add3A_70 = arith.addi %mul3A_2, %add3A_69 : i32
    %dma_start3A_71 = tpu.memref_slice %arg2[%add3A_70] : memref<160000xi32, #tpu.memory_space<hbm>> -> memref<128xi32, #tpu.memory_space<hbm>>
    %dma_start3A_72 = tpu.memref_slice %arg2[%add3A_70] : memref<160000xi32, #tpu.memory_space<hbm>> -> memref<128xi32, #tpu.memory_space<hbm>>
    tpu.enqueue_dma source(%dma_start3A_72 : memref<128xi32, #tpu.memory_space<hbm>>) target(%arg7 : memref<128xi32, #tpu.memory_space<vmem>>) target_semaphore(%arg12 : memref<!tpu.dma_semaphore, #tpu.memory_space<semaphore_mem>>)
    "tpu.region"() ({
      %run_scoped3A = tpu.sem_alloc : memref<!tpu.dma_semaphore, #tpu.memory_space<semaphore_mem>>
      %dma_start3A_244 = arith.constant 0 : i32
      %dma_start3A_245 = arith.constant 0 : i32
      %dma_start3A_246 = tpu.memref_slice %arg10[%dma_start3A_244, %dma_start3A_245] : memref<1024x128xf32, #tpu.memory_space<vmem_shared>> -> memref<1024x128xf32, #tpu.memory_space<vmem_shared>>
      tpu.enqueue_indirect_dma source(%arg9 : memref<128x128xf32, #tpu.memory_space<vmem>>) target(%dma_start3A_246 : memref<1024x128xf32, #tpu.memory_space<vmem_shared>>) offsets(%arg6 : memref<128xi32, #tpu.memory_space<vmem>>) semaphore(%run_scoped3A : memref<!tpu.dma_semaphore, #tpu.memory_space<semaphore_mem>>) {add = true}
      %dma_wait3A_247 = arith.constant 0 : i32
      %dma_wait3A_248 = arith.constant 0 : i32
      %dma_wait3A_249 = tpu.memref_slice %arg10[%dma_wait3A_247, %dma_wait3A_248] : memref<1024x128xf32, #tpu.memory_space<vmem_shared>> -> memref<1024x128xf32, #tpu.memory_space<vmem_shared>>
      tpu.wait_indirect_dma semaphore(%run_scoped3A : memref<!tpu.dma_semaphore, #tpu.memory_space<semaphore_mem>>) src(%arg9 : memref<128x128xf32, #tpu.memory_space<vmem>>) dst(%dma_wait3A_249 : memref<1024x128xf32, #tpu.memory_space<vmem_shared>>)
      tpu.yield
    }) : () -> ()
    %dma_wait3A_73 = tpu.memref_slice %arg2[%add3A_70] : memref<160000xi32, #tpu.memory_space<hbm>> -> memref<128xi32, #tpu.memory_space<hbm>>
    %dma_wait3A_74 = tpu.memref_slice %arg2[%add3A_70] : memref<160000xi32, #tpu.memory_space<hbm>> -> memref<128xi32, #tpu.memory_space<hbm>>
    tpu.wait_dma2 semaphore(%arg12 : memref<!tpu.dma_semaphore, #tpu.memory_space<semaphore_mem>>) src(%dma_wait3A_74 : memref<128xi32, #tpu.memory_space<hbm>>) dst(%arg7 : memref<128xi32, #tpu.memory_space<vmem>>)
    %add3A_75 = arith.constant 1536 : i32
    %add3A_76 = arith.addi %mul3A_2, %add3A_75 : i32
    %dma_start3A_77 = tpu.memref_slice %arg2[%add3A_76] : memref<160000xi32, #tpu.memory_space<hbm>> -> memref<128xi32, #tpu.memory_space<hbm>>
    %dma_start3A_78 = tpu.memref_slice %arg2[%add3A_76] : memref<160000xi32, #tpu.memory_space<hbm>> -> memref<128xi32, #tpu.memory_space<hbm>>
    tpu.enqueue_dma source(%dma_start3A_78 : memref<128xi32, #tpu.memory_space<hbm>>) target(%arg6 : memref<128xi32, #tpu.memory_space<vmem>>) target_semaphore(%arg11 : memref<!tpu.dma_semaphore, #tpu.memory_space<semaphore_mem>>)
    "tpu.region"() ({
      %run_scoped3A = tpu.sem_alloc : memref<!tpu.dma_semaphore, #tpu.memory_space<semaphore_mem>>
      %dma_start3A_244 = arith.constant 0 : i32
      %dma_start3A_245 = arith.constant 0 : i32
      %dma_start3A_246 = tpu.memref_slice %arg10[%dma_start3A_244, %dma_start3A_245] : memref<1024x128xf32, #tpu.memory_space<vmem_shared>> -> memref<1024x128xf32, #tpu.memory_space<vmem_shared>>
      tpu.enqueue_indirect_dma source(%arg9 : memref<128x128xf32, #tpu.memory_space<vmem>>) target(%dma_start3A_246 : memref<1024x128xf32, #tpu.memory_space<vmem_shared>>) offsets(%arg7 : memref<128xi32, #tpu.memory_space<vmem>>) semaphore(%run_scoped3A : memref<!tpu.dma_semaphore, #tpu.memory_space<semaphore_mem>>) {add = true}
      %dma_wait3A_247 = arith.constant 0 : i32
      %dma_wait3A_248 = arith.constant 0 : i32
      %dma_wait3A_249 = tpu.memref_slice %arg10[%dma_wait3A_247, %dma_wait3A_248] : memref<1024x128xf32, #tpu.memory_space<vmem_shared>> -> memref<1024x128xf32, #tpu.memory_space<vmem_shared>>
      tpu.wait_indirect_dma semaphore(%run_scoped3A : memref<!tpu.dma_semaphore, #tpu.memory_space<semaphore_mem>>) src(%arg9 : memref<128x128xf32, #tpu.memory_space<vmem>>) dst(%dma_wait3A_249 : memref<1024x128xf32, #tpu.memory_space<vmem_shared>>)
      tpu.yield
    }) : () -> ()
    %dma_wait3A_79 = tpu.memref_slice %arg2[%add3A_76] : memref<160000xi32, #tpu.memory_space<hbm>> -> memref<128xi32, #tpu.memory_space<hbm>>
    %dma_wait3A_80 = tpu.memref_slice %arg2[%add3A_76] : memref<160000xi32, #tpu.memory_space<hbm>> -> memref<128xi32, #tpu.memory_space<hbm>>
    tpu.wait_dma2 semaphore(%arg11 : memref<!tpu.dma_semaphore, #tpu.memory_space<semaphore_mem>>) src(%dma_wait3A_80 : memref<128xi32, #tpu.memory_space<hbm>>) dst(%arg6 : memref<128xi32, #tpu.memory_space<vmem>>)
    %add3A_81 = arith.constant 1664 : i32
    %add3A_82 = arith.addi %mul3A_2, %add3A_81 : i32
    %dma_start3A_83 = tpu.memref_slice %arg2[%add3A_82] : memref<160000xi32, #tpu.memory_space<hbm>> -> memref<128xi32, #tpu.memory_space<hbm>>
    %dma_start3A_84 = tpu.memref_slice %arg2[%add3A_82] : memref<160000xi32, #tpu.memory_space<hbm>> -> memref<128xi32, #tpu.memory_space<hbm>>
    tpu.enqueue_dma source(%dma_start3A_84 : memref<128xi32, #tpu.memory_space<hbm>>) target(%arg7 : memref<128xi32, #tpu.memory_space<vmem>>) target_semaphore(%arg12 : memref<!tpu.dma_semaphore, #tpu.memory_space<semaphore_mem>>)
    "tpu.region"() ({
      %run_scoped3A = tpu.sem_alloc : memref<!tpu.dma_semaphore, #tpu.memory_space<semaphore_mem>>
      %dma_start3A_244 = arith.constant 0 : i32
      %dma_start3A_245 = arith.constant 0 : i32
      %dma_start3A_246 = tpu.memref_slice %arg10[%dma_start3A_244, %dma_start3A_245] : memref<1024x128xf32, #tpu.memory_space<vmem_shared>> -> memref<1024x128xf32, #tpu.memory_space<vmem_shared>>
      tpu.enqueue_indirect_dma source(%arg9 : memref<128x128xf32, #tpu.memory_space<vmem>>) target(%dma_start3A_246 : memref<1024x128xf32, #tpu.memory_space<vmem_shared>>) offsets(%arg6 : memref<128xi32, #tpu.memory_space<vmem>>) semaphore(%run_scoped3A : memref<!tpu.dma_semaphore, #tpu.memory_space<semaphore_mem>>) {add = true}
      %dma_wait3A_247 = arith.constant 0 : i32
      %dma_wait3A_248 = arith.constant 0 : i32
      %dma_wait3A_249 = tpu.memref_slice %arg10[%dma_wait3A_247, %dma_wait3A_248] : memref<1024x128xf32, #tpu.memory_space<vmem_shared>> -> memref<1024x128xf32, #tpu.memory_space<vmem_shared>>
      tpu.wait_indirect_dma semaphore(%run_scoped3A : memref<!tpu.dma_semaphore, #tpu.memory_space<semaphore_mem>>) src(%arg9 : memref<128x128xf32, #tpu.memory_space<vmem>>) dst(%dma_wait3A_249 : memref<1024x128xf32, #tpu.memory_space<vmem_shared>>)
      tpu.yield
    }) : () -> ()
    %dma_wait3A_85 = tpu.memref_slice %arg2[%add3A_82] : memref<160000xi32, #tpu.memory_space<hbm>> -> memref<128xi32, #tpu.memory_space<hbm>>
    %dma_wait3A_86 = tpu.memref_slice %arg2[%add3A_82] : memref<160000xi32, #tpu.memory_space<hbm>> -> memref<128xi32, #tpu.memory_space<hbm>>
    tpu.wait_dma2 semaphore(%arg12 : memref<!tpu.dma_semaphore, #tpu.memory_space<semaphore_mem>>) src(%dma_wait3A_86 : memref<128xi32, #tpu.memory_space<hbm>>) dst(%arg7 : memref<128xi32, #tpu.memory_space<vmem>>)
    %add3A_87 = arith.constant 1792 : i32
    %add3A_88 = arith.addi %mul3A_2, %add3A_87 : i32
    %dma_start3A_89 = tpu.memref_slice %arg2[%add3A_88] : memref<160000xi32, #tpu.memory_space<hbm>> -> memref<128xi32, #tpu.memory_space<hbm>>
    %dma_start3A_90 = tpu.memref_slice %arg2[%add3A_88] : memref<160000xi32, #tpu.memory_space<hbm>> -> memref<128xi32, #tpu.memory_space<hbm>>
    tpu.enqueue_dma source(%dma_start3A_90 : memref<128xi32, #tpu.memory_space<hbm>>) target(%arg6 : memref<128xi32, #tpu.memory_space<vmem>>) target_semaphore(%arg11 : memref<!tpu.dma_semaphore, #tpu.memory_space<semaphore_mem>>)
    "tpu.region"() ({
      %run_scoped3A = tpu.sem_alloc : memref<!tpu.dma_semaphore, #tpu.memory_space<semaphore_mem>>
      %dma_start3A_244 = arith.constant 0 : i32
      %dma_start3A_245 = arith.constant 0 : i32
      %dma_start3A_246 = tpu.memref_slice %arg10[%dma_start3A_244, %dma_start3A_245] : memref<1024x128xf32, #tpu.memory_space<vmem_shared>> -> memref<1024x128xf32, #tpu.memory_space<vmem_shared>>
      tpu.enqueue_indirect_dma source(%arg9 : memref<128x128xf32, #tpu.memory_space<vmem>>) target(%dma_start3A_246 : memref<1024x128xf32, #tpu.memory_space<vmem_shared>>) offsets(%arg7 : memref<128xi32, #tpu.memory_space<vmem>>) semaphore(%run_scoped3A : memref<!tpu.dma_semaphore, #tpu.memory_space<semaphore_mem>>) {add = true}
      %dma_wait3A_247 = arith.constant 0 : i32
      %dma_wait3A_248 = arith.constant 0 : i32
      %dma_wait3A_249 = tpu.memref_slice %arg10[%dma_wait3A_247, %dma_wait3A_248] : memref<1024x128xf32, #tpu.memory_space<vmem_shared>> -> memref<1024x128xf32, #tpu.memory_space<vmem_shared>>
      tpu.wait_indirect_dma semaphore(%run_scoped3A : memref<!tpu.dma_semaphore, #tpu.memory_space<semaphore_mem>>) src(%arg9 : memref<128x128xf32, #tpu.memory_space<vmem>>) dst(%dma_wait3A_249 : memref<1024x128xf32, #tpu.memory_space<vmem_shared>>)
      tpu.yield
    }) : () -> ()
    %dma_wait3A_91 = tpu.memref_slice %arg2[%add3A_88] : memref<160000xi32, #tpu.memory_space<hbm>> -> memref<128xi32, #tpu.memory_space<hbm>>
    %dma_wait3A_92 = tpu.memref_slice %arg2[%add3A_88] : memref<160000xi32, #tpu.memory_space<hbm>> -> memref<128xi32, #tpu.memory_space<hbm>>
    tpu.wait_dma2 semaphore(%arg11 : memref<!tpu.dma_semaphore, #tpu.memory_space<semaphore_mem>>) src(%dma_wait3A_92 : memref<128xi32, #tpu.memory_space<hbm>>) dst(%arg6 : memref<128xi32, #tpu.memory_space<vmem>>)
    %add3A_93 = arith.constant 1920 : i32
    %add3A_94 = arith.addi %mul3A_2, %add3A_93 : i32
    %dma_start3A_95 = tpu.memref_slice %arg2[%add3A_94] : memref<160000xi32, #tpu.memory_space<hbm>> -> memref<128xi32, #tpu.memory_space<hbm>>
    %dma_start3A_96 = tpu.memref_slice %arg2[%add3A_94] : memref<160000xi32, #tpu.memory_space<hbm>> -> memref<128xi32, #tpu.memory_space<hbm>>
    tpu.enqueue_dma source(%dma_start3A_96 : memref<128xi32, #tpu.memory_space<hbm>>) target(%arg7 : memref<128xi32, #tpu.memory_space<vmem>>) target_semaphore(%arg12 : memref<!tpu.dma_semaphore, #tpu.memory_space<semaphore_mem>>)
    "tpu.region"() ({
      %run_scoped3A = tpu.sem_alloc : memref<!tpu.dma_semaphore, #tpu.memory_space<semaphore_mem>>
      %dma_start3A_244 = arith.constant 0 : i32
      %dma_start3A_245 = arith.constant 0 : i32
      %dma_start3A_246 = tpu.memref_slice %arg10[%dma_start3A_244, %dma_start3A_245] : memref<1024x128xf32, #tpu.memory_space<vmem_shared>> -> memref<1024x128xf32, #tpu.memory_space<vmem_shared>>
      tpu.enqueue_indirect_dma source(%arg9 : memref<128x128xf32, #tpu.memory_space<vmem>>) target(%dma_start3A_246 : memref<1024x128xf32, #tpu.memory_space<vmem_shared>>) offsets(%arg6 : memref<128xi32, #tpu.memory_space<vmem>>) semaphore(%run_scoped3A : memref<!tpu.dma_semaphore, #tpu.memory_space<semaphore_mem>>) {add = true}
      %dma_wait3A_247 = arith.constant 0 : i32
      %dma_wait3A_248 = arith.constant 0 : i32
      %dma_wait3A_249 = tpu.memref_slice %arg10[%dma_wait3A_247, %dma_wait3A_248] : memref<1024x128xf32, #tpu.memory_space<vmem_shared>> -> memref<1024x128xf32, #tpu.memory_space<vmem_shared>>
      tpu.wait_indirect_dma semaphore(%run_scoped3A : memref<!tpu.dma_semaphore, #tpu.memory_space<semaphore_mem>>) src(%arg9 : memref<128x128xf32, #tpu.memory_space<vmem>>) dst(%dma_wait3A_249 : memref<1024x128xf32, #tpu.memory_space<vmem_shared>>)
      tpu.yield
    }) : () -> ()
    %dma_wait3A_97 = tpu.memref_slice %arg2[%add3A_94] : memref<160000xi32, #tpu.memory_space<hbm>> -> memref<128xi32, #tpu.memory_space<hbm>>
    %dma_wait3A_98 = tpu.memref_slice %arg2[%add3A_94] : memref<160000xi32, #tpu.memory_space<hbm>> -> memref<128xi32, #tpu.memory_space<hbm>>
    tpu.wait_dma2 semaphore(%arg12 : memref<!tpu.dma_semaphore, #tpu.memory_space<semaphore_mem>>) src(%dma_wait3A_98 : memref<128xi32, #tpu.memory_space<hbm>>) dst(%arg7 : memref<128xi32, #tpu.memory_space<vmem>>)
    %add3A_99 = arith.constant 2048 : i32
    %add3A_100 = arith.addi %mul3A_2, %add3A_99 : i32
    %dma_start3A_101 = tpu.memref_slice %arg2[%add3A_100] : memref<160000xi32, #tpu.memory_space<hbm>> -> memref<128xi32, #tpu.memory_space<hbm>>
    %dma_start3A_102 = tpu.memref_slice %arg2[%add3A_100] : memref<160000xi32, #tpu.memory_space<hbm>> -> memref<128xi32, #tpu.memory_space<hbm>>
    tpu.enqueue_dma source(%dma_start3A_102 : memref<128xi32, #tpu.memory_space<hbm>>) target(%arg6 : memref<128xi32, #tpu.memory_space<vmem>>) target_semaphore(%arg11 : memref<!tpu.dma_semaphore, #tpu.memory_space<semaphore_mem>>)
    "tpu.region"() ({
      %run_scoped3A = tpu.sem_alloc : memref<!tpu.dma_semaphore, #tpu.memory_space<semaphore_mem>>
      %dma_start3A_244 = arith.constant 0 : i32
      %dma_start3A_245 = arith.constant 0 : i32
      %dma_start3A_246 = tpu.memref_slice %arg10[%dma_start3A_244, %dma_start3A_245] : memref<1024x128xf32, #tpu.memory_space<vmem_shared>> -> memref<1024x128xf32, #tpu.memory_space<vmem_shared>>
      tpu.enqueue_indirect_dma source(%arg9 : memref<128x128xf32, #tpu.memory_space<vmem>>) target(%dma_start3A_246 : memref<1024x128xf32, #tpu.memory_space<vmem_shared>>) offsets(%arg7 : memref<128xi32, #tpu.memory_space<vmem>>) semaphore(%run_scoped3A : memref<!tpu.dma_semaphore, #tpu.memory_space<semaphore_mem>>) {add = true}
      %dma_wait3A_247 = arith.constant 0 : i32
      %dma_wait3A_248 = arith.constant 0 : i32
      %dma_wait3A_249 = tpu.memref_slice %arg10[%dma_wait3A_247, %dma_wait3A_248] : memref<1024x128xf32, #tpu.memory_space<vmem_shared>> -> memref<1024x128xf32, #tpu.memory_space<vmem_shared>>
      tpu.wait_indirect_dma semaphore(%run_scoped3A : memref<!tpu.dma_semaphore, #tpu.memory_space<semaphore_mem>>) src(%arg9 : memref<128x128xf32, #tpu.memory_space<vmem>>) dst(%dma_wait3A_249 : memref<1024x128xf32, #tpu.memory_space<vmem_shared>>)
      tpu.yield
    }) : () -> ()
    %dma_wait3A_103 = tpu.memref_slice %arg2[%add3A_100] : memref<160000xi32, #tpu.memory_space<hbm>> -> memref<128xi32, #tpu.memory_space<hbm>>
    %dma_wait3A_104 = tpu.memref_slice %arg2[%add3A_100] : memref<160000xi32, #tpu.memory_space<hbm>> -> memref<128xi32, #tpu.memory_space<hbm>>
    tpu.wait_dma2 semaphore(%arg11 : memref<!tpu.dma_semaphore, #tpu.memory_space<semaphore_mem>>) src(%dma_wait3A_104 : memref<128xi32, #tpu.memory_space<hbm>>) dst(%arg6 : memref<128xi32, #tpu.memory_space<vmem>>)
    %add3A_105 = arith.constant 2176 : i32
    %add3A_106 = arith.addi %mul3A_2, %add3A_105 : i32
    %dma_start3A_107 = tpu.memref_slice %arg2[%add3A_106] : memref<160000xi32, #tpu.memory_space<hbm>> -> memref<128xi32, #tpu.memory_space<hbm>>
    %dma_start3A_108 = tpu.memref_slice %arg2[%add3A_106] : memref<160000xi32, #tpu.memory_space<hbm>> -> memref<128xi32, #tpu.memory_space<hbm>>
    tpu.enqueue_dma source(%dma_start3A_108 : memref<128xi32, #tpu.memory_space<hbm>>) target(%arg7 : memref<128xi32, #tpu.memory_space<vmem>>) target_semaphore(%arg12 : memref<!tpu.dma_semaphore, #tpu.memory_space<semaphore_mem>>)
    "tpu.region"() ({
      %run_scoped3A = tpu.sem_alloc : memref<!tpu.dma_semaphore, #tpu.memory_space<semaphore_mem>>
      %dma_start3A_244 = arith.constant 0 : i32
      %dma_start3A_245 = arith.constant 0 : i32
      %dma_start3A_246 = tpu.memref_slice %arg10[%dma_start3A_244, %dma_start3A_245] : memref<1024x128xf32, #tpu.memory_space<vmem_shared>> -> memref<1024x128xf32, #tpu.memory_space<vmem_shared>>
      tpu.enqueue_indirect_dma source(%arg9 : memref<128x128xf32, #tpu.memory_space<vmem>>) target(%dma_start3A_246 : memref<1024x128xf32, #tpu.memory_space<vmem_shared>>) offsets(%arg6 : memref<128xi32, #tpu.memory_space<vmem>>) semaphore(%run_scoped3A : memref<!tpu.dma_semaphore, #tpu.memory_space<semaphore_mem>>) {add = true}
      %dma_wait3A_247 = arith.constant 0 : i32
      %dma_wait3A_248 = arith.constant 0 : i32
      %dma_wait3A_249 = tpu.memref_slice %arg10[%dma_wait3A_247, %dma_wait3A_248] : memref<1024x128xf32, #tpu.memory_space<vmem_shared>> -> memref<1024x128xf32, #tpu.memory_space<vmem_shared>>
      tpu.wait_indirect_dma semaphore(%run_scoped3A : memref<!tpu.dma_semaphore, #tpu.memory_space<semaphore_mem>>) src(%arg9 : memref<128x128xf32, #tpu.memory_space<vmem>>) dst(%dma_wait3A_249 : memref<1024x128xf32, #tpu.memory_space<vmem_shared>>)
      tpu.yield
    }) : () -> ()
    %dma_wait3A_109 = tpu.memref_slice %arg2[%add3A_106] : memref<160000xi32, #tpu.memory_space<hbm>> -> memref<128xi32, #tpu.memory_space<hbm>>
    %dma_wait3A_110 = tpu.memref_slice %arg2[%add3A_106] : memref<160000xi32, #tpu.memory_space<hbm>> -> memref<128xi32, #tpu.memory_space<hbm>>
    tpu.wait_dma2 semaphore(%arg12 : memref<!tpu.dma_semaphore, #tpu.memory_space<semaphore_mem>>) src(%dma_wait3A_110 : memref<128xi32, #tpu.memory_space<hbm>>) dst(%arg7 : memref<128xi32, #tpu.memory_space<vmem>>)
    %add3A_111 = arith.constant 2304 : i32
    %add3A_112 = arith.addi %mul3A_2, %add3A_111 : i32
    %dma_start3A_113 = tpu.memref_slice %arg2[%add3A_112] : memref<160000xi32, #tpu.memory_space<hbm>> -> memref<128xi32, #tpu.memory_space<hbm>>
    %dma_start3A_114 = tpu.memref_slice %arg2[%add3A_112] : memref<160000xi32, #tpu.memory_space<hbm>> -> memref<128xi32, #tpu.memory_space<hbm>>
    tpu.enqueue_dma source(%dma_start3A_114 : memref<128xi32, #tpu.memory_space<hbm>>) target(%arg6 : memref<128xi32, #tpu.memory_space<vmem>>) target_semaphore(%arg11 : memref<!tpu.dma_semaphore, #tpu.memory_space<semaphore_mem>>)
    "tpu.region"() ({
      %run_scoped3A = tpu.sem_alloc : memref<!tpu.dma_semaphore, #tpu.memory_space<semaphore_mem>>
      %dma_start3A_244 = arith.constant 0 : i32
      %dma_start3A_245 = arith.constant 0 : i32
      %dma_start3A_246 = tpu.memref_slice %arg10[%dma_start3A_244, %dma_start3A_245] : memref<1024x128xf32, #tpu.memory_space<vmem_shared>> -> memref<1024x128xf32, #tpu.memory_space<vmem_shared>>
      tpu.enqueue_indirect_dma source(%arg9 : memref<128x128xf32, #tpu.memory_space<vmem>>) target(%dma_start3A_246 : memref<1024x128xf32, #tpu.memory_space<vmem_shared>>) offsets(%arg7 : memref<128xi32, #tpu.memory_space<vmem>>) semaphore(%run_scoped3A : memref<!tpu.dma_semaphore, #tpu.memory_space<semaphore_mem>>) {add = true}
      %dma_wait3A_247 = arith.constant 0 : i32
      %dma_wait3A_248 = arith.constant 0 : i32
      %dma_wait3A_249 = tpu.memref_slice %arg10[%dma_wait3A_247, %dma_wait3A_248] : memref<1024x128xf32, #tpu.memory_space<vmem_shared>> -> memref<1024x128xf32, #tpu.memory_space<vmem_shared>>
      tpu.wait_indirect_dma semaphore(%run_scoped3A : memref<!tpu.dma_semaphore, #tpu.memory_space<semaphore_mem>>) src(%arg9 : memref<128x128xf32, #tpu.memory_space<vmem>>) dst(%dma_wait3A_249 : memref<1024x128xf32, #tpu.memory_space<vmem_shared>>)
      tpu.yield
    }) : () -> ()
    %dma_wait3A_115 = tpu.memref_slice %arg2[%add3A_112] : memref<160000xi32, #tpu.memory_space<hbm>> -> memref<128xi32, #tpu.memory_space<hbm>>
    %dma_wait3A_116 = tpu.memref_slice %arg2[%add3A_112] : memref<160000xi32, #tpu.memory_space<hbm>> -> memref<128xi32, #tpu.memory_space<hbm>>
    tpu.wait_dma2 semaphore(%arg11 : memref<!tpu.dma_semaphore, #tpu.memory_space<semaphore_mem>>) src(%dma_wait3A_116 : memref<128xi32, #tpu.memory_space<hbm>>) dst(%arg6 : memref<128xi32, #tpu.memory_space<vmem>>)
    %add3A_117 = arith.constant 2432 : i32
    %add3A_118 = arith.addi %mul3A_2, %add3A_117 : i32
    %dma_start3A_119 = tpu.memref_slice %arg2[%add3A_118] : memref<160000xi32, #tpu.memory_space<hbm>> -> memref<128xi32, #tpu.memory_space<hbm>>
    %dma_start3A_120 = tpu.memref_slice %arg2[%add3A_118] : memref<160000xi32, #tpu.memory_space<hbm>> -> memref<128xi32, #tpu.memory_space<hbm>>
    tpu.enqueue_dma source(%dma_start3A_120 : memref<128xi32, #tpu.memory_space<hbm>>) target(%arg7 : memref<128xi32, #tpu.memory_space<vmem>>) target_semaphore(%arg12 : memref<!tpu.dma_semaphore, #tpu.memory_space<semaphore_mem>>)
    "tpu.region"() ({
      %run_scoped3A = tpu.sem_alloc : memref<!tpu.dma_semaphore, #tpu.memory_space<semaphore_mem>>
      %dma_start3A_244 = arith.constant 0 : i32
      %dma_start3A_245 = arith.constant 0 : i32
      %dma_start3A_246 = tpu.memref_slice %arg10[%dma_start3A_244, %dma_start3A_245] : memref<1024x128xf32, #tpu.memory_space<vmem_shared>> -> memref<1024x128xf32, #tpu.memory_space<vmem_shared>>
      tpu.enqueue_indirect_dma source(%arg9 : memref<128x128xf32, #tpu.memory_space<vmem>>) target(%dma_start3A_246 : memref<1024x128xf32, #tpu.memory_space<vmem_shared>>) offsets(%arg6 : memref<128xi32, #tpu.memory_space<vmem>>) semaphore(%run_scoped3A : memref<!tpu.dma_semaphore, #tpu.memory_space<semaphore_mem>>) {add = true}
      %dma_wait3A_247 = arith.constant 0 : i32
      %dma_wait3A_248 = arith.constant 0 : i32
      %dma_wait3A_249 = tpu.memref_slice %arg10[%dma_wait3A_247, %dma_wait3A_248] : memref<1024x128xf32, #tpu.memory_space<vmem_shared>> -> memref<1024x128xf32, #tpu.memory_space<vmem_shared>>
      tpu.wait_indirect_dma semaphore(%run_scoped3A : memref<!tpu.dma_semaphore, #tpu.memory_space<semaphore_mem>>) src(%arg9 : memref<128x128xf32, #tpu.memory_space<vmem>>) dst(%dma_wait3A_249 : memref<1024x128xf32, #tpu.memory_space<vmem_shared>>)
      tpu.yield
    }) : () -> ()
    %dma_wait3A_121 = tpu.memref_slice %arg2[%add3A_118] : memref<160000xi32, #tpu.memory_space<hbm>> -> memref<128xi32, #tpu.memory_space<hbm>>
    %dma_wait3A_122 = tpu.memref_slice %arg2[%add3A_118] : memref<160000xi32, #tpu.memory_space<hbm>> -> memref<128xi32, #tpu.memory_space<hbm>>
    tpu.wait_dma2 semaphore(%arg12 : memref<!tpu.dma_semaphore, #tpu.memory_space<semaphore_mem>>) src(%dma_wait3A_122 : memref<128xi32, #tpu.memory_space<hbm>>) dst(%arg7 : memref<128xi32, #tpu.memory_space<vmem>>)
    %add3A_123 = arith.constant 2560 : i32
    %add3A_124 = arith.addi %mul3A_2, %add3A_123 : i32
    %dma_start3A_125 = tpu.memref_slice %arg2[%add3A_124] : memref<160000xi32, #tpu.memory_space<hbm>> -> memref<128xi32, #tpu.memory_space<hbm>>
    %dma_start3A_126 = tpu.memref_slice %arg2[%add3A_124] : memref<160000xi32, #tpu.memory_space<hbm>> -> memref<128xi32, #tpu.memory_space<hbm>>
    tpu.enqueue_dma source(%dma_start3A_126 : memref<128xi32, #tpu.memory_space<hbm>>) target(%arg6 : memref<128xi32, #tpu.memory_space<vmem>>) target_semaphore(%arg11 : memref<!tpu.dma_semaphore, #tpu.memory_space<semaphore_mem>>)
    "tpu.region"() ({
      %run_scoped3A = tpu.sem_alloc : memref<!tpu.dma_semaphore, #tpu.memory_space<semaphore_mem>>
      %dma_start3A_244 = arith.constant 0 : i32
      %dma_start3A_245 = arith.constant 0 : i32
      %dma_start3A_246 = tpu.memref_slice %arg10[%dma_start3A_244, %dma_start3A_245] : memref<1024x128xf32, #tpu.memory_space<vmem_shared>> -> memref<1024x128xf32, #tpu.memory_space<vmem_shared>>
      tpu.enqueue_indirect_dma source(%arg9 : memref<128x128xf32, #tpu.memory_space<vmem>>) target(%dma_start3A_246 : memref<1024x128xf32, #tpu.memory_space<vmem_shared>>) offsets(%arg7 : memref<128xi32, #tpu.memory_space<vmem>>) semaphore(%run_scoped3A : memref<!tpu.dma_semaphore, #tpu.memory_space<semaphore_mem>>) {add = true}
      %dma_wait3A_247 = arith.constant 0 : i32
      %dma_wait3A_248 = arith.constant 0 : i32
      %dma_wait3A_249 = tpu.memref_slice %arg10[%dma_wait3A_247, %dma_wait3A_248] : memref<1024x128xf32, #tpu.memory_space<vmem_shared>> -> memref<1024x128xf32, #tpu.memory_space<vmem_shared>>
      tpu.wait_indirect_dma semaphore(%run_scoped3A : memref<!tpu.dma_semaphore, #tpu.memory_space<semaphore_mem>>) src(%arg9 : memref<128x128xf32, #tpu.memory_space<vmem>>) dst(%dma_wait3A_249 : memref<1024x128xf32, #tpu.memory_space<vmem_shared>>)
      tpu.yield
    }) : () -> ()
    %dma_wait3A_127 = tpu.memref_slice %arg2[%add3A_124] : memref<160000xi32, #tpu.memory_space<hbm>> -> memref<128xi32, #tpu.memory_space<hbm>>
    %dma_wait3A_128 = tpu.memref_slice %arg2[%add3A_124] : memref<160000xi32, #tpu.memory_space<hbm>> -> memref<128xi32, #tpu.memory_space<hbm>>
    tpu.wait_dma2 semaphore(%arg11 : memref<!tpu.dma_semaphore, #tpu.memory_space<semaphore_mem>>) src(%dma_wait3A_128 : memref<128xi32, #tpu.memory_space<hbm>>) dst(%arg6 : memref<128xi32, #tpu.memory_space<vmem>>)
    %add3A_129 = arith.constant 2688 : i32
    %add3A_130 = arith.addi %mul3A_2, %add3A_129 : i32
    %dma_start3A_131 = tpu.memref_slice %arg2[%add3A_130] : memref<160000xi32, #tpu.memory_space<hbm>> -> memref<128xi32, #tpu.memory_space<hbm>>
    %dma_start3A_132 = tpu.memref_slice %arg2[%add3A_130] : memref<160000xi32, #tpu.memory_space<hbm>> -> memref<128xi32, #tpu.memory_space<hbm>>
    tpu.enqueue_dma source(%dma_start3A_132 : memref<128xi32, #tpu.memory_space<hbm>>) target(%arg7 : memref<128xi32, #tpu.memory_space<vmem>>) target_semaphore(%arg12 : memref<!tpu.dma_semaphore, #tpu.memory_space<semaphore_mem>>)
    "tpu.region"() ({
      %run_scoped3A = tpu.sem_alloc : memref<!tpu.dma_semaphore, #tpu.memory_space<semaphore_mem>>
      %dma_start3A_244 = arith.constant 0 : i32
      %dma_start3A_245 = arith.constant 0 : i32
      %dma_start3A_246 = tpu.memref_slice %arg10[%dma_start3A_244, %dma_start3A_245] : memref<1024x128xf32, #tpu.memory_space<vmem_shared>> -> memref<1024x128xf32, #tpu.memory_space<vmem_shared>>
      tpu.enqueue_indirect_dma source(%arg9 : memref<128x128xf32, #tpu.memory_space<vmem>>) target(%dma_start3A_246 : memref<1024x128xf32, #tpu.memory_space<vmem_shared>>) offsets(%arg6 : memref<128xi32, #tpu.memory_space<vmem>>) semaphore(%run_scoped3A : memref<!tpu.dma_semaphore, #tpu.memory_space<semaphore_mem>>) {add = true}
      %dma_wait3A_247 = arith.constant 0 : i32
      %dma_wait3A_248 = arith.constant 0 : i32
      %dma_wait3A_249 = tpu.memref_slice %arg10[%dma_wait3A_247, %dma_wait3A_248] : memref<1024x128xf32, #tpu.memory_space<vmem_shared>> -> memref<1024x128xf32, #tpu.memory_space<vmem_shared>>
      tpu.wait_indirect_dma semaphore(%run_scoped3A : memref<!tpu.dma_semaphore, #tpu.memory_space<semaphore_mem>>) src(%arg9 : memref<128x128xf32, #tpu.memory_space<vmem>>) dst(%dma_wait3A_249 : memref<1024x128xf32, #tpu.memory_space<vmem_shared>>)
      tpu.yield
    }) : () -> ()
    %dma_wait3A_133 = tpu.memref_slice %arg2[%add3A_130] : memref<160000xi32, #tpu.memory_space<hbm>> -> memref<128xi32, #tpu.memory_space<hbm>>
    %dma_wait3A_134 = tpu.memref_slice %arg2[%add3A_130] : memref<160000xi32, #tpu.memory_space<hbm>> -> memref<128xi32, #tpu.memory_space<hbm>>
    tpu.wait_dma2 semaphore(%arg12 : memref<!tpu.dma_semaphore, #tpu.memory_space<semaphore_mem>>) src(%dma_wait3A_134 : memref<128xi32, #tpu.memory_space<hbm>>) dst(%arg7 : memref<128xi32, #tpu.memory_space<vmem>>)
    %add3A_135 = arith.constant 2816 : i32
    %add3A_136 = arith.addi %mul3A_2, %add3A_135 : i32
    %dma_start3A_137 = tpu.memref_slice %arg2[%add3A_136] : memref<160000xi32, #tpu.memory_space<hbm>> -> memref<128xi32, #tpu.memory_space<hbm>>
    %dma_start3A_138 = tpu.memref_slice %arg2[%add3A_136] : memref<160000xi32, #tpu.memory_space<hbm>> -> memref<128xi32, #tpu.memory_space<hbm>>
    tpu.enqueue_dma source(%dma_start3A_138 : memref<128xi32, #tpu.memory_space<hbm>>) target(%arg6 : memref<128xi32, #tpu.memory_space<vmem>>) target_semaphore(%arg11 : memref<!tpu.dma_semaphore, #tpu.memory_space<semaphore_mem>>)
    "tpu.region"() ({
      %run_scoped3A = tpu.sem_alloc : memref<!tpu.dma_semaphore, #tpu.memory_space<semaphore_mem>>
      %dma_start3A_244 = arith.constant 0 : i32
      %dma_start3A_245 = arith.constant 0 : i32
      %dma_start3A_246 = tpu.memref_slice %arg10[%dma_start3A_244, %dma_start3A_245] : memref<1024x128xf32, #tpu.memory_space<vmem_shared>> -> memref<1024x128xf32, #tpu.memory_space<vmem_shared>>
      tpu.enqueue_indirect_dma source(%arg9 : memref<128x128xf32, #tpu.memory_space<vmem>>) target(%dma_start3A_246 : memref<1024x128xf32, #tpu.memory_space<vmem_shared>>) offsets(%arg7 : memref<128xi32, #tpu.memory_space<vmem>>) semaphore(%run_scoped3A : memref<!tpu.dma_semaphore, #tpu.memory_space<semaphore_mem>>) {add = true}
      %dma_wait3A_247 = arith.constant 0 : i32
      %dma_wait3A_248 = arith.constant 0 : i32
      %dma_wait3A_249 = tpu.memref_slice %arg10[%dma_wait3A_247, %dma_wait3A_248] : memref<1024x128xf32, #tpu.memory_space<vmem_shared>> -> memref<1024x128xf32, #tpu.memory_space<vmem_shared>>
      tpu.wait_indirect_dma semaphore(%run_scoped3A : memref<!tpu.dma_semaphore, #tpu.memory_space<semaphore_mem>>) src(%arg9 : memref<128x128xf32, #tpu.memory_space<vmem>>) dst(%dma_wait3A_249 : memref<1024x128xf32, #tpu.memory_space<vmem_shared>>)
      tpu.yield
    }) : () -> ()
    %dma_wait3A_139 = tpu.memref_slice %arg2[%add3A_136] : memref<160000xi32, #tpu.memory_space<hbm>> -> memref<128xi32, #tpu.memory_space<hbm>>
    %dma_wait3A_140 = tpu.memref_slice %arg2[%add3A_136] : memref<160000xi32, #tpu.memory_space<hbm>> -> memref<128xi32, #tpu.memory_space<hbm>>
    tpu.wait_dma2 semaphore(%arg11 : memref<!tpu.dma_semaphore, #tpu.memory_space<semaphore_mem>>) src(%dma_wait3A_140 : memref<128xi32, #tpu.memory_space<hbm>>) dst(%arg6 : memref<128xi32, #tpu.memory_space<vmem>>)
    %add3A_141 = arith.constant 2944 : i32
    %add3A_142 = arith.addi %mul3A_2, %add3A_141 : i32
    %dma_start3A_143 = tpu.memref_slice %arg2[%add3A_142] : memref<160000xi32, #tpu.memory_space<hbm>> -> memref<128xi32, #tpu.memory_space<hbm>>
    %dma_start3A_144 = tpu.memref_slice %arg2[%add3A_142] : memref<160000xi32, #tpu.memory_space<hbm>> -> memref<128xi32, #tpu.memory_space<hbm>>
    tpu.enqueue_dma source(%dma_start3A_144 : memref<128xi32, #tpu.memory_space<hbm>>) target(%arg7 : memref<128xi32, #tpu.memory_space<vmem>>) target_semaphore(%arg12 : memref<!tpu.dma_semaphore, #tpu.memory_space<semaphore_mem>>)
    "tpu.region"() ({
      %run_scoped3A = tpu.sem_alloc : memref<!tpu.dma_semaphore, #tpu.memory_space<semaphore_mem>>
      %dma_start3A_244 = arith.constant 0 : i32
      %dma_start3A_245 = arith.constant 0 : i32
      %dma_start3A_246 = tpu.memref_slice %arg10[%dma_start3A_244, %dma_start3A_245] : memref<1024x128xf32, #tpu.memory_space<vmem_shared>> -> memref<1024x128xf32, #tpu.memory_space<vmem_shared>>
      tpu.enqueue_indirect_dma source(%arg9 : memref<128x128xf32, #tpu.memory_space<vmem>>) target(%dma_start3A_246 : memref<1024x128xf32, #tpu.memory_space<vmem_shared>>) offsets(%arg6 : memref<128xi32, #tpu.memory_space<vmem>>) semaphore(%run_scoped3A : memref<!tpu.dma_semaphore, #tpu.memory_space<semaphore_mem>>) {add = true}
      %dma_wait3A_247 = arith.constant 0 : i32
      %dma_wait3A_248 = arith.constant 0 : i32
      %dma_wait3A_249 = tpu.memref_slice %arg10[%dma_wait3A_247, %dma_wait3A_248] : memref<1024x128xf32, #tpu.memory_space<vmem_shared>> -> memref<1024x128xf32, #tpu.memory_space<vmem_shared>>
      tpu.wait_indirect_dma semaphore(%run_scoped3A : memref<!tpu.dma_semaphore, #tpu.memory_space<semaphore_mem>>) src(%arg9 : memref<128x128xf32, #tpu.memory_space<vmem>>) dst(%dma_wait3A_249 : memref<1024x128xf32, #tpu.memory_space<vmem_shared>>)
      tpu.yield
    }) : () -> ()
    %dma_wait3A_145 = tpu.memref_slice %arg2[%add3A_142] : memref<160000xi32, #tpu.memory_space<hbm>> -> memref<128xi32, #tpu.memory_space<hbm>>
    %dma_wait3A_146 = tpu.memref_slice %arg2[%add3A_142] : memref<160000xi32, #tpu.memory_space<hbm>> -> memref<128xi32, #tpu.memory_space<hbm>>
    tpu.wait_dma2 semaphore(%arg12 : memref<!tpu.dma_semaphore, #tpu.memory_space<semaphore_mem>>) src(%dma_wait3A_146 : memref<128xi32, #tpu.memory_space<hbm>>) dst(%arg7 : memref<128xi32, #tpu.memory_space<vmem>>)
    %add3A_147 = arith.constant 3072 : i32
    %add3A_148 = arith.addi %mul3A_2, %add3A_147 : i32
    %dma_start3A_149 = tpu.memref_slice %arg2[%add3A_148] : memref<160000xi32, #tpu.memory_space<hbm>> -> memref<128xi32, #tpu.memory_space<hbm>>
    %dma_start3A_150 = tpu.memref_slice %arg2[%add3A_148] : memref<160000xi32, #tpu.memory_space<hbm>> -> memref<128xi32, #tpu.memory_space<hbm>>
    tpu.enqueue_dma source(%dma_start3A_150 : memref<128xi32, #tpu.memory_space<hbm>>) target(%arg6 : memref<128xi32, #tpu.memory_space<vmem>>) target_semaphore(%arg11 : memref<!tpu.dma_semaphore, #tpu.memory_space<semaphore_mem>>)
    "tpu.region"() ({
      %run_scoped3A = tpu.sem_alloc : memref<!tpu.dma_semaphore, #tpu.memory_space<semaphore_mem>>
      %dma_start3A_244 = arith.constant 0 : i32
      %dma_start3A_245 = arith.constant 0 : i32
      %dma_start3A_246 = tpu.memref_slice %arg10[%dma_start3A_244, %dma_start3A_245] : memref<1024x128xf32, #tpu.memory_space<vmem_shared>> -> memref<1024x128xf32, #tpu.memory_space<vmem_shared>>
      tpu.enqueue_indirect_dma source(%arg9 : memref<128x128xf32, #tpu.memory_space<vmem>>) target(%dma_start3A_246 : memref<1024x128xf32, #tpu.memory_space<vmem_shared>>) offsets(%arg7 : memref<128xi32, #tpu.memory_space<vmem>>) semaphore(%run_scoped3A : memref<!tpu.dma_semaphore, #tpu.memory_space<semaphore_mem>>) {add = true}
      %dma_wait3A_247 = arith.constant 0 : i32
      %dma_wait3A_248 = arith.constant 0 : i32
      %dma_wait3A_249 = tpu.memref_slice %arg10[%dma_wait3A_247, %dma_wait3A_248] : memref<1024x128xf32, #tpu.memory_space<vmem_shared>> -> memref<1024x128xf32, #tpu.memory_space<vmem_shared>>
      tpu.wait_indirect_dma semaphore(%run_scoped3A : memref<!tpu.dma_semaphore, #tpu.memory_space<semaphore_mem>>) src(%arg9 : memref<128x128xf32, #tpu.memory_space<vmem>>) dst(%dma_wait3A_249 : memref<1024x128xf32, #tpu.memory_space<vmem_shared>>)
      tpu.yield
    }) : () -> ()
    %dma_wait3A_151 = tpu.memref_slice %arg2[%add3A_148] : memref<160000xi32, #tpu.memory_space<hbm>> -> memref<128xi32, #tpu.memory_space<hbm>>
    %dma_wait3A_152 = tpu.memref_slice %arg2[%add3A_148] : memref<160000xi32, #tpu.memory_space<hbm>> -> memref<128xi32, #tpu.memory_space<hbm>>
    tpu.wait_dma2 semaphore(%arg11 : memref<!tpu.dma_semaphore, #tpu.memory_space<semaphore_mem>>) src(%dma_wait3A_152 : memref<128xi32, #tpu.memory_space<hbm>>) dst(%arg6 : memref<128xi32, #tpu.memory_space<vmem>>)
    %add3A_153 = arith.constant 3200 : i32
    %add3A_154 = arith.addi %mul3A_2, %add3A_153 : i32
    %dma_start3A_155 = tpu.memref_slice %arg2[%add3A_154] : memref<160000xi32, #tpu.memory_space<hbm>> -> memref<128xi32, #tpu.memory_space<hbm>>
    %dma_start3A_156 = tpu.memref_slice %arg2[%add3A_154] : memref<160000xi32, #tpu.memory_space<hbm>> -> memref<128xi32, #tpu.memory_space<hbm>>
    tpu.enqueue_dma source(%dma_start3A_156 : memref<128xi32, #tpu.memory_space<hbm>>) target(%arg7 : memref<128xi32, #tpu.memory_space<vmem>>) target_semaphore(%arg12 : memref<!tpu.dma_semaphore, #tpu.memory_space<semaphore_mem>>)
    "tpu.region"() ({
      %run_scoped3A = tpu.sem_alloc : memref<!tpu.dma_semaphore, #tpu.memory_space<semaphore_mem>>
      %dma_start3A_244 = arith.constant 0 : i32
      %dma_start3A_245 = arith.constant 0 : i32
      %dma_start3A_246 = tpu.memref_slice %arg10[%dma_start3A_244, %dma_start3A_245] : memref<1024x128xf32, #tpu.memory_space<vmem_shared>> -> memref<1024x128xf32, #tpu.memory_space<vmem_shared>>
      tpu.enqueue_indirect_dma source(%arg9 : memref<128x128xf32, #tpu.memory_space<vmem>>) target(%dma_start3A_246 : memref<1024x128xf32, #tpu.memory_space<vmem_shared>>) offsets(%arg6 : memref<128xi32, #tpu.memory_space<vmem>>) semaphore(%run_scoped3A : memref<!tpu.dma_semaphore, #tpu.memory_space<semaphore_mem>>) {add = true}
      %dma_wait3A_247 = arith.constant 0 : i32
      %dma_wait3A_248 = arith.constant 0 : i32
      %dma_wait3A_249 = tpu.memref_slice %arg10[%dma_wait3A_247, %dma_wait3A_248] : memref<1024x128xf32, #tpu.memory_space<vmem_shared>> -> memref<1024x128xf32, #tpu.memory_space<vmem_shared>>
      tpu.wait_indirect_dma semaphore(%run_scoped3A : memref<!tpu.dma_semaphore, #tpu.memory_space<semaphore_mem>>) src(%arg9 : memref<128x128xf32, #tpu.memory_space<vmem>>) dst(%dma_wait3A_249 : memref<1024x128xf32, #tpu.memory_space<vmem_shared>>)
      tpu.yield
    }) : () -> ()
    %dma_wait3A_157 = tpu.memref_slice %arg2[%add3A_154] : memref<160000xi32, #tpu.memory_space<hbm>> -> memref<128xi32, #tpu.memory_space<hbm>>
    %dma_wait3A_158 = tpu.memref_slice %arg2[%add3A_154] : memref<160000xi32, #tpu.memory_space<hbm>> -> memref<128xi32, #tpu.memory_space<hbm>>
    tpu.wait_dma2 semaphore(%arg12 : memref<!tpu.dma_semaphore, #tpu.memory_space<semaphore_mem>>) src(%dma_wait3A_158 : memref<128xi32, #tpu.memory_space<hbm>>) dst(%arg7 : memref<128xi32, #tpu.memory_space<vmem>>)
    %add3A_159 = arith.constant 3328 : i32
    %add3A_160 = arith.addi %mul3A_2, %add3A_159 : i32
    %dma_start3A_161 = tpu.memref_slice %arg2[%add3A_160] : memref<160000xi32, #tpu.memory_space<hbm>> -> memref<128xi32, #tpu.memory_space<hbm>>
    %dma_start3A_162 = tpu.memref_slice %arg2[%add3A_160] : memref<160000xi32, #tpu.memory_space<hbm>> -> memref<128xi32, #tpu.memory_space<hbm>>
    tpu.enqueue_dma source(%dma_start3A_162 : memref<128xi32, #tpu.memory_space<hbm>>) target(%arg6 : memref<128xi32, #tpu.memory_space<vmem>>) target_semaphore(%arg11 : memref<!tpu.dma_semaphore, #tpu.memory_space<semaphore_mem>>)
    "tpu.region"() ({
      %run_scoped3A = tpu.sem_alloc : memref<!tpu.dma_semaphore, #tpu.memory_space<semaphore_mem>>
      %dma_start3A_244 = arith.constant 0 : i32
      %dma_start3A_245 = arith.constant 0 : i32
      %dma_start3A_246 = tpu.memref_slice %arg10[%dma_start3A_244, %dma_start3A_245] : memref<1024x128xf32, #tpu.memory_space<vmem_shared>> -> memref<1024x128xf32, #tpu.memory_space<vmem_shared>>
      tpu.enqueue_indirect_dma source(%arg9 : memref<128x128xf32, #tpu.memory_space<vmem>>) target(%dma_start3A_246 : memref<1024x128xf32, #tpu.memory_space<vmem_shared>>) offsets(%arg7 : memref<128xi32, #tpu.memory_space<vmem>>) semaphore(%run_scoped3A : memref<!tpu.dma_semaphore, #tpu.memory_space<semaphore_mem>>) {add = true}
      %dma_wait3A_247 = arith.constant 0 : i32
      %dma_wait3A_248 = arith.constant 0 : i32
      %dma_wait3A_249 = tpu.memref_slice %arg10[%dma_wait3A_247, %dma_wait3A_248] : memref<1024x128xf32, #tpu.memory_space<vmem_shared>> -> memref<1024x128xf32, #tpu.memory_space<vmem_shared>>
      tpu.wait_indirect_dma semaphore(%run_scoped3A : memref<!tpu.dma_semaphore, #tpu.memory_space<semaphore_mem>>) src(%arg9 : memref<128x128xf32, #tpu.memory_space<vmem>>) dst(%dma_wait3A_249 : memref<1024x128xf32, #tpu.memory_space<vmem_shared>>)
      tpu.yield
    }) : () -> ()
    %dma_wait3A_163 = tpu.memref_slice %arg2[%add3A_160] : memref<160000xi32, #tpu.memory_space<hbm>> -> memref<128xi32, #tpu.memory_space<hbm>>
    %dma_wait3A_164 = tpu.memref_slice %arg2[%add3A_160] : memref<160000xi32, #tpu.memory_space<hbm>> -> memref<128xi32, #tpu.memory_space<hbm>>
    tpu.wait_dma2 semaphore(%arg11 : memref<!tpu.dma_semaphore, #tpu.memory_space<semaphore_mem>>) src(%dma_wait3A_164 : memref<128xi32, #tpu.memory_space<hbm>>) dst(%arg6 : memref<128xi32, #tpu.memory_space<vmem>>)
    %add3A_165 = arith.constant 3456 : i32
    %add3A_166 = arith.addi %mul3A_2, %add3A_165 : i32
    %dma_start3A_167 = tpu.memref_slice %arg2[%add3A_166] : memref<160000xi32, #tpu.memory_space<hbm>> -> memref<128xi32, #tpu.memory_space<hbm>>
    %dma_start3A_168 = tpu.memref_slice %arg2[%add3A_166] : memref<160000xi32, #tpu.memory_space<hbm>> -> memref<128xi32, #tpu.memory_space<hbm>>
    tpu.enqueue_dma source(%dma_start3A_168 : memref<128xi32, #tpu.memory_space<hbm>>) target(%arg7 : memref<128xi32, #tpu.memory_space<vmem>>) target_semaphore(%arg12 : memref<!tpu.dma_semaphore, #tpu.memory_space<semaphore_mem>>)
    "tpu.region"() ({
      %run_scoped3A = tpu.sem_alloc : memref<!tpu.dma_semaphore, #tpu.memory_space<semaphore_mem>>
      %dma_start3A_244 = arith.constant 0 : i32
      %dma_start3A_245 = arith.constant 0 : i32
      %dma_start3A_246 = tpu.memref_slice %arg10[%dma_start3A_244, %dma_start3A_245] : memref<1024x128xf32, #tpu.memory_space<vmem_shared>> -> memref<1024x128xf32, #tpu.memory_space<vmem_shared>>
      tpu.enqueue_indirect_dma source(%arg9 : memref<128x128xf32, #tpu.memory_space<vmem>>) target(%dma_start3A_246 : memref<1024x128xf32, #tpu.memory_space<vmem_shared>>) offsets(%arg6 : memref<128xi32, #tpu.memory_space<vmem>>) semaphore(%run_scoped3A : memref<!tpu.dma_semaphore, #tpu.memory_space<semaphore_mem>>) {add = true}
      %dma_wait3A_247 = arith.constant 0 : i32
      %dma_wait3A_248 = arith.constant 0 : i32
      %dma_wait3A_249 = tpu.memref_slice %arg10[%dma_wait3A_247, %dma_wait3A_248] : memref<1024x128xf32, #tpu.memory_space<vmem_shared>> -> memref<1024x128xf32, #tpu.memory_space<vmem_shared>>
      tpu.wait_indirect_dma semaphore(%run_scoped3A : memref<!tpu.dma_semaphore, #tpu.memory_space<semaphore_mem>>) src(%arg9 : memref<128x128xf32, #tpu.memory_space<vmem>>) dst(%dma_wait3A_249 : memref<1024x128xf32, #tpu.memory_space<vmem_shared>>)
      tpu.yield
    }) : () -> ()
    %dma_wait3A_169 = tpu.memref_slice %arg2[%add3A_166] : memref<160000xi32, #tpu.memory_space<hbm>> -> memref<128xi32, #tpu.memory_space<hbm>>
    %dma_wait3A_170 = tpu.memref_slice %arg2[%add3A_166] : memref<160000xi32, #tpu.memory_space<hbm>> -> memref<128xi32, #tpu.memory_space<hbm>>
    tpu.wait_dma2 semaphore(%arg12 : memref<!tpu.dma_semaphore, #tpu.memory_space<semaphore_mem>>) src(%dma_wait3A_170 : memref<128xi32, #tpu.memory_space<hbm>>) dst(%arg7 : memref<128xi32, #tpu.memory_space<vmem>>)
    %add3A_171 = arith.constant 3584 : i32
    %add3A_172 = arith.addi %mul3A_2, %add3A_171 : i32
    %dma_start3A_173 = tpu.memref_slice %arg2[%add3A_172] : memref<160000xi32, #tpu.memory_space<hbm>> -> memref<128xi32, #tpu.memory_space<hbm>>
    %dma_start3A_174 = tpu.memref_slice %arg2[%add3A_172] : memref<160000xi32, #tpu.memory_space<hbm>> -> memref<128xi32, #tpu.memory_space<hbm>>
    tpu.enqueue_dma source(%dma_start3A_174 : memref<128xi32, #tpu.memory_space<hbm>>) target(%arg6 : memref<128xi32, #tpu.memory_space<vmem>>) target_semaphore(%arg11 : memref<!tpu.dma_semaphore, #tpu.memory_space<semaphore_mem>>)
    "tpu.region"() ({
      %run_scoped3A = tpu.sem_alloc : memref<!tpu.dma_semaphore, #tpu.memory_space<semaphore_mem>>
      %dma_start3A_244 = arith.constant 0 : i32
      %dma_start3A_245 = arith.constant 0 : i32
      %dma_start3A_246 = tpu.memref_slice %arg10[%dma_start3A_244, %dma_start3A_245] : memref<1024x128xf32, #tpu.memory_space<vmem_shared>> -> memref<1024x128xf32, #tpu.memory_space<vmem_shared>>
      tpu.enqueue_indirect_dma source(%arg9 : memref<128x128xf32, #tpu.memory_space<vmem>>) target(%dma_start3A_246 : memref<1024x128xf32, #tpu.memory_space<vmem_shared>>) offsets(%arg7 : memref<128xi32, #tpu.memory_space<vmem>>) semaphore(%run_scoped3A : memref<!tpu.dma_semaphore, #tpu.memory_space<semaphore_mem>>) {add = true}
      %dma_wait3A_247 = arith.constant 0 : i32
      %dma_wait3A_248 = arith.constant 0 : i32
      %dma_wait3A_249 = tpu.memref_slice %arg10[%dma_wait3A_247, %dma_wait3A_248] : memref<1024x128xf32, #tpu.memory_space<vmem_shared>> -> memref<1024x128xf32, #tpu.memory_space<vmem_shared>>
      tpu.wait_indirect_dma semaphore(%run_scoped3A : memref<!tpu.dma_semaphore, #tpu.memory_space<semaphore_mem>>) src(%arg9 : memref<128x128xf32, #tpu.memory_space<vmem>>) dst(%dma_wait3A_249 : memref<1024x128xf32, #tpu.memory_space<vmem_shared>>)
      tpu.yield
    }) : () -> ()
    %dma_wait3A_175 = tpu.memref_slice %arg2[%add3A_172] : memref<160000xi32, #tpu.memory_space<hbm>> -> memref<128xi32, #tpu.memory_space<hbm>>
    %dma_wait3A_176 = tpu.memref_slice %arg2[%add3A_172] : memref<160000xi32, #tpu.memory_space<hbm>> -> memref<128xi32, #tpu.memory_space<hbm>>
    tpu.wait_dma2 semaphore(%arg11 : memref<!tpu.dma_semaphore, #tpu.memory_space<semaphore_mem>>) src(%dma_wait3A_176 : memref<128xi32, #tpu.memory_space<hbm>>) dst(%arg6 : memref<128xi32, #tpu.memory_space<vmem>>)
    %add3A_177 = arith.constant 3712 : i32
    %add3A_178 = arith.addi %mul3A_2, %add3A_177 : i32
    %dma_start3A_179 = tpu.memref_slice %arg2[%add3A_178] : memref<160000xi32, #tpu.memory_space<hbm>> -> memref<128xi32, #tpu.memory_space<hbm>>
    %dma_start3A_180 = tpu.memref_slice %arg2[%add3A_178] : memref<160000xi32, #tpu.memory_space<hbm>> -> memref<128xi32, #tpu.memory_space<hbm>>
    tpu.enqueue_dma source(%dma_start3A_180 : memref<128xi32, #tpu.memory_space<hbm>>) target(%arg7 : memref<128xi32, #tpu.memory_space<vmem>>) target_semaphore(%arg12 : memref<!tpu.dma_semaphore, #tpu.memory_space<semaphore_mem>>)
    "tpu.region"() ({
      %run_scoped3A = tpu.sem_alloc : memref<!tpu.dma_semaphore, #tpu.memory_space<semaphore_mem>>
      %dma_start3A_244 = arith.constant 0 : i32
      %dma_start3A_245 = arith.constant 0 : i32
      %dma_start3A_246 = tpu.memref_slice %arg10[%dma_start3A_244, %dma_start3A_245] : memref<1024x128xf32, #tpu.memory_space<vmem_shared>> -> memref<1024x128xf32, #tpu.memory_space<vmem_shared>>
      tpu.enqueue_indirect_dma source(%arg9 : memref<128x128xf32, #tpu.memory_space<vmem>>) target(%dma_start3A_246 : memref<1024x128xf32, #tpu.memory_space<vmem_shared>>) offsets(%arg6 : memref<128xi32, #tpu.memory_space<vmem>>) semaphore(%run_scoped3A : memref<!tpu.dma_semaphore, #tpu.memory_space<semaphore_mem>>) {add = true}
      %dma_wait3A_247 = arith.constant 0 : i32
      %dma_wait3A_248 = arith.constant 0 : i32
      %dma_wait3A_249 = tpu.memref_slice %arg10[%dma_wait3A_247, %dma_wait3A_248] : memref<1024x128xf32, #tpu.memory_space<vmem_shared>> -> memref<1024x128xf32, #tpu.memory_space<vmem_shared>>
      tpu.wait_indirect_dma semaphore(%run_scoped3A : memref<!tpu.dma_semaphore, #tpu.memory_space<semaphore_mem>>) src(%arg9 : memref<128x128xf32, #tpu.memory_space<vmem>>) dst(%dma_wait3A_249 : memref<1024x128xf32, #tpu.memory_space<vmem_shared>>)
      tpu.yield
    }) : () -> ()
    %dma_wait3A_181 = tpu.memref_slice %arg2[%add3A_178] : memref<160000xi32, #tpu.memory_space<hbm>> -> memref<128xi32, #tpu.memory_space<hbm>>
    %dma_wait3A_182 = tpu.memref_slice %arg2[%add3A_178] : memref<160000xi32, #tpu.memory_space<hbm>> -> memref<128xi32, #tpu.memory_space<hbm>>
    tpu.wait_dma2 semaphore(%arg12 : memref<!tpu.dma_semaphore, #tpu.memory_space<semaphore_mem>>) src(%dma_wait3A_182 : memref<128xi32, #tpu.memory_space<hbm>>) dst(%arg7 : memref<128xi32, #tpu.memory_space<vmem>>)
    %add3A_183 = arith.constant 3840 : i32
    %add3A_184 = arith.addi %mul3A_2, %add3A_183 : i32
    %dma_start3A_185 = tpu.memref_slice %arg2[%add3A_184] : memref<160000xi32, #tpu.memory_space<hbm>> -> memref<128xi32, #tpu.memory_space<hbm>>
    %dma_start3A_186 = tpu.memref_slice %arg2[%add3A_184] : memref<160000xi32, #tpu.memory_space<hbm>> -> memref<128xi32, #tpu.memory_space<hbm>>
    tpu.enqueue_dma source(%dma_start3A_186 : memref<128xi32, #tpu.memory_space<hbm>>) target(%arg6 : memref<128xi32, #tpu.memory_space<vmem>>) target_semaphore(%arg11 : memref<!tpu.dma_semaphore, #tpu.memory_space<semaphore_mem>>)
    "tpu.region"() ({
      %run_scoped3A = tpu.sem_alloc : memref<!tpu.dma_semaphore, #tpu.memory_space<semaphore_mem>>
      %dma_start3A_244 = arith.constant 0 : i32
      %dma_start3A_245 = arith.constant 0 : i32
      %dma_start3A_246 = tpu.memref_slice %arg10[%dma_start3A_244, %dma_start3A_245] : memref<1024x128xf32, #tpu.memory_space<vmem_shared>> -> memref<1024x128xf32, #tpu.memory_space<vmem_shared>>
      tpu.enqueue_indirect_dma source(%arg9 : memref<128x128xf32, #tpu.memory_space<vmem>>) target(%dma_start3A_246 : memref<1024x128xf32, #tpu.memory_space<vmem_shared>>) offsets(%arg7 : memref<128xi32, #tpu.memory_space<vmem>>) semaphore(%run_scoped3A : memref<!tpu.dma_semaphore, #tpu.memory_space<semaphore_mem>>) {add = true}
      %dma_wait3A_247 = arith.constant 0 : i32
      %dma_wait3A_248 = arith.constant 0 : i32
      %dma_wait3A_249 = tpu.memref_slice %arg10[%dma_wait3A_247, %dma_wait3A_248] : memref<1024x128xf32, #tpu.memory_space<vmem_shared>> -> memref<1024x128xf32, #tpu.memory_space<vmem_shared>>
      tpu.wait_indirect_dma semaphore(%run_scoped3A : memref<!tpu.dma_semaphore, #tpu.memory_space<semaphore_mem>>) src(%arg9 : memref<128x128xf32, #tpu.memory_space<vmem>>) dst(%dma_wait3A_249 : memref<1024x128xf32, #tpu.memory_space<vmem_shared>>)
      tpu.yield
    }) : () -> ()
    %dma_wait3A_187 = tpu.memref_slice %arg2[%add3A_184] : memref<160000xi32, #tpu.memory_space<hbm>> -> memref<128xi32, #tpu.memory_space<hbm>>
    %dma_wait3A_188 = tpu.memref_slice %arg2[%add3A_184] : memref<160000xi32, #tpu.memory_space<hbm>> -> memref<128xi32, #tpu.memory_space<hbm>>
    tpu.wait_dma2 semaphore(%arg11 : memref<!tpu.dma_semaphore, #tpu.memory_space<semaphore_mem>>) src(%dma_wait3A_188 : memref<128xi32, #tpu.memory_space<hbm>>) dst(%arg6 : memref<128xi32, #tpu.memory_space<vmem>>)
    %add3A_189 = arith.constant 3968 : i32
    %add3A_190 = arith.addi %mul3A_2, %add3A_189 : i32
    %dma_start3A_191 = tpu.memref_slice %arg2[%add3A_190] : memref<160000xi32, #tpu.memory_space<hbm>> -> memref<128xi32, #tpu.memory_space<hbm>>
    %dma_start3A_192 = tpu.memref_slice %arg2[%add3A_190] : memref<160000xi32, #tpu.memory_space<hbm>> -> memref<128xi32, #tpu.memory_space<hbm>>
    tpu.enqueue_dma source(%dma_start3A_192 : memref<128xi32, #tpu.memory_space<hbm>>) target(%arg7 : memref<128xi32, #tpu.memory_space<vmem>>) target_semaphore(%arg12 : memref<!tpu.dma_semaphore, #tpu.memory_space<semaphore_mem>>)
    "tpu.region"() ({
      %run_scoped3A = tpu.sem_alloc : memref<!tpu.dma_semaphore, #tpu.memory_space<semaphore_mem>>
      %dma_start3A_244 = arith.constant 0 : i32
      %dma_start3A_245 = arith.constant 0 : i32
      %dma_start3A_246 = tpu.memref_slice %arg10[%dma_start3A_244, %dma_start3A_245] : memref<1024x128xf32, #tpu.memory_space<vmem_shared>> -> memref<1024x128xf32, #tpu.memory_space<vmem_shared>>
      tpu.enqueue_indirect_dma source(%arg9 : memref<128x128xf32, #tpu.memory_space<vmem>>) target(%dma_start3A_246 : memref<1024x128xf32, #tpu.memory_space<vmem_shared>>) offsets(%arg6 : memref<128xi32, #tpu.memory_space<vmem>>) semaphore(%run_scoped3A : memref<!tpu.dma_semaphore, #tpu.memory_space<semaphore_mem>>) {add = true}
      %dma_wait3A_247 = arith.constant 0 : i32
      %dma_wait3A_248 = arith.constant 0 : i32
      %dma_wait3A_249 = tpu.memref_slice %arg10[%dma_wait3A_247, %dma_wait3A_248] : memref<1024x128xf32, #tpu.memory_space<vmem_shared>> -> memref<1024x128xf32, #tpu.memory_space<vmem_shared>>
      tpu.wait_indirect_dma semaphore(%run_scoped3A : memref<!tpu.dma_semaphore, #tpu.memory_space<semaphore_mem>>) src(%arg9 : memref<128x128xf32, #tpu.memory_space<vmem>>) dst(%dma_wait3A_249 : memref<1024x128xf32, #tpu.memory_space<vmem_shared>>)
      tpu.yield
    }) : () -> ()
    %dma_wait3A_193 = tpu.memref_slice %arg2[%add3A_190] : memref<160000xi32, #tpu.memory_space<hbm>> -> memref<128xi32, #tpu.memory_space<hbm>>
    %dma_wait3A_194 = tpu.memref_slice %arg2[%add3A_190] : memref<160000xi32, #tpu.memory_space<hbm>> -> memref<128xi32, #tpu.memory_space<hbm>>
    tpu.wait_dma2 semaphore(%arg12 : memref<!tpu.dma_semaphore, #tpu.memory_space<semaphore_mem>>) src(%dma_wait3A_194 : memref<128xi32, #tpu.memory_space<hbm>>) dst(%arg7 : memref<128xi32, #tpu.memory_space<vmem>>)
    %add3A_195 = arith.constant 4096 : i32
    %add3A_196 = arith.addi %mul3A_2, %add3A_195 : i32
    %dma_start3A_197 = tpu.memref_slice %arg2[%add3A_196] : memref<160000xi32, #tpu.memory_space<hbm>> -> memref<128xi32, #tpu.memory_space<hbm>>
    %dma_start3A_198 = tpu.memref_slice %arg2[%add3A_196] : memref<160000xi32, #tpu.memory_space<hbm>> -> memref<128xi32, #tpu.memory_space<hbm>>
    tpu.enqueue_dma source(%dma_start3A_198 : memref<128xi32, #tpu.memory_space<hbm>>) target(%arg6 : memref<128xi32, #tpu.memory_space<vmem>>) target_semaphore(%arg11 : memref<!tpu.dma_semaphore, #tpu.memory_space<semaphore_mem>>)
    "tpu.region"() ({
      %run_scoped3A = tpu.sem_alloc : memref<!tpu.dma_semaphore, #tpu.memory_space<semaphore_mem>>
      %dma_start3A_244 = arith.constant 0 : i32
      %dma_start3A_245 = arith.constant 0 : i32
      %dma_start3A_246 = tpu.memref_slice %arg10[%dma_start3A_244, %dma_start3A_245] : memref<1024x128xf32, #tpu.memory_space<vmem_shared>> -> memref<1024x128xf32, #tpu.memory_space<vmem_shared>>
      tpu.enqueue_indirect_dma source(%arg9 : memref<128x128xf32, #tpu.memory_space<vmem>>) target(%dma_start3A_246 : memref<1024x128xf32, #tpu.memory_space<vmem_shared>>) offsets(%arg7 : memref<128xi32, #tpu.memory_space<vmem>>) semaphore(%run_scoped3A : memref<!tpu.dma_semaphore, #tpu.memory_space<semaphore_mem>>) {add = true}
      %dma_wait3A_247 = arith.constant 0 : i32
      %dma_wait3A_248 = arith.constant 0 : i32
      %dma_wait3A_249 = tpu.memref_slice %arg10[%dma_wait3A_247, %dma_wait3A_248] : memref<1024x128xf32, #tpu.memory_space<vmem_shared>> -> memref<1024x128xf32, #tpu.memory_space<vmem_shared>>
      tpu.wait_indirect_dma semaphore(%run_scoped3A : memref<!tpu.dma_semaphore, #tpu.memory_space<semaphore_mem>>) src(%arg9 : memref<128x128xf32, #tpu.memory_space<vmem>>) dst(%dma_wait3A_249 : memref<1024x128xf32, #tpu.memory_space<vmem_shared>>)
      tpu.yield
    }) : () -> ()
    %dma_wait3A_199 = tpu.memref_slice %arg2[%add3A_196] : memref<160000xi32, #tpu.memory_space<hbm>> -> memref<128xi32, #tpu.memory_space<hbm>>
    %dma_wait3A_200 = tpu.memref_slice %arg2[%add3A_196] : memref<160000xi32, #tpu.memory_space<hbm>> -> memref<128xi32, #tpu.memory_space<hbm>>
    tpu.wait_dma2 semaphore(%arg11 : memref<!tpu.dma_semaphore, #tpu.memory_space<semaphore_mem>>) src(%dma_wait3A_200 : memref<128xi32, #tpu.memory_space<hbm>>) dst(%arg6 : memref<128xi32, #tpu.memory_space<vmem>>)
    %add3A_201 = arith.constant 4224 : i32
    %add3A_202 = arith.addi %mul3A_2, %add3A_201 : i32
    %dma_start3A_203 = tpu.memref_slice %arg2[%add3A_202] : memref<160000xi32, #tpu.memory_space<hbm>> -> memref<128xi32, #tpu.memory_space<hbm>>
    %dma_start3A_204 = tpu.memref_slice %arg2[%add3A_202] : memref<160000xi32, #tpu.memory_space<hbm>> -> memref<128xi32, #tpu.memory_space<hbm>>
    tpu.enqueue_dma source(%dma_start3A_204 : memref<128xi32, #tpu.memory_space<hbm>>) target(%arg7 : memref<128xi32, #tpu.memory_space<vmem>>) target_semaphore(%arg12 : memref<!tpu.dma_semaphore, #tpu.memory_space<semaphore_mem>>)
    "tpu.region"() ({
      %run_scoped3A = tpu.sem_alloc : memref<!tpu.dma_semaphore, #tpu.memory_space<semaphore_mem>>
      %dma_start3A_244 = arith.constant 0 : i32
      %dma_start3A_245 = arith.constant 0 : i32
      %dma_start3A_246 = tpu.memref_slice %arg10[%dma_start3A_244, %dma_start3A_245] : memref<1024x128xf32, #tpu.memory_space<vmem_shared>> -> memref<1024x128xf32, #tpu.memory_space<vmem_shared>>
      tpu.enqueue_indirect_dma source(%arg9 : memref<128x128xf32, #tpu.memory_space<vmem>>) target(%dma_start3A_246 : memref<1024x128xf32, #tpu.memory_space<vmem_shared>>) offsets(%arg6 : memref<128xi32, #tpu.memory_space<vmem>>) semaphore(%run_scoped3A : memref<!tpu.dma_semaphore, #tpu.memory_space<semaphore_mem>>) {add = true}
      %dma_wait3A_247 = arith.constant 0 : i32
      %dma_wait3A_248 = arith.constant 0 : i32
      %dma_wait3A_249 = tpu.memref_slice %arg10[%dma_wait3A_247, %dma_wait3A_248] : memref<1024x128xf32, #tpu.memory_space<vmem_shared>> -> memref<1024x128xf32, #tpu.memory_space<vmem_shared>>
      tpu.wait_indirect_dma semaphore(%run_scoped3A : memref<!tpu.dma_semaphore, #tpu.memory_space<semaphore_mem>>) src(%arg9 : memref<128x128xf32, #tpu.memory_space<vmem>>) dst(%dma_wait3A_249 : memref<1024x128xf32, #tpu.memory_space<vmem_shared>>)
      tpu.yield
    }) : () -> ()
    %dma_wait3A_205 = tpu.memref_slice %arg2[%add3A_202] : memref<160000xi32, #tpu.memory_space<hbm>> -> memref<128xi32, #tpu.memory_space<hbm>>
    %dma_wait3A_206 = tpu.memref_slice %arg2[%add3A_202] : memref<160000xi32, #tpu.memory_space<hbm>> -> memref<128xi32, #tpu.memory_space<hbm>>
    tpu.wait_dma2 semaphore(%arg12 : memref<!tpu.dma_semaphore, #tpu.memory_space<semaphore_mem>>) src(%dma_wait3A_206 : memref<128xi32, #tpu.memory_space<hbm>>) dst(%arg7 : memref<128xi32, #tpu.memory_space<vmem>>)
    %add3A_207 = arith.constant 4352 : i32
    %add3A_208 = arith.addi %mul3A_2, %add3A_207 : i32
    %dma_start3A_209 = tpu.memref_slice %arg2[%add3A_208] : memref<160000xi32, #tpu.memory_space<hbm>> -> memref<128xi32, #tpu.memory_space<hbm>>
    %dma_start3A_210 = tpu.memref_slice %arg2[%add3A_208] : memref<160000xi32, #tpu.memory_space<hbm>> -> memref<128xi32, #tpu.memory_space<hbm>>
    tpu.enqueue_dma source(%dma_start3A_210 : memref<128xi32, #tpu.memory_space<hbm>>) target(%arg6 : memref<128xi32, #tpu.memory_space<vmem>>) target_semaphore(%arg11 : memref<!tpu.dma_semaphore, #tpu.memory_space<semaphore_mem>>)
    "tpu.region"() ({
      %run_scoped3A = tpu.sem_alloc : memref<!tpu.dma_semaphore, #tpu.memory_space<semaphore_mem>>
      %dma_start3A_244 = arith.constant 0 : i32
      %dma_start3A_245 = arith.constant 0 : i32
      %dma_start3A_246 = tpu.memref_slice %arg10[%dma_start3A_244, %dma_start3A_245] : memref<1024x128xf32, #tpu.memory_space<vmem_shared>> -> memref<1024x128xf32, #tpu.memory_space<vmem_shared>>
      tpu.enqueue_indirect_dma source(%arg9 : memref<128x128xf32, #tpu.memory_space<vmem>>) target(%dma_start3A_246 : memref<1024x128xf32, #tpu.memory_space<vmem_shared>>) offsets(%arg7 : memref<128xi32, #tpu.memory_space<vmem>>) semaphore(%run_scoped3A : memref<!tpu.dma_semaphore, #tpu.memory_space<semaphore_mem>>) {add = true}
      %dma_wait3A_247 = arith.constant 0 : i32
      %dma_wait3A_248 = arith.constant 0 : i32
      %dma_wait3A_249 = tpu.memref_slice %arg10[%dma_wait3A_247, %dma_wait3A_248] : memref<1024x128xf32, #tpu.memory_space<vmem_shared>> -> memref<1024x128xf32, #tpu.memory_space<vmem_shared>>
      tpu.wait_indirect_dma semaphore(%run_scoped3A : memref<!tpu.dma_semaphore, #tpu.memory_space<semaphore_mem>>) src(%arg9 : memref<128x128xf32, #tpu.memory_space<vmem>>) dst(%dma_wait3A_249 : memref<1024x128xf32, #tpu.memory_space<vmem_shared>>)
      tpu.yield
    }) : () -> ()
    %dma_wait3A_211 = tpu.memref_slice %arg2[%add3A_208] : memref<160000xi32, #tpu.memory_space<hbm>> -> memref<128xi32, #tpu.memory_space<hbm>>
    %dma_wait3A_212 = tpu.memref_slice %arg2[%add3A_208] : memref<160000xi32, #tpu.memory_space<hbm>> -> memref<128xi32, #tpu.memory_space<hbm>>
    tpu.wait_dma2 semaphore(%arg11 : memref<!tpu.dma_semaphore, #tpu.memory_space<semaphore_mem>>) src(%dma_wait3A_212 : memref<128xi32, #tpu.memory_space<hbm>>) dst(%arg6 : memref<128xi32, #tpu.memory_space<vmem>>)
    %add3A_213 = arith.constant 4480 : i32
    %add3A_214 = arith.addi %mul3A_2, %add3A_213 : i32
    %dma_start3A_215 = tpu.memref_slice %arg2[%add3A_214] : memref<160000xi32, #tpu.memory_space<hbm>> -> memref<128xi32, #tpu.memory_space<hbm>>
    %dma_start3A_216 = tpu.memref_slice %arg2[%add3A_214] : memref<160000xi32, #tpu.memory_space<hbm>> -> memref<128xi32, #tpu.memory_space<hbm>>
    tpu.enqueue_dma source(%dma_start3A_216 : memref<128xi32, #tpu.memory_space<hbm>>) target(%arg7 : memref<128xi32, #tpu.memory_space<vmem>>) target_semaphore(%arg12 : memref<!tpu.dma_semaphore, #tpu.memory_space<semaphore_mem>>)
    "tpu.region"() ({
      %run_scoped3A = tpu.sem_alloc : memref<!tpu.dma_semaphore, #tpu.memory_space<semaphore_mem>>
      %dma_start3A_244 = arith.constant 0 : i32
      %dma_start3A_245 = arith.constant 0 : i32
      %dma_start3A_246 = tpu.memref_slice %arg10[%dma_start3A_244, %dma_start3A_245] : memref<1024x128xf32, #tpu.memory_space<vmem_shared>> -> memref<1024x128xf32, #tpu.memory_space<vmem_shared>>
      tpu.enqueue_indirect_dma source(%arg9 : memref<128x128xf32, #tpu.memory_space<vmem>>) target(%dma_start3A_246 : memref<1024x128xf32, #tpu.memory_space<vmem_shared>>) offsets(%arg6 : memref<128xi32, #tpu.memory_space<vmem>>) semaphore(%run_scoped3A : memref<!tpu.dma_semaphore, #tpu.memory_space<semaphore_mem>>) {add = true}
      %dma_wait3A_247 = arith.constant 0 : i32
      %dma_wait3A_248 = arith.constant 0 : i32
      %dma_wait3A_249 = tpu.memref_slice %arg10[%dma_wait3A_247, %dma_wait3A_248] : memref<1024x128xf32, #tpu.memory_space<vmem_shared>> -> memref<1024x128xf32, #tpu.memory_space<vmem_shared>>
      tpu.wait_indirect_dma semaphore(%run_scoped3A : memref<!tpu.dma_semaphore, #tpu.memory_space<semaphore_mem>>) src(%arg9 : memref<128x128xf32, #tpu.memory_space<vmem>>) dst(%dma_wait3A_249 : memref<1024x128xf32, #tpu.memory_space<vmem_shared>>)
      tpu.yield
    }) : () -> ()
    %dma_wait3A_217 = tpu.memref_slice %arg2[%add3A_214] : memref<160000xi32, #tpu.memory_space<hbm>> -> memref<128xi32, #tpu.memory_space<hbm>>
    %dma_wait3A_218 = tpu.memref_slice %arg2[%add3A_214] : memref<160000xi32, #tpu.memory_space<hbm>> -> memref<128xi32, #tpu.memory_space<hbm>>
    tpu.wait_dma2 semaphore(%arg12 : memref<!tpu.dma_semaphore, #tpu.memory_space<semaphore_mem>>) src(%dma_wait3A_218 : memref<128xi32, #tpu.memory_space<hbm>>) dst(%arg7 : memref<128xi32, #tpu.memory_space<vmem>>)
    %add3A_219 = arith.constant 4608 : i32
    %add3A_220 = arith.addi %mul3A_2, %add3A_219 : i32
    %dma_start3A_221 = tpu.memref_slice %arg2[%add3A_220] : memref<160000xi32, #tpu.memory_space<hbm>> -> memref<128xi32, #tpu.memory_space<hbm>>
    %dma_start3A_222 = tpu.memref_slice %arg2[%add3A_220] : memref<160000xi32, #tpu.memory_space<hbm>> -> memref<128xi32, #tpu.memory_space<hbm>>
    tpu.enqueue_dma source(%dma_start3A_222 : memref<128xi32, #tpu.memory_space<hbm>>) target(%arg6 : memref<128xi32, #tpu.memory_space<vmem>>) target_semaphore(%arg11 : memref<!tpu.dma_semaphore, #tpu.memory_space<semaphore_mem>>)
    "tpu.region"() ({
      %run_scoped3A = tpu.sem_alloc : memref<!tpu.dma_semaphore, #tpu.memory_space<semaphore_mem>>
      %dma_start3A_244 = arith.constant 0 : i32
      %dma_start3A_245 = arith.constant 0 : i32
      %dma_start3A_246 = tpu.memref_slice %arg10[%dma_start3A_244, %dma_start3A_245] : memref<1024x128xf32, #tpu.memory_space<vmem_shared>> -> memref<1024x128xf32, #tpu.memory_space<vmem_shared>>
      tpu.enqueue_indirect_dma source(%arg9 : memref<128x128xf32, #tpu.memory_space<vmem>>) target(%dma_start3A_246 : memref<1024x128xf32, #tpu.memory_space<vmem_shared>>) offsets(%arg7 : memref<128xi32, #tpu.memory_space<vmem>>) semaphore(%run_scoped3A : memref<!tpu.dma_semaphore, #tpu.memory_space<semaphore_mem>>) {add = true}
      %dma_wait3A_247 = arith.constant 0 : i32
      %dma_wait3A_248 = arith.constant 0 : i32
      %dma_wait3A_249 = tpu.memref_slice %arg10[%dma_wait3A_247, %dma_wait3A_248] : memref<1024x128xf32, #tpu.memory_space<vmem_shared>> -> memref<1024x128xf32, #tpu.memory_space<vmem_shared>>
      tpu.wait_indirect_dma semaphore(%run_scoped3A : memref<!tpu.dma_semaphore, #tpu.memory_space<semaphore_mem>>) src(%arg9 : memref<128x128xf32, #tpu.memory_space<vmem>>) dst(%dma_wait3A_249 : memref<1024x128xf32, #tpu.memory_space<vmem_shared>>)
      tpu.yield
    }) : () -> ()
    %dma_wait3A_223 = tpu.memref_slice %arg2[%add3A_220] : memref<160000xi32, #tpu.memory_space<hbm>> -> memref<128xi32, #tpu.memory_space<hbm>>
    %dma_wait3A_224 = tpu.memref_slice %arg2[%add3A_220] : memref<160000xi32, #tpu.memory_space<hbm>> -> memref<128xi32, #tpu.memory_space<hbm>>
    tpu.wait_dma2 semaphore(%arg11 : memref<!tpu.dma_semaphore, #tpu.memory_space<semaphore_mem>>) src(%dma_wait3A_224 : memref<128xi32, #tpu.memory_space<hbm>>) dst(%arg6 : memref<128xi32, #tpu.memory_space<vmem>>)
    %add3A_225 = arith.constant 4736 : i32
    %add3A_226 = arith.addi %mul3A_2, %add3A_225 : i32
    %dma_start3A_227 = tpu.memref_slice %arg2[%add3A_226] : memref<160000xi32, #tpu.memory_space<hbm>> -> memref<128xi32, #tpu.memory_space<hbm>>
    %dma_start3A_228 = tpu.memref_slice %arg2[%add3A_226] : memref<160000xi32, #tpu.memory_space<hbm>> -> memref<128xi32, #tpu.memory_space<hbm>>
    tpu.enqueue_dma source(%dma_start3A_228 : memref<128xi32, #tpu.memory_space<hbm>>) target(%arg7 : memref<128xi32, #tpu.memory_space<vmem>>) target_semaphore(%arg12 : memref<!tpu.dma_semaphore, #tpu.memory_space<semaphore_mem>>)
    "tpu.region"() ({
      %run_scoped3A = tpu.sem_alloc : memref<!tpu.dma_semaphore, #tpu.memory_space<semaphore_mem>>
      %dma_start3A_244 = arith.constant 0 : i32
      %dma_start3A_245 = arith.constant 0 : i32
      %dma_start3A_246 = tpu.memref_slice %arg10[%dma_start3A_244, %dma_start3A_245] : memref<1024x128xf32, #tpu.memory_space<vmem_shared>> -> memref<1024x128xf32, #tpu.memory_space<vmem_shared>>
      tpu.enqueue_indirect_dma source(%arg9 : memref<128x128xf32, #tpu.memory_space<vmem>>) target(%dma_start3A_246 : memref<1024x128xf32, #tpu.memory_space<vmem_shared>>) offsets(%arg6 : memref<128xi32, #tpu.memory_space<vmem>>) semaphore(%run_scoped3A : memref<!tpu.dma_semaphore, #tpu.memory_space<semaphore_mem>>) {add = true}
      %dma_wait3A_247 = arith.constant 0 : i32
      %dma_wait3A_248 = arith.constant 0 : i32
      %dma_wait3A_249 = tpu.memref_slice %arg10[%dma_wait3A_247, %dma_wait3A_248] : memref<1024x128xf32, #tpu.memory_space<vmem_shared>> -> memref<1024x128xf32, #tpu.memory_space<vmem_shared>>
      tpu.wait_indirect_dma semaphore(%run_scoped3A : memref<!tpu.dma_semaphore, #tpu.memory_space<semaphore_mem>>) src(%arg9 : memref<128x128xf32, #tpu.memory_space<vmem>>) dst(%dma_wait3A_249 : memref<1024x128xf32, #tpu.memory_space<vmem_shared>>)
      tpu.yield
    }) : () -> ()
    %dma_wait3A_229 = tpu.memref_slice %arg2[%add3A_226] : memref<160000xi32, #tpu.memory_space<hbm>> -> memref<128xi32, #tpu.memory_space<hbm>>
    %dma_wait3A_230 = tpu.memref_slice %arg2[%add3A_226] : memref<160000xi32, #tpu.memory_space<hbm>> -> memref<128xi32, #tpu.memory_space<hbm>>
    tpu.wait_dma2 semaphore(%arg12 : memref<!tpu.dma_semaphore, #tpu.memory_space<semaphore_mem>>) src(%dma_wait3A_230 : memref<128xi32, #tpu.memory_space<hbm>>) dst(%arg7 : memref<128xi32, #tpu.memory_space<vmem>>)
    %add3A_231 = arith.constant 4864 : i32
    %add3A_232 = arith.addi %mul3A_2, %add3A_231 : i32
    %dma_start3A_233 = tpu.memref_slice %arg2[%add3A_232] : memref<160000xi32, #tpu.memory_space<hbm>> -> memref<128xi32, #tpu.memory_space<hbm>>
    %dma_start3A_234 = tpu.memref_slice %arg2[%add3A_232] : memref<160000xi32, #tpu.memory_space<hbm>> -> memref<128xi32, #tpu.memory_space<hbm>>
    tpu.enqueue_dma source(%dma_start3A_234 : memref<128xi32, #tpu.memory_space<hbm>>) target(%arg6 : memref<128xi32, #tpu.memory_space<vmem>>) target_semaphore(%arg11 : memref<!tpu.dma_semaphore, #tpu.memory_space<semaphore_mem>>)
    "tpu.region"() ({
      %run_scoped3A = tpu.sem_alloc : memref<!tpu.dma_semaphore, #tpu.memory_space<semaphore_mem>>
      %dma_start3A_244 = arith.constant 0 : i32
      %dma_start3A_245 = arith.constant 0 : i32
      %dma_start3A_246 = tpu.memref_slice %arg10[%dma_start3A_244, %dma_start3A_245] : memref<1024x128xf32, #tpu.memory_space<vmem_shared>> -> memref<1024x128xf32, #tpu.memory_space<vmem_shared>>
      tpu.enqueue_indirect_dma source(%arg9 : memref<128x128xf32, #tpu.memory_space<vmem>>) target(%dma_start3A_246 : memref<1024x128xf32, #tpu.memory_space<vmem_shared>>) offsets(%arg7 : memref<128xi32, #tpu.memory_space<vmem>>) semaphore(%run_scoped3A : memref<!tpu.dma_semaphore, #tpu.memory_space<semaphore_mem>>) {add = true}
      %dma_wait3A_247 = arith.constant 0 : i32
      %dma_wait3A_248 = arith.constant 0 : i32
      %dma_wait3A_249 = tpu.memref_slice %arg10[%dma_wait3A_247, %dma_wait3A_248] : memref<1024x128xf32, #tpu.memory_space<vmem_shared>> -> memref<1024x128xf32, #tpu.memory_space<vmem_shared>>
      tpu.wait_indirect_dma semaphore(%run_scoped3A : memref<!tpu.dma_semaphore, #tpu.memory_space<semaphore_mem>>) src(%arg9 : memref<128x128xf32, #tpu.memory_space<vmem>>) dst(%dma_wait3A_249 : memref<1024x128xf32, #tpu.memory_space<vmem_shared>>)
      tpu.yield
    }) : () -> ()
    %dma_wait3A_235 = tpu.memref_slice %arg2[%add3A_232] : memref<160000xi32, #tpu.memory_space<hbm>> -> memref<128xi32, #tpu.memory_space<hbm>>
    %dma_wait3A_236 = tpu.memref_slice %arg2[%add3A_232] : memref<160000xi32, #tpu.memory_space<hbm>> -> memref<128xi32, #tpu.memory_space<hbm>>
    tpu.wait_dma2 semaphore(%arg11 : memref<!tpu.dma_semaphore, #tpu.memory_space<semaphore_mem>>) src(%dma_wait3A_236 : memref<128xi32, #tpu.memory_space<hbm>>) dst(%arg6 : memref<128xi32, #tpu.memory_space<vmem>>)
    "tpu.region"() ({
      %run_scoped3A = tpu.sem_alloc : memref<!tpu.dma_semaphore, #tpu.memory_space<semaphore_mem>>
      %dma_start3A_244 = arith.constant 0 : i32
      %dma_start3A_245 = arith.constant 0 : i32
      %dma_start3A_246 = tpu.memref_slice %arg10[%dma_start3A_244, %dma_start3A_245] : memref<1024x128xf32, #tpu.memory_space<vmem_shared>> -> memref<1024x128xf32, #tpu.memory_space<vmem_shared>>
      tpu.enqueue_indirect_dma source(%arg9 : memref<128x128xf32, #tpu.memory_space<vmem>>) target(%dma_start3A_246 : memref<1024x128xf32, #tpu.memory_space<vmem_shared>>) offsets(%arg6 : memref<128xi32, #tpu.memory_space<vmem>>) semaphore(%run_scoped3A : memref<!tpu.dma_semaphore, #tpu.memory_space<semaphore_mem>>) {add = true}
      %dma_wait3A_247 = arith.constant 0 : i32
      %dma_wait3A_248 = arith.constant 0 : i32
      %dma_wait3A_249 = tpu.memref_slice %arg10[%dma_wait3A_247, %dma_wait3A_248] : memref<1024x128xf32, #tpu.memory_space<vmem_shared>> -> memref<1024x128xf32, #tpu.memory_space<vmem_shared>>
      tpu.wait_indirect_dma semaphore(%run_scoped3A : memref<!tpu.dma_semaphore, #tpu.memory_space<semaphore_mem>>) src(%arg9 : memref<128x128xf32, #tpu.memory_space<vmem>>) dst(%dma_wait3A_249 : memref<1024x128xf32, #tpu.memory_space<vmem_shared>>)
      tpu.yield
    }) : () -> ()
    %add3A_237 = arith.constant 4992 : i32
    %add3A_238 = arith.addi %mul3A_2, %add3A_237 : i32
    "tpu.region"() ({
      %run_scoped3A = tpu.sem_alloc : memref<!tpu.dma_semaphore, #tpu.memory_space<semaphore_mem>>
      %dma_start3A_244 = tpu.memref_slice %arg2[%add3A_238] : memref<160000xi32, #tpu.memory_space<hbm>> -> memref<8xi32, #tpu.memory_space<hbm>>
      %dma_start3A_245 = tpu.memref_slice %arg2[%add3A_238] : memref<160000xi32, #tpu.memory_space<hbm>> -> memref<8xi32, #tpu.memory_space<hbm>>
      tpu.enqueue_dma source(%dma_start3A_245 : memref<8xi32, #tpu.memory_space<hbm>>) target(%arg8 : memref<8xi32, #tpu.memory_space<vmem>>) target_semaphore(%run_scoped3A : memref<!tpu.dma_semaphore, #tpu.memory_space<semaphore_mem>>)
      %dma_wait3A_246 = tpu.memref_slice %arg2[%add3A_238] : memref<160000xi32, #tpu.memory_space<hbm>> -> memref<8xi32, #tpu.memory_space<hbm>>
      %dma_wait3A_247 = tpu.memref_slice %arg2[%add3A_238] : memref<160000xi32, #tpu.memory_space<hbm>> -> memref<8xi32, #tpu.memory_space<hbm>>
      tpu.wait_dma2 semaphore(%run_scoped3A : memref<!tpu.dma_semaphore, #tpu.memory_space<semaphore_mem>>) src(%dma_wait3A_247 : memref<8xi32, #tpu.memory_space<hbm>>) dst(%arg8 : memref<8xi32, #tpu.memory_space<vmem>>)
      tpu.yield
    }) : () -> ()
    "tpu.region"() ({
      %run_scoped3A = tpu.sem_alloc : memref<!tpu.dma_semaphore, #tpu.memory_space<semaphore_mem>>
      %dma_start3A_244 = arith.constant 0 : i32
      %dma_start3A_245 = arith.constant 0 : i32
      %dma_start3A_246 = tpu.memref_slice %arg9[%dma_start3A_244, %dma_start3A_245] : memref<128x128xf32, #tpu.memory_space<vmem>> -> memref<8x128xf32, #tpu.memory_space<vmem>>
      %dma_start3A_247 = arith.constant 0 : i32
      %dma_start3A_248 = arith.constant 0 : i32
      %dma_start3A_249 = tpu.memref_slice %arg10[%dma_start3A_247, %dma_start3A_248] : memref<1024x128xf32, #tpu.memory_space<vmem_shared>> -> memref<1024x128xf32, #tpu.memory_space<vmem_shared>>
      tpu.enqueue_indirect_dma source(%dma_start3A_246 : memref<8x128xf32, #tpu.memory_space<vmem>>) target(%dma_start3A_249 : memref<1024x128xf32, #tpu.memory_space<vmem_shared>>) offsets(%arg8 : memref<8xi32, #tpu.memory_space<vmem>>) semaphore(%run_scoped3A : memref<!tpu.dma_semaphore, #tpu.memory_space<semaphore_mem>>) {add = true}
      %dma_wait3A_250 = arith.constant 0 : i32
      %dma_wait3A_251 = arith.constant 0 : i32
      %dma_wait3A_252 = tpu.memref_slice %arg9[%dma_wait3A_250, %dma_wait3A_251] : memref<128x128xf32, #tpu.memory_space<vmem>> -> memref<8x128xf32, #tpu.memory_space<vmem>>
      %dma_wait3A_253 = arith.constant 0 : i32
      %dma_wait3A_254 = arith.constant 0 : i32
      %dma_wait3A_255 = tpu.memref_slice %arg10[%dma_wait3A_253, %dma_wait3A_254] : memref<1024x128xf32, #tpu.memory_space<vmem_shared>> -> memref<1024x128xf32, #tpu.memory_space<vmem_shared>>
      tpu.wait_indirect_dma semaphore(%run_scoped3A : memref<!tpu.dma_semaphore, #tpu.memory_space<semaphore_mem>>) src(%dma_wait3A_252 : memref<8x128xf32, #tpu.memory_space<vmem>>) dst(%dma_wait3A_255 : memref<1024x128xf32, #tpu.memory_space<vmem_shared>>)
      tpu.yield
    }) : () -> ()
    %barrier3A_239 = arith.constant 0 : index
    tpu.barrier barrier_id(%barrier3A_239)
    %mul3A_240 = arith.constant 64 : i32
    %mul3A_241 = arith.muli %arg1, %mul3A_240 : i32
    %mul3A_242 = arith.constant 64 : i32
    %mul3A_243 = arith.muli %arg1, %mul3A_242 : i32
    "tpu.region"() ({
      %run_scoped3A = tpu.sem_alloc : memref<!tpu.dma_semaphore, #tpu.memory_space<semaphore_mem>>
      %dma_start3A_244 = arith.constant 0 : i32
      %dma_start3A_245 = tpu.memref_slice %arg5[%arg0, %mul3A_243, %dma_start3A_244] : memref<2x1024x128xf32, #tpu.memory_space<hbm>> -> memref<1x64x128xf32, #tpu.memory_space<hbm>>
      %dma_start3A_246 = tpu.memref_squeeze %dma_start3A_245 : memref<1x64x128xf32, #tpu.memory_space<hbm>> -> memref<64x128xf32, #tpu.memory_space<hbm>>
      %dma_start3A_247 = arith.constant 0 : i32
      %dma_start3A_248 = tpu.memref_slice %arg10[%mul3A_241, %dma_start3A_247] : memref<1024x128xf32, #tpu.memory_space<vmem_shared>> -> memref<64x128xf32, #tpu.memory_space<vmem_shared>>
      tpu.enqueue_dma source(%dma_start3A_248 : memref<64x128xf32, #tpu.memory_space<vmem_shared>>) target(%dma_start3A_246 : memref<64x128xf32, #tpu.memory_space<hbm>>) target_semaphore(%run_scoped3A : memref<!tpu.dma_semaphore, #tpu.memory_space<semaphore_mem>>)
      %dma_wait3A_249 = arith.constant 0 : i32
      %dma_wait3A_250 = tpu.memref_slice %arg5[%arg0, %mul3A_243, %dma_wait3A_249] : memref<2x1024x128xf32, #tpu.memory_space<hbm>> -> memref<1x64x128xf32, #tpu.memory_space<hbm>>
      %dma_wait3A_251 = tpu.memref_squeeze %dma_wait3A_250 : memref<1x64x128xf32, #tpu.memory_space<hbm>> -> memref<64x128xf32, #tpu.memory_space<hbm>>
      %dma_wait3A_252 = arith.constant 0 : i32
      %dma_wait3A_253 = tpu.memref_slice %arg10[%mul3A_241, %dma_wait3A_252] : memref<1024x128xf32, #tpu.memory_space<vmem_shared>> -> memref<64x128xf32, #tpu.memory_space<vmem_shared>>
      tpu.wait_dma2 semaphore(%run_scoped3A : memref<!tpu.dma_semaphore, #tpu.memory_space<semaphore_mem>>) src(%dma_wait3A_253 : memref<64x128xf32, #tpu.memory_space<vmem_shared>>) dst(%dma_wait3A_251 : memref<64x128xf32, #tpu.memory_space<hbm>>)
      tpu.yield
    }) : () -> ()
    return
  }
}

module attributes {stable_mosaic.version = 14 : i64} {
  func.func @_pass_a(%arg0: i32, %arg1: memref<1x1x3200xi32, #tpu.memory_space<vmem>>, %arg2: memref<3200x256xf32, #tpu.memory_space<vmem>>, %arg3: memref<1024x256xf32, #tpu.memory_space<vmem>>, %arg4: memref<1024x256xf32, #tpu.memory_space<vmem>>) attributes {dimension_semantics = [#tpu.dimension_semantics<arbitrary>], iteration_bounds = array<i64: 50>, scalar_prefetch = 0 : i64, scratch_operands = 0 : i64, tpu.core_type = #tpu.core_type<tc>, window_params = [{transform_indices = @transform_0, window_bounds = array<i64: 1, 1, 3200>}, {transform_indices = @transform_1, window_bounds = array<i64: 3200, 256>}, {pipeline_mode = #tpu.pipeline_mode<synchronous>, transform_indices = @transform_2, window_bounds = array<i64: 1024, 256>}, {pipeline_mode = #tpu.pipeline_mode<synchronous>, transform_indices = @transform_3, window_bounds = array<i64: 1024, 256>}]} {
    %eq3A = arith.constant 0 : i32
    %eq3A_0 = arith.cmpi eq, %arg0, %eq3A : i32
    %convert_element_type3A = arith.extui %eq3A_0 : i1 to i32
    %cond3A = arith.constant 0 : i32
    %cond3A_1 = arith.cmpi ne, %convert_element_type3A, %cond3A : i32
    scf.if %cond3A_1 {
      %broadcast_in_dim3A = arith.constant 0.000000e+00 : f32
      %broadcast_in_dim3A_31 = vector.broadcast %broadcast_in_dim3A : f32 to vector<1024x256xf32>
      %swap3A_32 = arith.constant 0 : index
      %swap3A_33 = arith.constant 0 : index
      %swap3A_34 = vector.load %arg3[%swap3A_32, %swap3A_33] : memref<1024x256xf32, #tpu.memory_space<vmem>>, vector<1024x256xf32>
      tpu.vector_store %arg3[%swap3A_32, %swap3A_33], %broadcast_in_dim3A_31 {strides = array<i32>} : memref<1024x256xf32, #tpu.memory_space<vmem>>, vector<1024x256xf32>,
      %broadcast_in_dim3A_35 = arith.constant 0.000000e+00 : f32
      %broadcast_in_dim3A_36 = vector.broadcast %broadcast_in_dim3A_35 : f32 to vector<1024x256xf32>
      %swap3A_37 = arith.constant 0 : index
      %swap3A_38 = arith.constant 0 : index
      %swap3A_39 = vector.load %arg4[%swap3A_37, %swap3A_38] : memref<1024x256xf32, #tpu.memory_space<vmem>>, vector<1024x256xf32>
      tpu.vector_store %arg4[%swap3A_37, %swap3A_38], %broadcast_in_dim3A_36 {strides = array<i32>} : memref<1024x256xf32, #tpu.memory_space<vmem>>, vector<1024x256xf32>,
    } else {
    }
    %get3A = arith.constant 0 : index
    %get3A_2 = arith.constant 0 : index
    %get3A_3 = arith.constant 0 : index
    %get3A_4 = vector.load %arg1[%get3A, %get3A_2, %get3A_3] : memref<1x1x3200xi32, #tpu.memory_space<vmem>>, vector<1x1x3200xi32>
    %get3A_5 = vector.shape_cast %get3A_4 : vector<1x1x3200xi32> to vector<1x3200xi32>
    %get3A_6 = arith.constant 0 : index
    %get3A_7 = arith.constant 0 : index
    %get3A_8 = vector.load %arg2[%get3A_6, %get3A_7] : memref<3200x256xf32, #tpu.memory_space<vmem>>, vector<3200x256xf32>
    %iota3A = tpu.iota {dimensions = array<i32: 0>} : vector<1024x3200xi32>
    %eq3A_9 = vector.broadcast %get3A_5 : vector<1x3200xi32> to vector<1024x3200xi32>
    %eq3A_10 = arith.cmpi eq, %iota3A, %eq3A_9 : vector<1024x3200xi32>
    %convert_element_type3A_11 = arith.extui %eq3A_10 : vector<1024x3200xi1> to vector<1024x3200xi32>
    %convert_element_type3A_12 = arith.sitofp %convert_element_type3A_11 : vector<1024x3200xi32> to vector<1024x3200xf32>
    %convert_element_type3A_13 = arith.truncf %convert_element_type3A_12 : vector<1024x3200xf32> to vector<1024x3200xbf16>
    %get3A_14 = arith.constant 0 : index
    %get3A_15 = arith.constant 0 : index
    %get3A_16 = vector.load %arg3[%get3A_14, %get3A_15] : memref<1024x256xf32, #tpu.memory_space<vmem>>, vector<1024x256xf32>
    %convert_element_type3A_17 = arith.truncf %get3A_8 : vector<3200x256xf32> to vector<3200x256xbf16>
    %dot_general3A = arith.constant dense<0.000000e+00> : vector<1024x256xf32>
    %dot_general3A_18 = tpu.matmul %convert_element_type3A_13, %convert_element_type3A_17, %dot_general3A {dimension_numbers = #tpu.dot_dimension_numbers<[1], [0], [0], [1], [0, 0, 1, 1], [], []>, transpose_lhs_hint = false} : vector<1024x3200xbf16>, vector<3200x256xbf16>, vector<1024x256xf32> -> vector<1024x256xf32>
    %add3A = arith.addf %get3A_16, %dot_general3A_18 : vector<1024x256xf32>
    %swap3A = arith.constant 0 : index
    %swap3A_19 = arith.constant 0 : index
    %swap3A_20 = vector.load %arg3[%swap3A, %swap3A_19] : memref<1024x256xf32, #tpu.memory_space<vmem>>, vector<1024x256xf32>
    tpu.vector_store %arg3[%swap3A, %swap3A_19], %add3A {strides = array<i32>} : memref<1024x256xf32, #tpu.memory_space<vmem>>, vector<1024x256xf32>,
    %mul3A = arith.mulf %get3A_8, %get3A_8 : vector<3200x256xf32>
    %convert_element_type3A_21 = arith.truncf %mul3A : vector<3200x256xf32> to vector<3200x256xbf16>
    %get3A_22 = arith.constant 0 : index
    %get3A_23 = arith.constant 0 : index
    %get3A_24 = vector.load %arg4[%get3A_22, %get3A_23] : memref<1024x256xf32, #tpu.memory_space<vmem>>, vector<1024x256xf32>
    %dot_general3A_25 = arith.constant dense<0.000000e+00> : vector<1024x256xf32>
    %dot_general3A_26 = tpu.matmul %convert_element_type3A_13, %convert_element_type3A_21, %dot_general3A_25 {dimension_numbers = #tpu.dot_dimension_numbers<[1], [0], [0], [1], [0, 0, 1, 1], [], []>, transpose_lhs_hint = false} : vector<1024x3200xbf16>, vector<3200x256xbf16>, vector<1024x256xf32> -> vector<1024x256xf32>
    %add3A_27 = arith.addf %get3A_24, %dot_general3A_26 : vector<1024x256xf32>
    %swap3A_28 = arith.constant 0 : index
    %swap3A_29 = arith.constant 0 : index
    %swap3A_30 = vector.load %arg4[%swap3A_28, %swap3A_29] : memref<1024x256xf32, #tpu.memory_space<vmem>>, vector<1024x256xf32>
    tpu.vector_store %arg4[%swap3A_28, %swap3A_29], %add3A_27 {strides = array<i32>} : memref<1024x256xf32, #tpu.memory_space<vmem>>, vector<1024x256xf32>,
    return
  }
  func.func @transform_0(%arg0: i32) -> (i32, i32, i32) {
    %c0_i32 = arith.constant 0 : i32
    %c0_i32_0 = arith.constant 0 : i32
    %c0_i32_1 = arith.constant 0 : i32
    return %arg0, %c0_i32, %c0_i32_0 : i32, i32, i32
  }
  func.func @transform_1(%arg0: i32) -> (i32, i32) {
    %c0_i32 = arith.constant 0 : i32
    %c0_i32_0 = arith.constant 0 : i32
    return %arg0, %c0_i32 : i32, i32
  }
  func.func @transform_2(%arg0: i32) -> (i32, i32) {
    %c0_i32 = arith.constant 0 : i32
    %c0_i32_0 = arith.constant 0 : i32
    %c0_i32_1 = arith.constant 0 : i32
    return %c0_i32, %c0_i32_0 : i32, i32
  }
  func.func @transform_3(%arg0: i32) -> (i32, i32) {
    %c0_i32 = arith.constant 0 : i32
    %c0_i32_0 = arith.constant 0 : i32
    %c0_i32_1 = arith.constant 0 : i32
    return %c0_i32, %c0_i32_0 : i32, i32
  }
}

module attributes {stable_mosaic.version = 14 : i64} {
  func.func @_finalize(%arg0: memref<1024x256xf32, #tpu.memory_space<vmem>>, %arg1: memref<1024x256xf32, #tpu.memory_space<vmem>>, %arg2: memref<2x1024x128xf32, #tpu.memory_space<vmem>>, %arg3: memref<1024x256xbf16, #tpu.memory_space<vmem>>) attributes {dimension_semantics = [], scalar_prefetch = 0 : i64, scratch_operands = 0 : i64, tpu.core_type = #tpu.core_type<tc>} {
    %get3A = arith.constant 0 : index
    %get3A_0 = arith.constant 0 : index
    %get3A_1 = arith.constant 0 : index
    %get3A_2 = vector.load %arg2[%get3A, %get3A_0, %get3A_1] : memref<2x1024x128xf32, #tpu.memory_space<vmem>>, vector<1x1024x1xf32>
    %get3A_3 = vector.shape_cast %get3A_2 : vector<1x1024x1xf32> to vector<1024x1xf32>
    %get3A_4 = arith.constant 1 : index
    %get3A_5 = arith.constant 0 : index
    %get3A_6 = arith.constant 0 : index
    %get3A_7 = vector.load %arg2[%get3A_4, %get3A_5, %get3A_6] : memref<2x1024x128xf32, #tpu.memory_space<vmem>>, vector<1x1024x1xf32>
    %get3A_8 = vector.shape_cast %get3A_7 : vector<1x1024x1xf32> to vector<1024x1xf32>
    %add3A = arith.addf %get3A_3, %get3A_8 : vector<1024x1xf32>
    %max3A = arith.constant 1.000000e+00 : f32
    %max3A_9 = vector.broadcast %max3A : f32 to vector<1024x1xf32>
    %max3A_10 = arith.maximumf %add3A, %max3A_9 : vector<1024x1xf32>
    %get3A_11 = arith.constant 0 : index
    %get3A_12 = arith.constant 0 : index
    %get3A_13 = vector.load %arg0[%get3A_11, %get3A_12] : memref<1024x256xf32, #tpu.memory_space<vmem>>, vector<1024x256xf32>
    %get3A_14 = arith.constant 0 : index
    %get3A_15 = arith.constant 0 : index
    %get3A_16 = vector.load %arg1[%get3A_14, %get3A_15] : memref<1024x256xf32, #tpu.memory_space<vmem>>, vector<1024x256xf32>
    %mul3A = arith.mulf %get3A_13, %get3A_13 : vector<1024x256xf32>
    %div3A = vector.broadcast %max3A_10 : vector<1024x1xf32> to vector<1024x256xf32>
    %div3A_17 = arith.divf %mul3A, %div3A : vector<1024x256xf32>
    %sub3A = arith.subf %get3A_16, %div3A_17 : vector<1024x256xf32>
    %sub3A_18 = arith.constant 1.000000e+00 : f32
    %sub3A_19 = vector.broadcast %sub3A_18 : f32 to vector<1024x1xf32>
    %sub3A_20 = arith.subf %add3A, %sub3A_19 : vector<1024x1xf32>
    %max3A_21 = arith.constant 1.000000e+00 : f32
    %max3A_22 = vector.broadcast %max3A_21 : f32 to vector<1024x1xf32>
    %max3A_23 = arith.maximumf %sub3A_20, %max3A_22 : vector<1024x1xf32>
    %div3A_24 = vector.broadcast %max3A_23 : vector<1024x1xf32> to vector<1024x256xf32>
    %div3A_25 = arith.divf %sub3A, %div3A_24 : vector<1024x256xf32>
    %max3A_26 = arith.constant 0.000000e+00 : f32
    %max3A_27 = vector.broadcast %max3A_26 : f32 to vector<1024x256xf32>
    %max3A_28 = arith.maximumf %div3A_25, %max3A_27 : vector<1024x256xf32>
    %sqrt3A = math.sqrt %max3A_28 : vector<1024x256xf32>
    %convert_element_type3A = arith.truncf %sqrt3A : vector<1024x256xf32> to vector<1024x256xbf16>
    %swap3A = arith.constant 0 : index
    %swap3A_29 = arith.constant 0 : index
    %swap3A_30 = vector.load %arg3[%swap3A, %swap3A_29] : memref<1024x256xbf16, #tpu.memory_space<vmem>>, vector<1024x256xbf16>
    tpu.vector_store %arg3[%swap3A, %swap3A_29], %convert_element_type3A {strides = array<i32>} : memref<1024x256xbf16, #tpu.memory_space<vmem>>, vector<1024x256xbf16>,
    return
  }
}

</mosaic_0001>

<sc_bundles>
// kernel: kernel.5.cloned.1.call-start
scs
__scs_entry_jumppad:
0x0: {  	(pc) =	sbr.rel $0x88, $3  }
0x1: {  	(tag) =	ssettag $0x0;
	lr =	simm.s32 $0x1  }
0x2: {  	[smem:$0x3F9F] =	sst lr;
	_ =	strace $0xD0000000  }
0x3: {  	_ = 	snop  }
0x4: {  	_ = 	snop  }
0x5: {  	_ = 	snop  }
0x6: {  	_ = 	snop  }
0x7: {  	_ = 	snop  }
__scs_overlays_trampoline_lowered:
0x8: {  	[smem:$0x3FAE] =	sst s0  }
0x9: {  	[smem:$0x3FAF] =	sst s1  }
0xa: {  	[smem:$0x3FB0] =	sst s2  }
0xb: {  	[smem:$0x3FB1] =	sst s3  }
0xc: {  	[smem:$0x3FB2] =	sst s4  }
0xd: {  	[smem:$0x3FB3] =	sst s5  }
0xe: {  	[smem:$0x3FB4] =	sst s6  }
0xf: {  	[smem:$0x3FB5] =	sst s7  }
0x10: {  	[smem:$0x3FB6] =	sst s8  }
0x11: {  	[smem:$0x3FB7] =	sst s9;
	s0 =	simm.s32 @!p0 $0x0  }
0x12: {  	s1 =	sld [smem:$0x3F9D];
	s0 =	simm.s32 @p0 $0x1  }
0x13: {  	[smem:$0x3FB8] =	sst s0;
	s0 =	simm.s32 @!p1 $0x0  }
0x14: {  	s2 =	sld [smem:$0x3F9C];
	s0 =	simm.s32 @p1 $0x1  }
0x15: {  	[smem:$0x3FB9] =	sst s0;
	s0 =	simm.s32 @!p2 $0x0  }
0x16: {  	s3 =	sld [smem:$0x3FDB];
	s0 =	simm.s32 @p2 $0x1  }
0x17: {  	s4 =	simm.s32 $0x1BF5;
	[smem:$0x3FBB] =	sst s0  }
0x18: {  	s0 =	sld [smem:$0x3F9E];
	_ =	swait.ge [sflag:s4], $0x0  }
0x19: {  	s7 =	sld [smem:$0x3F9F]  }
0x1a: {  	s8 =	sadd.s32 $0xFFFFE003, lr  }
0x1b: {  	s9 =	sadd.s32 $0xFFFFFEF7, lr;
	s5 =	simm.s32 $0xFFFFFFFF;
	p2 =	slt.u32 s8, $0xFFFFF086  }
0x1c: {  	p1 =	slt.u32 s9, $0xF7A;
	s5 =	simm.s32 @!p2 $0x0  }
0x1d: {  	s5 =	simm.s32 @p1 $0x1;
	p0 =	seq.s32 s7, s2  }
0x1e: {  	s7 =	smul.u32 @!p0 $0xF7A, s2;
	p2 =	seq.s32 @!p0 s5, $0x0  }
0x1f: {  	s9 =	smul.u32 $0xF7A, s1;
	s8 =	simm.s32 @!p0 $0x1BF5;
	p2 =	por !p2, p0  }
0x20: {  	[sflag:s8] =	ssyncset.s32 @!p0 $0xFFFFF086;
	s6 =	sadd.s32 @!p0 s3, s7;
	s7 =	simm.s32 @!p0 $0x108  }
0x21: {  	s3 =	sadd.s32 s3, s9;
	s6 =	sadd.s32 @!p0 $0x88, s6;
	s7 =	simm.s32 @p2 $0x1082  }
0x22: {  	[simem:s7], [sflag:s8] =	dma.local @!p0 [hbm:s6], $0xF7A  }
0x23: {  	s9 =	sor.u32 $0xD0000000, s2;
	s6 =	simm.s32 $0x108;
	_ =	swait.ge @!p0 [sflag:s8], $0x0  }
0x24: {  	s3 =	sadd.s32 $0x88, s3;
	s6 =	simm.s32 @!p1 $0x1082;
	[sflag:s4] =	ssyncset.s32 $0xFFFFF086  }
0x25: {  	[simem:s6], [sflag:s4] =	dma.local [hbm:s3], $0xF7A  }
0x26: {  	[smem:$0x3F9F] =	sst s1;
	(tag) =	ssettag s2;
	_ =	strace s9  }
0x27: {  	s1 =	sld [smem:$0x3FAF]  }
0x28: {  	s2 =	sld [smem:$0x3FB0]  }
0x29: {  	s4 =	sld [smem:$0x3FB2]  }
0x2a: {  	p0 =	seq.s32 s5, $0x0;
	s5 =	sld [smem:$0x3FB3]  }
0x2b: {  	s6 =	sld [smem:$0x3FB4]  }
0x2c: {  	s7 =	sld [smem:$0x3FB5]  }
0x2d: {  	s3 =	simm.s32 $0x108;
	s8 =	sld [smem:$0x3FB6]  }
0x2e: {  	s3 =	simm.s32 @!p0 $0x1082;
	s9 =	sld [smem:$0x3FB7]  }
0x2f: {  	lr =	sadd.s32 s0, s3;
	s0 =	sld [smem:$0x3FAE]  }
0x30: {  	s3 =	sld [smem:$0x3FB1]  }
0x31: {  	[smem:$0x3FBA] =	sst s10  }
0x32: {  	s10 =	sld [smem:$0x3FB8];
	_ =	sdelay $0x3  }
0x33: {  	p0 =	seq.s32 s10, $0x1;
	s10 =	sld [smem:$0x3FBA];
	_ =	sdelay $0x3  }
0x34: {  	[smem:$0x3FBA] =	sst s10  }
0x35: {  	s10 =	sld [smem:$0x3FB9];
	_ =	sdelay $0x3  }
0x36: {  	p1 =	seq.s32 s10, $0x1;
	s10 =	sld [smem:$0x3FBA];
	_ =	sdelay $0x3  }
0x37: {  	[smem:$0x3FBA] =	sst s10  }
0x38: {  	s10 =	sld [smem:$0x3FBB]  }
0x39: {  	_ = 	snop;
	(pc) =	sbr.ind lr, $3  }
0x3a: {  	_ = 	snop  }
0x3b: {  	_ = 	snop  }
0x3c: {  	p2 =	seq.s32 s10, $0x1;
	s10 =	sld [smem:$0x3FBA]  }
0x3d: {  	_ =	shalt  }
0x3e: {  	_ =	shalt  }
0x3f: {  	_ =	shalt  }
0x40: {  	_ =	shalt  }
0x41: {  	_ =	shalt  }
0x42: {  	_ =	shalt  }
0x43: {  	_ =	shalt  }
0x44: {  	_ =	shalt  }
0x45: {  	_ =	shalt  }
0x46: {  	_ =	shalt  }
0x47: {  	_ =	shalt  }
0x48: {  	_ =	shalt  }
0x49: {  	_ =	shalt  }
0x4a: {  	_ =	shalt  }
0x4b: {  	_ =	shalt  }
0x4c: {  	_ =	shalt  }
0x4d: {  	_ =	shalt  }
0x4e: {  	_ =	shalt  }
0x4f: {  	_ =	shalt  }
0x50: {  	_ =	shalt  }
0x51: {  	_ =	shalt  }
0x52: {  	_ =	shalt  }
0x53: {  	_ =	shalt  }
0x54: {  	_ =	shalt  }
0x55: {  	_ =	shalt  }
0x56: {  	_ =	shalt  }
0x57: {  	_ =	shalt  }
0x58: {  	_ =	shalt  }
0x59: {  	_ =	shalt  }
0x5a: {  	_ =	shalt  }
0x5b: {  	_ =	shalt  }
0x5c: {  	_ =	shalt  }
0x5d: {  	_ =	shalt  }
0x5e: {  	_ =	shalt  }
0x5f: {  	_ =	shalt  }
0x60: {  	_ =	shalt  }
0x61: {  	_ =	shalt  }
0x62: {  	_ =	shalt  }
0x63: {  	_ =	shalt  }
0x64: {  	_ =	shalt  }
0x65: {  	_ =	shalt  }
0x66: {  	_ =	shalt  }
0x67: {  	_ =	shalt  }
0x68: {  	_ =	shalt  }
0x69: {  	_ =	shalt  }
0x6a: {  	_ =	shalt  }
0x6b: {  	_ =	shalt  }
0x6c: {  	_ =	shalt  }
0x6d: {  	_ =	shalt  }
0x6e: {  	_ =	shalt  }
0x6f: {  	_ =	shalt  }
0x70: {  	_ =	shalt  }
0x71: {  	_ =	shalt  }
0x72: {  	_ =	shalt  }
0x73: {  	_ =	shalt  }
0x74: {  	_ =	shalt  }
0x75: {  	_ =	shalt  }
0x76: {  	_ =	shalt  }
0x77: {  	_ =	shalt  }
0x78: {  	_ =	shalt  }
0x79: {  	_ =	shalt  }
0x7a: {  	_ =	shalt  }
0x7b: {  	_ =	shalt  }
0x7c: {  	_ =	shalt  }
0x7d: {  	_ =	shalt  }
0x7e: {  	_ =	shalt  }
0x7f: {  	_ =	shalt  }
0x80: {  	_ =	shalt  }
0x81: {  	_ =	shalt  }
0x82: {  	_ =	shalt  }
0x83: {  	_ =	shalt  }
0x84: {  	_ =	shalt  }
0x85: {  	_ =	shalt  }
0x86: {  	_ =	shalt  }
0x87: {  	_ =	shalt  }
.Lfunc_end0:
.L_simem_size_0:
called_computation_lowered:
.L_overlay_start_0:
0x88: {  	s2 =	sld [smem:$0x3FD9]  }
0x89: {  	s3 =	sld [smem:$0x3FFE];
	_ =	sdelay $0x1  }
0x8a: {  	s1 =	srdreg.scid  }
0x8b: {  	s0 =	sand.u32 $0x1, s1  }
0x8c: {  	s17 =	sshll.u32 s0, $0xA;
	s2 =	sadd.s32 s3, s2  }
0x8d: {  	s2 =	sadd.s32 s2, s17  }
0x8e: {  	[smem:$0x3FC6] =	sst s2  }
0x8f: {  	_ = 	snop  }
0x90: {  	s2 =	sld [smem:$0x3FC8]  }
0x91: {  	s18 =	sld [smem:$0x3FD0];
	(tm) =	ssettm $0x1  }
0x92: {  	s4 =	sld [smem:$0x3FFB];
	_ =	sdelay $0x3  }
0x93: {  	_ =	strace s4  }
0x94: {  	s4 =	sld [smem:$0x3FFC];
	_ =	sdelay $0x3  }
0x95: {  	_ =	strace s4  }
0x96: {  	s4 =	sld [smem:$0x3FFD];
	_ =	sdelay $0x3  }
0x97: {  	_ =	strace s4  }
0x98: {  	_ =	strace $0x8FFFFFFF  }
0x99: {  	s19 =	sld [smem:$0x3FDB];
	_ =	sdelay $0x1  }
0x9a: {  	s5 =	simm.s32 $_scs_section_size  }
0x9b: {  	s6 =	simm.s32 $_size__tile_overlayer_lowered;
	s7 =	simm.s32 $_tile_overlayer_lowered  }
0x9c: {  	s22 =	simm.s32 $0x1BFF;
	s21 =	sshll.u32 s7, $0x1;
	s4 =	sadd.s32 s5, s19  }
0x9d: {  	s8 =	simm.s32 $0x0;
	s20 =	sshll.u32 s6, $0x1;
	s6 =	sadd.s32 s21, s4  }
0x9e: {  	[timem:s8], [sflag:s22] =	dma.local [hbm:s6], s20  }
0x9f: {  	_ =	swait.ge [sflag:s22], s20  }
0xa0: {  	s5 =	ssub.s32 $0x0, s20;
	[sflag:s22] =	ssyncset.done $0x0  }
0xa1: {  	[sflag:s22] =	ssyncadd.s32 s5;
	_ =	sdelay $0x1  }
0xa2: {  	s23 =	simm.s32 $0x1B8B  }
0xa3: {  	_ =	swait.ge [sflag:s23], $0x1  }
0xa4: {  	[sflag:s23] =	ssyncset.done $0x0  }
0xa5: {  	s25 =	simm.s32 $0x1B8E;
	s24 =	sld [smem:$0x3FFE];
	[sflag:s23] =	ssyncadd.s32 $0xFFFFFFFF  }
0xa6: {  	s26 =	simm.s32 $execute0_lowered;
	[smem:$0x3FD2] =	sst s25  }
0xa7: {  	s6 =	sshll.u32 s26, $0x1;
	_ =	strace $0x80000046;
	[dreg:$0x1] =	wrdreg $0xFFFFFFFF  }
0xa8: {  	s28 =	simm.s32 $_size_execute0_lowered;
	s4 =	sadd.s32 s4, s6;
	[dreg:$0x0] =	wrdreg $0x0  }
0xa9: {  	s6 =	sshll.u32 s28, $0x1;
	[dreg:$0x2] =	wrdreg s4  }
0xaa: {  	[dreg:$0x3] =	wrdreg s6  }
0xab: {  	[dreg:$0x4] =	wrdreg $0xC0  }
0xac: {  	_ =	task [dreg:s8], $0x5FFFF  }
0xad: {  	[dreg:$0x1] =	wrdreg $0xFFFFFFFF  }
0xae: {  	[dreg:$0x0] =	wrdreg $0x60  }
0xaf: {  	[dreg:$0x2] =	wrdreg s2  }
0xb0: {  	[dreg:$0x3] =	wrdreg s18  }
0xb1: {  	[dreg:$0x4] =	wrdreg s24  }
0xb2: {  	[dreg:$0x5] =	wrdreg $0x41800  }
0xb3: {  	[dreg:$0x6] =	wrdreg $0x9  }
0xb4: {  	_ =	task.clear_ibuf [dreg:s8], $0x7FFFF;
	_ =	strace $0x90000046  }
0xb5: {  	s29 =	simm.s32 $0x9;
	_ =	strace $0x80000048  }
0xb6: {  	_ =	swait.ge [sflag:s29], $0x1  }
0xb7: {  	[sflag:s29] =	ssyncadd.s32 $0xFFFFFFFF  }
0xb8: {  	_ =	strace $0x90000048  }
0xb9: {  	_ =	sfence  }
0xba: {  	s30 =	sld [smem:$0x0];
	_ =	sdelay $0x2  }
0xbb: {  	s31 =	sshll.u32 s1, $0xD;
	s1 =	sshrl.u32 s1, $0x2  }
0xbc: {  	s3 =	sand.u32 $0x4000, s31;
	s1 =	sadd.s32 s1, s30  }
0xbd: {  	s0 =	sor.u32 s3, s0;
	s1 =	sshll.u32 s1, $0x11  }
0xbe: {  	s0 =	sor.u32 s1, s0  }
0xbf: {  	s0 =	sadd.s32 $0x8F2B, s0  }
0xc0: {  	[sflag:s0] =	ssyncadd.remote.s32 $0x1  }
0xc1: {  	_ =	sfence.sel $0xFFFF  }
0xc2: {  	[dreg:$0x0] =	wrdreg $0xFFFFFFFF;
	(pc) =	sbr.abs _section_cstart, $3  }
0xc3: {  	[dreg:$0x1] =	wrdreg $0xFFFFFFFF  }
0xc4: {  	_ =	task.clear_ibuf [dreg:s8], $0x2FFFF;
	_ =	strace $0x9FFFFFFF  }
0xc5: {  	(tm) =	ssettm $0x7FFFFFFF  }
tec
execute0_lowered:
.L_overlay_start_1:
0x0: {  	(tag) =	ssettag $0x1  }
0x1: {  	s0 =	rddreg [dreg:$0x0]  }
0x2: {  	s9 =	stileid.u32;
	s1 =	srdreg.scid  }
0x3: {  	s4 =	rddreg [dreg:$0x1];
	s1 =	sand.u32 $0x1, s1;
	s6 =	sshll.u32 s9, $0x1  }
0x4: {  	s5 =	rddreg [dreg:$0x2];
	s6 =	sor.u32 s1, s6  }
0x5: {  	s2 =	rddreg [dreg:$0x3];
	s3 =	simm.s32 $0x0;
	s6 =	smul.u32 $0x1388, s6  }
0x6: {  	[smem:$0x7FF] =	sst s3;
	s7 =	sadd.s32 $0x800, s5  }
0x7: {  	s8 =	sshll.u32 s9, $0xA;
	_ =	strace $0x80000047;
	s6 =	sshrl.u32 s6, $0x3  }
0x8: {  	[dreg:$0x5] =	wrdreg s7;
	s4 =	sadd.s32 s4, s8;
	s31 =	sadd.s32 s0, s6  }
0x9: {  	[dreg:$0x6] =	wrdreg s4;
	s0 =	sadd.s32 $0x10, s31  }
0xa: {  	s6 =	sadd.s32 $0x20, s31;
	[dreg:$0x7] =	wrdreg s0  }
0xb: {  	s7 =	sadd.s32 $0x30, s31;
	[dreg:$0x8] =	wrdreg s6  }
0xc: {  	s10 =	sadd.s32 $0x40, s31;
	[dreg:$0x9] =	wrdreg s7  }
0xd: {  	s11 =	sadd.s32 $0x50, s31;
	[dreg:$0xa] =	wrdreg s10  }
0xe: {  	s12 =	sadd.s32 $0x60, s31;
	[dreg:$0xb] =	wrdreg s11  }
0xf: {  	s13 =	sadd.s32 $0x70, s31;
	[dreg:$0xc] =	wrdreg s12  }
0x10: {  	s14 =	sadd.s32 $0x80, s31;
	[dreg:$0xd] =	wrdreg s13  }
0x11: {  	s15 =	sadd.s32 $0x90, s31;
	[dreg:$0xe] =	wrdreg s14  }
0x12: {  	s16 =	sadd.s32 $0xA0, s31;
	[dreg:$0xf] =	wrdreg s15  }
0x13: {  	s17 =	sadd.s32 $0xB0, s31;
	[dreg:$0x10] =	wrdreg s16  }
0x14: {  	p0 =	por $0x0, $0x0;
	s18 =	sadd.s32 $0xC0, s31;
	[dreg:$0x11] =	wrdreg s17  }
0x15: {  	s5 =	sadd.s32 s8, s5;
	s19 =	sadd.s32 $0xD0, s31;
	[dreg:$0x12] =	wrdreg s18  }
0x16: {  	s23 =	ssub.s32 $0x2, s1;
	s20 =	sadd.s32 $0xE0, s31;
	[dreg:$0x13] =	wrdreg s19  }
0x17: {  	s25 =	sshrl.u32 s23, $0x1;
	s21 =	sadd.s32 $0xF0, s31;
	[dreg:$0x14] =	wrdreg s20  }
0x18: {  	s22 =	sadd.s32 $0x100, s31;
	s24 =	sadd.s32 $0x110, s31;
	[dreg:$0x15] =	wrdreg s21  }
0x19: {  	s26 =	sadd.s32 $0x120, s31;
	s4 =	sadd.s32 $0x130, s31;
	[dreg:$0x16] =	wrdreg s22  }
0x1a: {  	s8 =	sadd.s32 $0x140, s31;
	s30 =	sadd.s32 $0x180, s31;
	[dreg:$0x17] =	wrdreg s24  }
0x1b: {  	s29 =	sadd.s32 $0x190, s31;
	s28 =	sadd.s32 $0x1A0, s31;
	[dreg:$0x18] =	wrdreg s26  }
0x1c: {  	s6 =	ssub.s32 s23, s25;
	s7 =	sshll.u32 s9, $0xD;
	[dreg:$0x19] =	wrdreg s4  }
0x1d: {  	[dreg:$0x1a] =	wrdreg s8;
	s10 =	sadd.s32 $0x150, s31;
	s11 =	sshll.u32 s9, $0x6  }
0x1e: {  	s12 =	sadd.s32 $0x160, s31;
	s13 =	sadd.s32 $0x170, s31;
	s26 =	sadd.s32 $0x1B0, s31  }
0x1f: {  	s25 =	sadd.s32 $0x1C0, s31;
	s24 =	sadd.s32 $0x1D0, s31;
	s23 =	sadd.s32 $0x1E0, s31  }
0x20: {  	s22 =	sadd.s32 $0x1F0, s31;
	s21 =	sadd.s32 $0x200, s31;
	s20 =	sadd.s32 $0x210, s31  }
0x21: {  	s19 =	sadd.s32 $0x220, s31;
	s18 =	sadd.s32 $0x230, s31;
	s16 =	sadd.s32 $0x240, s31  }
0x22: {  	s14 =	sshll.u32 s1, $0xE;
	s15 =	sadd.s32 $0x250, s31;
	s8 =	sadd.s32 $0x270, s31  }
0x23: {  	s9 =	simm.s32 $0x180;
	[dreg:$0x1b] =	wrdreg s10;
	s17 =	smax.u32 s6, $0x1  }
0x24: {  	s7 =	sadd.s32 s7, s2;
	[dreg:$0x1c] =	wrdreg s12;
	p1 =	sne.s32 s17, $0x1  }
.Ltmp0:
0x25: {  	s4 =	sor.u32 $0x1C03, s11;
	[dreg:$0x1d] =	wrdreg s13;
	(pc) =	sbr.rel @!p1 .LBB2_3-.Ltmp0, $4  }
0x26: {  	s12 =	sadd.s32 $0x260, s31;
	s0 =	sadd.s32 s14, s5;
	s6 =	simm.s32 $0x3  }
0x27: {  	s13 =	simm.s32 $0x1;
	s14 =	simm.s32 $0x80;
	s10 =	simm.s32 $0x100  }
0x28: {  	s11 =	simm.s32 $0x8;
	s5 =	sadd.s32 $0x1000, s0;
	s7 =	sshrl.u32 s7, $0x3  }
0x29: {  	s1 =	sadd.s32 $0xFFFFFFFF, s17;
	s17 =	simm.s32 $0x2;
	s0 =	rddreg [dreg:$0x6]  }
0x2a: {  	[spmem:s7], [sflag:s4] =	dma.local [hbm:s0], $0x400  }
0x2b: {  	_ =	swait.ge [sflag:s6], $0x400  }
0x2c: {  	[sflag:s6] =	ssyncset.done $0x0  }
0x2d: {  	s0 =	rddreg [dreg:$0x5];
	[sflag:s6] =	ssyncadd.s32 $0xFFFFFC00  }
0x2e: {  	[tilespmem:s9], [sflag:$0x3] =	stream.linear.gather [hbm4b:s0+s3], $0x4000, $0x38;
	[tilespmem:$0x6180] =	vst v63  }
0x2f: {  	_ =	swait.ge [sflag:s6], $0x4000  }
0x30: {  	[sflag:s6] =	ssyncset.done $0x0  }
0x31: {  	[sflag:s6] =	ssyncadd.s32 $0xFFFFC000  }
0x32: {  	[bflag:$0x0] =	sbarrier.arrive $0xFFFF  }
0x33: {  	[tilespmem:s3], [sflag:$0x1] =	stream.linear.gather [hbm4b:s31+s3], $0x80, $0x38;
	[tilespmem:$0x6180] =	vst v63  }
0x34: {  	_ =	swait.ge [sflag:s13], $0x80  }
0x35: {  	[sflag:s13] =	ssyncset.done $0x0  }
0x36: {  	s0 =	rddreg [dreg:$0x7];
	[sflag:s13] =	ssyncadd.s32 $0xFFFFFF80  }
0x37: {  	[tilespmem:s14], [sflag:$0x2] =	stream.linear.gather [hbm4b:s0+s3], $0x80, $0x38;
	[tilespmem:$0x6180] =	vst v63  }
0x38: {  	_ = 	snop  }
0x39: {  	[spmem:s2] =	stream.indirect.scatter.add.f32 [tilespmem:s9], [sflag:$0x3], $0x80, s3, s14, $0xb8;
	[tilespmem:$0x6180] =	vst v63  }
0x3a: {  	_ =	swait.ge [sflag:s6], $0x4000  }
0x3b: {  	[sflag:s6] =	ssyncset.done $0x0  }
0x3c: {  	[sflag:s6] =	ssyncadd.s32 $0xFFFFC000  }
0x3d: {  	_ =	swait.ge [sflag:s17], $0x80  }
0x3e: {  	[sflag:s17] =	ssyncset.done $0x0  }
0x3f: {  	s0 =	rddreg [dreg:$0x8];
	[sflag:s17] =	ssyncadd.s32 $0xFFFFFF80  }
0x40: {  	[tilespmem:s3], [sflag:$0x1] =	stream.linear.gather [hbm4b:s0+s3], $0x80, $0x38;
	[tilespmem:$0x6180] =	vst v63  }
0x41: {  	_ = 	snop  }
0x42: {  	[spmem:s2] =	stream.indirect.scatter.add.f32 [tilespmem:s9], [sflag:$0x3], $0x80, s14, s14, $0xb8;
	[tilespmem:$0x6180] =	vst v63  }
0x43: {  	_ =	swait.ge [sflag:s6], $0x4000  }
0x44: {  	[sflag:s6] =	ssyncset.done $0x0  }
0x45: {  	[sflag:s6] =	ssyncadd.s32 $0xFFFFC000  }
0x46: {  	_ =	swait.ge [sflag:s13], $0x80  }
0x47: {  	[sflag:s13] =	ssyncset.done $0x0  }
0x48: {  	s0 =	rddreg [dreg:$0x9];
	[sflag:s13] =	ssyncadd.s32 $0xFFFFFF80  }
0x49: {  	[tilespmem:s14], [sflag:$0x2] =	stream.linear.gather [hbm4b:s0+s3], $0x80, $0x38;
	[tilespmem:$0x6180] =	vst v63  }
0x4a: {  	_ = 	snop  }
0x4b: {  	[spmem:s2] =	stream.indirect.scatter.add.f32 [tilespmem:s9], [sflag:$0x3], $0x80, s3, s14, $0xb8;
	[tilespmem:$0x6180] =	vst v63  }
0x4c: {  	_ =	swait.ge [sflag:s6], $0x4000  }
0x4d: {  	[sflag:s6] =	ssyncset.done $0x0  }
0x4e: {  	[sflag:s6] =	ssyncadd.s32 $0xFFFFC000  }
0x4f: {  	_ =	swait.ge [sflag:s17], $0x80  }
0x50: {  	[sflag:s17] =	ssyncset.done $0x0  }
0x51: {  	s0 =	rddreg [dreg:$0xa];
	[sflag:s17] =	ssyncadd.s32 $0xFFFFFF80  }
0x52: {  	[tilespmem:s3], [sflag:$0x1] =	stream.linear.gather [hbm4b:s0+s3], $0x80, $0x38;
	[tilespmem:$0x6180] =	vst v63  }
0x53: {  	_ = 	snop  }
0x54: {  	[spmem:s2] =	stream.indirect.scatter.add.f32 [tilespmem:s9], [sflag:$0x3], $0x80, s14, s14, $0xb8;
	[tilespmem:$0x6180] =	vst v63  }
0x55: {  	_ =	swait.ge [sflag:s6], $0x4000  }
0x56: {  	[sflag:s6] =	ssyncset.done $0x0  }
0x57: {  	[sflag:s6] =	ssyncadd.s32 $0xFFFFC000  }
0x58: {  	_ =	swait.ge [sflag:s13], $0x80  }
0x59: {  	[sflag:s13] =	ssyncset.done $0x0  }
0x5a: {  	s0 =	rddreg [dreg:$0xb];
	[sflag:s13] =	ssyncadd.s32 $0xFFFFFF80  }
0x5b: {  	[tilespmem:s14], [sflag:$0x2] =	stream.linear.gather [hbm4b:s0+s3], $0x80, $0x38;
	[tilespmem:$0x6180] =	vst v63  }
0x5c: {  	_ = 	snop  }
0x5d: {  	[spmem:s2] =	stream.indirect.scatter.add.f32 [tilespmem:s9], [sflag:$0x3], $0x80, s3, s14, $0xb8;
	[tilespmem:$0x6180] =	vst v63  }
0x5e: {  	_ =	swait.ge [sflag:s6], $0x4000  }
0x5f: {  	[sflag:s6] =	ssyncset.done $0x0  }
0x60: {  	[sflag:s6] =	ssyncadd.s32 $0xFFFFC000  }
0x61: {  	_ =	swait.ge [sflag:s17], $0x80  }
0x62: {  	[sflag:s17] =	ssyncset.done $0x0  }
0x63: {  	s0 =	rddreg [dreg:$0xc];
	[sflag:s17] =	ssyncadd.s32 $0xFFFFFF80  }
0x64: {  	[tilespmem:s3], [sflag:$0x1] =	stream.linear.gather [hbm4b:s0+s3], $0x80, $0x38;
	[tilespmem:$0x6180] =	vst v63  }
0x65: {  	_ = 	snop  }
0x66: {  	[spmem:s2] =	stream.indirect.scatter.add.f32 [tilespmem:s9], [sflag:$0x3], $0x80, s14, s14, $0xb8;
	[tilespmem:$0x6180] =	vst v63  }
0x67: {  	_ =	swait.ge [sflag:s6], $0x4000  }
0x68: {  	[sflag:s6] =	ssyncset.done $0x0  }
0x69: {  	[sflag:s6] =	ssyncadd.s32 $0xFFFFC000  }
0x6a: {  	_ =	swait.ge [sflag:s13], $0x80  }
0x6b: {  	[sflag:s13] =	ssyncset.done $0x0  }
0x6c: {  	s0 =	rddreg [dreg:$0xd];
	[sflag:s13] =	ssyncadd.s32 $0xFFFFFF80  }
0x6d: {  	[tilespmem:s14], [sflag:$0x2] =	stream.linear.gather [hbm4b:s0+s3], $0x80, $0x38;
	[tilespmem:$0x6180] =	vst v63  }
0x6e: {  	_ = 	snop  }
0x6f: {  	[spmem:s2] =	stream.indirect.scatter.add.f32 [tilespmem:s9], [sflag:$0x3], $0x80, s3, s14, $0xb8;
	[tilespmem:$0x6180] =	vst v63  }
0x70: {  	_ =	swait.ge [sflag:s6], $0x4000  }
0x71: {  	[sflag:s6] =	ssyncset.done $0x0  }
0x72: {  	[sflag:s6] =	ssyncadd.s32 $0xFFFFC000  }
0x73: {  	_ =	swait.ge [sflag:s17], $0x80  }
0x74: {  	[sflag:s17] =	ssyncset.done $0x0  }
0x75: {  	s0 =	rddreg [dreg:$0xe];
	[sflag:s17] =	ssyncadd.s32 $0xFFFFFF80  }
0x76: {  	[tilespmem:s3], [sflag:$0x1] =	stream.linear.gather [hbm4b:s0+s3], $0x80, $0x38;
	[tilespmem:$0x6180] =	vst v63  }
0x77: {  	_ = 	snop  }
0x78: {  	[spmem:s2] =	stream.indirect.scatter.add.f32 [tilespmem:s9], [sflag:$0x3], $0x80, s14, s14, $0xb8;
	[tilespmem:$0x6180] =	vst v63  }
0x79: {  	_ =	swait.ge [sflag:s6], $0x4000  }
0x7a: {  	[sflag:s6] =	ssyncset.done $0x0  }
0x7b: {  	[sflag:s6] =	ssyncadd.s32 $0xFFFFC000  }
0x7c: {  	_ =	swait.ge [sflag:s13], $0x80  }
0x7d: {  	[sflag:s13] =	ssyncset.done $0x0  }
0x7e: {  	s0 =	rddreg [dreg:$0xf];
	[sflag:s13] =	ssyncadd.s32 $0xFFFFFF80  }
0x7f: {  	[tilespmem:s14], [sflag:$0x2] =	stream.linear.gather [hbm4b:s0+s3], $0x80, $0x38;
	[tilespmem:$0x6180] =	vst v63  }
0x80: {  	_ = 	snop  }
0x81: {  	[spmem:s2] =	stream.indirect.scatter.add.f32 [tilespmem:s9], [sflag:$0x3], $0x80, s3, s14, $0xb8;
	[tilespmem:$0x6180] =	vst v63  }
0x82: {  	_ =	swait.ge [sflag:s6], $0x4000  }
0x83: {  	[sflag:s6] =	ssyncset.done $0x0  }
0x84: {  	[sflag:s6] =	ssyncadd.s32 $0xFFFFC000  }
0x85: {  	_ =	swait.ge [sflag:s17], $0x80  }
0x86: {  	[sflag:s17] =	ssyncset.done $0x0  }
0x87: {  	s0 =	rddreg [dreg:$0x10];
	[sflag:s17] =	ssyncadd.s32 $0xFFFFFF80  }
0x88: {  	[tilespmem:s3], [sflag:$0x1] =	stream.linear.gather [hbm4b:s0+s3], $0x80, $0x38;
	[tilespmem:$0x6180] =	vst v63  }
0x89: {  	_ = 	snop  }
0x8a: {  	[spmem:s2] =	stream.indirect.scatter.add.f32 [tilespmem:s9], [sflag:$0x3], $0x80, s14, s14, $0xb8;
	[tilespmem:$0x6180] =	vst v63  }
0x8b: {  	_ =	swait.ge [sflag:s6], $0x4000  }
0x8c: {  	[sflag:s6] =	ssyncset.done $0x0  }
0x8d: {  	[sflag:s6] =	ssyncadd.s32 $0xFFFFC000  }
0x8e: {  	_ =	swait.ge [sflag:s13], $0x80  }
0x8f: {  	[sflag:s13] =	ssyncset.done $0x0  }
0x90: {  	s0 =	rddreg [dreg:$0x11];
	[sflag:s13] =	ssyncadd.s32 $0xFFFFFF80  }
0x91: {  	[tilespmem:s14], [sflag:$0x2] =	stream.linear.gather [hbm4b:s0+s3], $0x80, $0x38;
	[tilespmem:$0x6180] =	vst v63  }
0x92: {  	_ = 	snop  }
0x93: {  	[spmem:s2] =	stream.indirect.scatter.add.f32 [tilespmem:s9], [sflag:$0x3], $0x80, s3, s14, $0xb8;
	[tilespmem:$0x6180] =	vst v63  }
0x94: {  	_ =	swait.ge [sflag:s6], $0x4000  }
0x95: {  	[sflag:s6] =	ssyncset.done $0x0  }
0x96: {  	[sflag:s6] =	ssyncadd.s32 $0xFFFFC000  }
0x97: {  	_ =	swait.ge [sflag:s17], $0x80  }
0x98: {  	[sflag:s17] =	ssyncset.done $0x0  }
0x99: {  	s0 =	rddreg [dreg:$0x12];
	[sflag:s17] =	ssyncadd.s32 $0xFFFFFF80  }
0x9a: {  	[tilespmem:s3], [sflag:$0x1] =	stream.linear.gather [hbm4b:s0+s3], $0x80, $0x38;
	[tilespmem:$0x6180] =	vst v63  }
0x9b: {  	_ = 	snop  }
0x9c: {  	[spmem:s2] =	stream.indirect.scatter.add.f32 [tilespmem:s9], [sflag:$0x3], $0x80, s14, s14, $0xb8;
	[tilespmem:$0x6180] =	vst v63  }
0x9d: {  	_ =	swait.ge [sflag:s6], $0x4000  }
0x9e: {  	[sflag:s6] =	ssyncset.done $0x0  }
0x9f: {  	[sflag:s6] =	ssyncadd.s32 $0xFFFFC000  }
0xa0: {  	_ =	swait.ge [sflag:s13], $0x80  }
0xa1: {  	[sflag:s13] =	ssyncset.done $0x0  }
0xa2: {  	s0 =	rddreg [dreg:$0x13];
	[sflag:s13] =	ssyncadd.s32 $0xFFFFFF80  }
0xa3: {  	[tilespmem:s14], [sflag:$0x2] =	stream.linear.gather [hbm4b:s0+s3], $0x80, $0x38;
	[tilespmem:$0x6180] =	vst v63  }
0xa4: {  	_ = 	snop  }
0xa5: {  	[spmem:s2] =	stream.indirect.scatter.add.f32 [tilespmem:s9], [sflag:$0x3], $0x80, s3, s14, $0xb8;
	[tilespmem:$0x6180] =	vst v63  }
0xa6: {  	_ =	swait.ge [sflag:s6], $0x4000  }
0xa7: {  	[sflag:s6] =	ssyncset.done $0x0  }
0xa8: {  	[sflag:s6] =	ssyncadd.s32 $0xFFFFC000  }
0xa9: {  	_ =	swait.ge [sflag:s17], $0x80  }
0xaa: {  	[sflag:s17] =	ssyncset.done $0x0  }
0xab: {  	s0 =	rddreg [dreg:$0x14];
	[sflag:s17] =	ssyncadd.s32 $0xFFFFFF80  }
0xac: {  	[tilespmem:s3], [sflag:$0x1] =	stream.linear.gather [hbm4b:s0+s3], $0x80, $0x38;
	[tilespmem:$0x6180] =	vst v63  }
0xad: {  	_ = 	snop  }
0xae: {  	[spmem:s2] =	stream.indirect.scatter.add.f32 [tilespmem:s9], [sflag:$0x3], $0x80, s14, s14, $0xb8;
	[tilespmem:$0x6180] =	vst v63  }
0xaf: {  	_ =	swait.ge [sflag:s6], $0x4000  }
0xb0: {  	[sflag:s6] =	ssyncset.done $0x0  }
0xb1: {  	[sflag:s6] =	ssyncadd.s32 $0xFFFFC000  }
0xb2: {  	_ =	swait.ge [sflag:s13], $0x80  }
0xb3: {  	[sflag:s13] =	ssyncset.done $0x0  }
0xb4: {  	s0 =	rddreg [dreg:$0x15];
	[sflag:s13] =	ssyncadd.s32 $0xFFFFFF80  }
0xb5: {  	[tilespmem:s14], [sflag:$0x2] =	stream.linear.gather [hbm4b:s0+s3], $0x80, $0x38;
	[tilespmem:$0x6180] =	vst v63  }
0xb6: {  	_ = 	snop  }
0xb7: {  	[spmem:s2] =	stream.indirect.scatter.add.f32 [tilespmem:s9], [sflag:$0x3], $0x80, s3, s14, $0xb8;
	[tilespmem:$0x6180] =	vst v63  }
0xb8: {  	_ =	swait.ge [sflag:s6], $0x4000  }
0xb9: {  	[sflag:s6] =	ssyncset.done $0x0  }
0xba: {  	[sflag:s6] =	ssyncadd.s32 $0xFFFFC000  }
0xbb: {  	_ =	swait.ge [sflag:s17], $0x80  }
0xbc: {  	[sflag:s17] =	ssyncset.done $0x0  }
0xbd: {  	s0 =	rddreg [dreg:$0x16];
	[sflag:s17] =	ssyncadd.s32 $0xFFFFFF80  }
0xbe: {  	[tilespmem:s3], [sflag:$0x1] =	stream.linear.gather [hbm4b:s0+s3], $0x80, $0x38;
	[tilespmem:$0x6180] =	vst v63  }
0xbf: {  	_ = 	snop  }
0xc0: {  	[spmem:s2] =	stream.indirect.scatter.add.f32 [tilespmem:s9], [sflag:$0x3], $0x80, s14, s14, $0xb8;
	[tilespmem:$0x6180] =	vst v63  }
0xc1: {  	_ =	swait.ge [sflag:s6], $0x4000  }
0xc2: {  	[sflag:s6] =	ssyncset.done $0x0  }
0xc3: {  	[sflag:s6] =	ssyncadd.s32 $0xFFFFC000  }
0xc4: {  	_ =	swait.ge [sflag:s13], $0x80  }
0xc5: {  	[sflag:s13] =	ssyncset.done $0x0  }
0xc6: {  	s0 =	rddreg [dreg:$0x17];
	[sflag:s13] =	ssyncadd.s32 $0xFFFFFF80  }
0xc7: {  	[tilespmem:s14], [sflag:$0x2] =	stream.linear.gather [hbm4b:s0+s3], $0x80, $0x38;
	[tilespmem:$0x6180] =	vst v63  }
0xc8: {  	_ = 	snop  }
0xc9: {  	[spmem:s2] =	stream.indirect.scatter.add.f32 [tilespmem:s9], [sflag:$0x3], $0x80, s3, s14, $0xb8;
	[tilespmem:$0x6180] =	vst v63  }
0xca: {  	_ =	swait.ge [sflag:s6], $0x4000  }
0xcb: {  	[sflag:s6] =	ssyncset.done $0x0  }
0xcc: {  	[sflag:s6] =	ssyncadd.s32 $0xFFFFC000  }
0xcd: {  	_ =	swait.ge [sflag:s17], $0x80  }
0xce: {  	[sflag:s17] =	ssyncset.done $0x0  }
0xcf: {  	s0 =	rddreg [dreg:$0x18];
	[sflag:s17] =	ssyncadd.s32 $0xFFFFFF80  }
0xd0: {  	[tilespmem:s3], [sflag:$0x1] =	stream.linear.gather [hbm4b:s0+s3], $0x80, $0x38;
	[tilespmem:$0x6180] =	vst v63  }
0xd1: {  	_ = 	snop  }
0xd2: {  	[spmem:s2] =	stream.indirect.scatter.add.f32 [tilespmem:s9], [sflag:$0x3], $0x80, s14, s14, $0xb8;
	[tilespmem:$0x6180] =	vst v63  }
0xd3: {  	_ =	swait.ge [sflag:s6], $0x4000  }
0xd4: {  	[sflag:s6] =	ssyncset.done $0x0  }
0xd5: {  	[sflag:s6] =	ssyncadd.s32 $0xFFFFC000  }
0xd6: {  	_ =	swait.ge [sflag:s13], $0x80  }
0xd7: {  	[sflag:s13] =	ssyncset.done $0x0  }
0xd8: {  	s0 =	rddreg [dreg:$0x19];
	[sflag:s13] =	ssyncadd.s32 $0xFFFFFF80  }
0xd9: {  	[tilespmem:s14], [sflag:$0x2] =	stream.linear.gather [hbm4b:s0+s3], $0x80, $0x38;
	[tilespmem:$0x6180] =	vst v63  }
0xda: {  	_ = 	snop  }
0xdb: {  	[spmem:s2] =	stream.indirect.scatter.add.f32 [tilespmem:s9], [sflag:$0x3], $0x80, s3, s14, $0xb8;
	[tilespmem:$0x6180] =	vst v63  }
0xdc: {  	_ =	swait.ge [sflag:s6], $0x4000  }
0xdd: {  	[sflag:s6] =	ssyncset.done $0x0  }
0xde: {  	[sflag:s6] =	ssyncadd.s32 $0xFFFFC000  }
0xdf: {  	_ =	swait.ge [sflag:s17], $0x80  }
0xe0: {  	[sflag:s17] =	ssyncset.done $0x0  }
0xe1: {  	s0 =	rddreg [dreg:$0x1a];
	[sflag:s17] =	ssyncadd.s32 $0xFFFFFF80  }
0xe2: {  	[tilespmem:s3], [sflag:$0x1] =	stream.linear.gather [hbm4b:s0+s3], $0x80, $0x38;
	[tilespmem:$0x6180] =	vst v63  }
0xe3: {  	_ = 	snop  }
0xe4: {  	[spmem:s2] =	stream.indirect.scatter.add.f32 [tilespmem:s9], [sflag:$0x3], $0x80, s14, s14, $0xb8;
	[tilespmem:$0x6180] =	vst v63  }
0xe5: {  	_ =	swait.ge [sflag:s6], $0x4000  }
0xe6: {  	[sflag:s6] =	ssyncset.done $0x0  }
0xe7: {  	[sflag:s6] =	ssyncadd.s32 $0xFFFFC000  }
0xe8: {  	_ =	swait.ge [sflag:s13], $0x80  }
0xe9: {  	[sflag:s13] =	ssyncset.done $0x0  }
0xea: {  	s0 =	rddreg [dreg:$0x1b];
	[sflag:s13] =	ssyncadd.s32 $0xFFFFFF80  }
0xeb: {  	[tilespmem:s14], [sflag:$0x2] =	stream.linear.gather [hbm4b:s0+s3], $0x80, $0x38;
	[tilespmem:$0x6180] =	vst v63  }
0xec: {  	_ = 	snop  }
0xed: {  	[spmem:s2] =	stream.indirect.scatter.add.f32 [tilespmem:s9], [sflag:$0x3], $0x80, s3, s14, $0xb8;
	[tilespmem:$0x6180] =	vst v63  }
0xee: {  	_ =	swait.ge [sflag:s6], $0x4000  }
0xef: {  	[sflag:s6] =	ssyncset.done $0x0  }
0xf0: {  	[sflag:s6] =	ssyncadd.s32 $0xFFFFC000  }
0xf1: {  	_ =	swait.ge [sflag:s17], $0x80  }
0xf2: {  	[sflag:s17] =	ssyncset.done $0x0  }
0xf3: {  	s0 =	rddreg [dreg:$0x1c];
	[sflag:s17] =	ssyncadd.s32 $0xFFFFFF80  }
0xf4: {  	[tilespmem:s3], [sflag:$0x1] =	stream.linear.gather [hbm4b:s0+s3], $0x80, $0x38;
	[tilespmem:$0x6180] =	vst v63  }
0xf5: {  	_ = 	snop  }
0xf6: {  	[spmem:s2] =	stream.indirect.scatter.add.f32 [tilespmem:s9], [sflag:$0x3], $0x80, s14, s14, $0xb8;
	[tilespmem:$0x6180] =	vst v63  }
0xf7: {  	_ =	swait.ge [sflag:s6], $0x4000  }
0xf8: {  	[sflag:s6] =	ssyncset.done $0x0  }
0xf9: {  	[sflag:s6] =	ssyncadd.s32 $0xFFFFC000  }
0xfa: {  	_ =	swait.ge [sflag:s13], $0x80  }
0xfb: {  	[sflag:s13] =	ssyncset.done $0x0  }
0xfc: {  	s0 =	rddreg [dreg:$0x1d];
	[sflag:s13] =	ssyncadd.s32 $0xFFFFFF80  }
0xfd: {  	[tilespmem:s14], [sflag:$0x2] =	stream.linear.gather [hbm4b:s0+s3], $0x80, $0x38;
	[tilespmem:$0x6180] =	vst v63  }
0xfe: {  	_ = 	snop  }
0xff: {  	[spmem:s2] =	stream.indirect.scatter.add.f32 [tilespmem:s9], [sflag:$0x3], $0x80, s3, s14, $0xb8;
	[tilespmem:$0x6180] =	vst v63  }
0x100: {  	_ =	swait.ge [sflag:s6], $0x4000  }
0x101: {  	[sflag:s6] =	ssyncset.done $0x0  }
0x102: {  	[sflag:s6] =	ssyncadd.s32 $0xFFFFC000  }
0x103: {  	_ =	swait.ge [sflag:s17], $0x80  }
0x104: {  	[sflag:s17] =	ssyncset.done $0x0  }
0x105: {  	[sflag:s17] =	ssyncadd.s32 $0xFFFFFF80  }
0x106: {  	[tilespmem:s3], [sflag:$0x1] =	stream.linear.gather [hbm4b:s30+s3], $0x80, $0x38;
	[tilespmem:$0x6180] =	vst v63  }
0x107: {  	_ = 	snop  }
0x108: {  	[spmem:s2] =	stream.indirect.scatter.add.f32 [tilespmem:s9], [sflag:$0x3], $0x80, s14, s14, $0xb8;
	[tilespmem:$0x6180] =	vst v63  }
0x109: {  	_ =	swait.ge [sflag:s6], $0x4000  }
0x10a: {  	[sflag:s6] =	ssyncset.done $0x0  }
0x10b: {  	[sflag:s6] =	ssyncadd.s32 $0xFFFFC000  }
0x10c: {  	_ =	swait.ge [sflag:s13], $0x80  }
0x10d: {  	[sflag:s13] =	ssyncset.done $0x0  }
0x10e: {  	[sflag:s13] =	ssyncadd.s32 $0xFFFFFF80  }
0x10f: {  	[tilespmem:s14], [sflag:$0x2] =	stream.linear.gather [hbm4b:s29+s3], $0x80, $0x38;
	[tilespmem:$0x6180] =	vst v63  }
0x110: {  	_ = 	snop  }
0x111: {  	[spmem:s2] =	stream.indirect.scatter.add.f32 [tilespmem:s9], [sflag:$0x3], $0x80, s3, s14, $0xb8;
	[tilespmem:$0x6180] =	vst v63  }
0x112: {  	_ =	swait.ge [sflag:s6], $0x4000  }
0x113: {  	[sflag:s6] =	ssyncset.done $0x0  }
0x114: {  	[sflag:s6] =	ssyncadd.s32 $0xFFFFC000  }
0x115: {  	_ =	swait.ge [sflag:s17], $0x80  }
0x116: {  	[sflag:s17] =	ssyncset.done $0x0  }
0x117: {  	[sflag:s17] =	ssyncadd.s32 $0xFFFFFF80  }
0x118: {  	[tilespmem:s3], [sflag:$0x1] =	stream.linear.gather [hbm4b:s28+s3], $0x80, $0x38;
	[tilespmem:$0x6180] =	vst v63  }
0x119: {  	_ = 	snop  }
0x11a: {  	[spmem:s2] =	stream.indirect.scatter.add.f32 [tilespmem:s9], [sflag:$0x3], $0x80, s14, s14, $0xb8;
	[tilespmem:$0x6180] =	vst v63  }
0x11b: {  	_ =	swait.ge [sflag:s6], $0x4000  }
0x11c: {  	[sflag:s6] =	ssyncset.done $0x0  }
0x11d: {  	[sflag:s6] =	ssyncadd.s32 $0xFFFFC000  }
0x11e: {  	_ =	swait.ge [sflag:s13], $0x80  }
0x11f: {  	[sflag:s13] =	ssyncset.done $0x0  }
0x120: {  	[sflag:s13] =	ssyncadd.s32 $0xFFFFFF80  }
0x121: {  	[tilespmem:s14], [sflag:$0x2] =	stream.linear.gather [hbm4b:s26+s3], $0x80, $0x38;
	[tilespmem:$0x6180] =	vst v63  }
0x122: {  	_ = 	snop  }
0x123: {  	[spmem:s2] =	stream.indirect.scatter.add.f32 [tilespmem:s9], [sflag:$0x3], $0x80, s3, s14, $0xb8;
	[tilespmem:$0x6180] =	vst v63  }
0x124: {  	_ =	swait.ge [sflag:s6], $0x4000  }
0x125: {  	[sflag:s6] =	ssyncset.done $0x0  }
0x126: {  	[sflag:s6] =	ssyncadd.s32 $0xFFFFC000  }
0x127: {  	_ =	swait.ge [sflag:s17], $0x80  }
0x128: {  	[sflag:s17] =	ssyncset.done $0x0  }
0x129: {  	[sflag:s17] =	ssyncadd.s32 $0xFFFFFF80  }
0x12a: {  	[tilespmem:s3], [sflag:$0x1] =	stream.linear.gather [hbm4b:s25+s3], $0x80, $0x38;
	[tilespmem:$0x6180] =	vst v63  }
0x12b: {  	_ = 	snop  }
0x12c: {  	[spmem:s2] =	stream.indirect.scatter.add.f32 [tilespmem:s9], [sflag:$0x3], $0x80, s14, s14, $0xb8;
	[tilespmem:$0x6180] =	vst v63  }
0x12d: {  	_ =	swait.ge [sflag:s6], $0x4000  }
0x12e: {  	[sflag:s6] =	ssyncset.done $0x0  }
0x12f: {  	[sflag:s6] =	ssyncadd.s32 $0xFFFFC000  }
0x130: {  	_ =	swait.ge [sflag:s13], $0x80  }
0x131: {  	[sflag:s13] =	ssyncset.done $0x0  }
0x132: {  	[sflag:s13] =	ssyncadd.s32 $0xFFFFFF80  }
0x133: {  	[tilespmem:s14], [sflag:$0x2] =	stream.linear.gather [hbm4b:s24+s3], $0x80, $0x38;
	[tilespmem:$0x6180] =	vst v63  }
0x134: {  	_ = 	snop  }
0x135: {  	[spmem:s2] =	stream.indirect.scatter.add.f32 [tilespmem:s9], [sflag:$0x3], $0x80, s3, s14, $0xb8;
	[tilespmem:$0x6180] =	vst v63  }
0x136: {  	_ =	swait.ge [sflag:s6], $0x4000  }
0x137: {  	[sflag:s6] =	ssyncset.done $0x0  }
0x138: {  	[sflag:s6] =	ssyncadd.s32 $0xFFFFC000  }
0x139: {  	_ =	swait.ge [sflag:s17], $0x80  }
0x13a: {  	[sflag:s17] =	ssyncset.done $0x0  }
0x13b: {  	[sflag:s17] =	ssyncadd.s32 $0xFFFFFF80  }
0x13c: {  	[tilespmem:s3], [sflag:$0x1] =	stream.linear.gather [hbm4b:s23+s3], $0x80, $0x38;
	[tilespmem:$0x6180] =	vst v63  }
0x13d: {  	_ = 	snop  }
0x13e: {  	[spmem:s2] =	stream.indirect.scatter.add.f32 [tilespmem:s9], [sflag:$0x3], $0x80, s14, s14, $0xb8;
	[tilespmem:$0x6180] =	vst v63  }
0x13f: {  	_ =	swait.ge [sflag:s6], $0x4000  }
0x140: {  	[sflag:s6] =	ssyncset.done $0x0  }
0x141: {  	[sflag:s6] =	ssyncadd.s32 $0xFFFFC000  }
0x142: {  	_ =	swait.ge [sflag:s13], $0x80  }
0x143: {  	[sflag:s13] =	ssyncset.done $0x0  }
0x144: {  	[sflag:s13] =	ssyncadd.s32 $0xFFFFFF80  }
0x145: {  	[tilespmem:s14], [sflag:$0x2] =	stream.linear.gather [hbm4b:s22+s3], $0x80, $0x38;
	[tilespmem:$0x6180] =	vst v63  }
0x146: {  	_ = 	snop  }
0x147: {  	[spmem:s2] =	stream.indirect.scatter.add.f32 [tilespmem:s9], [sflag:$0x3], $0x80, s3, s14, $0xb8;
	[tilespmem:$0x6180] =	vst v63  }
0x148: {  	_ =	swait.ge [sflag:s6], $0x4000  }
0x149: {  	[sflag:s6] =	ssyncset.done $0x0  }
0x14a: {  	[sflag:s6] =	ssyncadd.s32 $0xFFFFC000  }
0x14b: {  	_ =	swait.ge [sflag:s17], $0x80  }
0x14c: {  	[sflag:s17] =	ssyncset.done $0x0  }
0x14d: {  	[sflag:s17] =	ssyncadd.s32 $0xFFFFFF80  }
0x14e: {  	[tilespmem:s3], [sflag:$0x1] =	stream.linear.gather [hbm4b:s21+s3], $0x80, $0x38;
	[tilespmem:$0x6180] =	vst v63  }
0x14f: {  	_ = 	snop  }
0x150: {  	[spmem:s2] =	stream.indirect.scatter.add.f32 [tilespmem:s9], [sflag:$0x3], $0x80, s14, s14, $0xb8;
	[tilespmem:$0x6180] =	vst v63  }
0x151: {  	_ =	swait.ge [sflag:s6], $0x4000  }
0x152: {  	[sflag:s6] =	ssyncset.done $0x0  }
0x153: {  	[sflag:s6] =	ssyncadd.s32 $0xFFFFC000  }
0x154: {  	_ =	swait.ge [sflag:s13], $0x80  }
0x155: {  	[sflag:s13] =	ssyncset.done $0x0  }
0x156: {  	[sflag:s13] =	ssyncadd.s32 $0xFFFFFF80  }
0x157: {  	[tilespmem:s14], [sflag:$0x2] =	stream.linear.gather [hbm4b:s20+s3], $0x80, $0x38;
	[tilespmem:$0x6180] =	vst v63  }
0x158: {  	_ = 	snop  }
0x159: {  	[spmem:s2] =	stream.indirect.scatter.add.f32 [tilespmem:s9], [sflag:$0x3], $0x80, s3, s14, $0xb8;
	[tilespmem:$0x6180] =	vst v63  }
0x15a: {  	_ =	swait.ge [sflag:s6], $0x4000  }
0x15b: {  	[sflag:s6] =	ssyncset.done $0x0  }
0x15c: {  	[sflag:s6] =	ssyncadd.s32 $0xFFFFC000  }
0x15d: {  	_ =	swait.ge [sflag:s17], $0x80  }
0x15e: {  	[sflag:s17] =	ssyncset.done $0x0  }
0x15f: {  	[sflag:s17] =	ssyncadd.s32 $0xFFFFFF80  }
0x160: {  	[tilespmem:s3], [sflag:$0x1] =	stream.linear.gather [hbm4b:s19+s3], $0x80, $0x38;
	[tilespmem:$0x6180] =	vst v63  }
0x161: {  	_ = 	snop  }
0x162: {  	[spmem:s2] =	stream.indirect.scatter.add.f32 [tilespmem:s9], [sflag:$0x3], $0x80, s14, s14, $0xb8;
	[tilespmem:$0x6180] =	vst v63  }
0x163: {  	_ =	swait.ge [sflag:s6], $0x4000  }
0x164: {  	[sflag:s6] =	ssyncset.done $0x0  }
0x165: {  	[sflag:s6] =	ssyncadd.s32 $0xFFFFC000  }
0x166: {  	_ =	swait.ge [sflag:s13], $0x80  }
0x167: {  	[sflag:s13] =	ssyncset.done $0x0  }
0x168: {  	[sflag:s13] =	ssyncadd.s32 $0xFFFFFF80  }
0x169: {  	[tilespmem:s14], [sflag:$0x2] =	stream.linear.gather [hbm4b:s18+s3], $0x80, $0x38;
	[tilespmem:$0x6180] =	vst v63  }
0x16a: {  	_ = 	snop  }
0x16b: {  	[spmem:s2] =	stream.indirect.scatter.add.f32 [tilespmem:s9], [sflag:$0x3], $0x80, s3, s14, $0xb8;
	[tilespmem:$0x6180] =	vst v63  }
0x16c: {  	_ =	swait.ge [sflag:s6], $0x4000  }
0x16d: {  	[sflag:s6] =	ssyncset.done $0x0  }
0x16e: {  	[sflag:s6] =	ssyncadd.s32 $0xFFFFC000  }
0x16f: {  	_ =	swait.ge [sflag:s17], $0x80  }
0x170: {  	[sflag:s17] =	ssyncset.done $0x0  }
0x171: {  	[sflag:s17] =	ssyncadd.s32 $0xFFFFFF80  }
0x172: {  	[tilespmem:s3], [sflag:$0x1] =	stream.linear.gather [hbm4b:s16+s3], $0x80, $0x38;
	[tilespmem:$0x6180] =	vst v63  }
0x173: {  	_ = 	snop  }
0x174: {  	[spmem:s2] =	stream.indirect.scatter.add.f32 [tilespmem:s9], [sflag:$0x3], $0x80, s14, s14, $0xb8;
	[tilespmem:$0x6180] =	vst v63  }
0x175: {  	_ =	swait.ge [sflag:s6], $0x4000  }
0x176: {  	[sflag:s6] =	ssyncset.done $0x0  }
0x177: {  	[sflag:s6] =	ssyncadd.s32 $0xFFFFC000  }
0x178: {  	_ =	swait.ge [sflag:s13], $0x80  }
0x179: {  	[sflag:s13] =	ssyncset.done $0x0  }
0x17a: {  	[sflag:s13] =	ssyncadd.s32 $0xFFFFFF80  }
0x17b: {  	[tilespmem:s14], [sflag:$0x2] =	stream.linear.gather [hbm4b:s15+s3], $0x80, $0x38;
	[tilespmem:$0x6180] =	vst v63  }
0x17c: {  	_ = 	snop  }
0x17d: {  	[spmem:s2] =	stream.indirect.scatter.add.f32 [tilespmem:s9], [sflag:$0x3], $0x80, s3, s14, $0xb8;
	[tilespmem:$0x6180] =	vst v63  }
0x17e: {  	_ =	swait.ge [sflag:s6], $0x4000  }
0x17f: {  	[sflag:s6] =	ssyncset.done $0x0  }
0x180: {  	[sflag:s6] =	ssyncadd.s32 $0xFFFFC000  }
0x181: {  	_ =	swait.ge [sflag:s17], $0x80  }
0x182: {  	[sflag:s17] =	ssyncset.done $0x0  }
0x183: {  	[sflag:s17] =	ssyncadd.s32 $0xFFFFFF80  }
0x184: {  	[tilespmem:s3], [sflag:$0x1] =	stream.linear.gather [hbm4b:s12+s3], $0x80, $0x38;
	[tilespmem:$0x6180] =	vst v63  }
0x185: {  	_ = 	snop  }
0x186: {  	[spmem:s2] =	stream.indirect.scatter.add.f32 [tilespmem:s9], [sflag:$0x3], $0x80, s14, s14, $0xb8;
	[tilespmem:$0x6180] =	vst v63  }
0x187: {  	_ =	swait.ge [sflag:s6], $0x4000  }
0x188: {  	[sflag:s6] =	ssyncset.done $0x0  }
0x189: {  	[sflag:s6] =	ssyncadd.s32 $0xFFFFC000  }
0x18a: {  	_ =	swait.ge [sflag:s13], $0x80  }
0x18b: {  	[sflag:s13] =	ssyncset.done $0x0  }
0x18c: {  	[sflag:s13] =	ssyncadd.s32 $0xFFFFFF80  }
0x18d: {  	[spmem:s2] =	stream.indirect.scatter.add.f32 [tilespmem:s9], [sflag:$0x3], $0x80, s3, s14, $0xb8;
	[tilespmem:$0x6180] =	vst v63  }
0x18e: {  	_ =	swait.ge [sflag:s6], $0x4000  }
0x18f: {  	[sflag:s6] =	ssyncset.done $0x0  }
0x190: {  	[sflag:s6] =	ssyncadd.s32 $0xFFFFC000  }
0x191: {  	[tilespmem:s10], [sflag:$0x3] =	stream.linear.gather [hbm4b:s8+s3], $0x8, $0x38;
	[tilespmem:$0x6180] =	vst v63  }
0x192: {  	_ =	swait.ge [sflag:s6], $0x8  }
0x193: {  	[sflag:s6] =	ssyncset.done $0x0  }
0x194: {  	[sflag:s6] =	ssyncadd.s32 $0xFFFFFFF8  }
0x195: {  	[spmem:s2] =	stream.indirect.scatter.add.f32 [tilespmem:s9], [sflag:$0x3], $0x80, s10, s11, $0xb8;
	[tilespmem:$0x6180] =	vst v63  }
0x196: {  	_ =	swait.ge [sflag:s6], $0x400  }
0x197: {  	p1 =	sne.s32 s1, $0x1;
	[sflag:s6] =	ssyncset.done $0x0  }
.Ltmp1:
0x198: {  	[sflag:s6] =	ssyncadd.s32 $0xFFFFFC00;
	(pc) =	sbr.rel @!p1 .LBB2_3-.Ltmp1, $4  }
0x199: {  	[bflag:$0x0] =	sbarrier.arrive $0xFFFF  }
0x19a: {  	[hbm:s5], [sflag:s4] =	dma.local [spmem:s7], $0x400  }
0x19b: {  	s1 =	sadd.s32 $0xFFFFFFFF, s1;
	_ =	swait.ge [sflag:s6], $0x400  }
0x19c: {  	p0 =	por $0x1, $0x1;
	s0 =	rddreg [dreg:$0x6];
	[sflag:s6] =	ssyncset.done $0x0  }
.LBB2_2:
0x19d: {  	[sflag:s6] =	ssyncadd.s32 $0xFFFFFC00  }
0x19e: {  	[spmem:s7], [sflag:s4] =	dma.local [hbm:s0], $0x400  }
0x19f: {  	_ =	swait.ge [sflag:s6], $0x400  }
0x1a0: {  	[sflag:s6] =	ssyncset.done $0x0  }
0x1a1: {  	s0 =	rddreg [dreg:$0x5];
	[sflag:s6] =	ssyncadd.s32 $0xFFFFFC00  }
0x1a2: {  	[tilespmem:s9], [sflag:$0x3] =	stream.linear.gather [hbm4b:s0+s3], $0x4000, $0x38;
	[tilespmem:$0x6180] =	vst v63  }
0x1a3: {  	_ =	swait.ge [sflag:s6], $0x4000  }
0x1a4: {  	[sflag:s6] =	ssyncset.done $0x0  }
0x1a5: {  	[sflag:s6] =	ssyncadd.s32 $0xFFFFC000  }
0x1a6: {  	[bflag:$0x0] =	sbarrier.arrive $0xFFFF  }
0x1a7: {  	[tilespmem:s3], [sflag:$0x1] =	stream.linear.gather [hbm4b:s31+s3], $0x80, $0x38;
	[tilespmem:$0x6180] =	vst v63  }
0x1a8: {  	_ =	swait.ge [sflag:s13], $0x80  }
0x1a9: {  	[sflag:s13] =	ssyncset.done $0x0  }
0x1aa: {  	s0 =	rddreg [dreg:$0x7];
	[sflag:s13] =	ssyncadd.s32 $0xFFFFFF80  }
0x1ab: {  	[tilespmem:s14], [sflag:$0x2] =	stream.linear.gather [hbm4b:s0+s3], $0x80, $0x38;
	[tilespmem:$0x6180] =	vst v63  }
0x1ac: {  	_ = 	snop  }
0x1ad: {  	[spmem:s2] =	stream.indirect.scatter.add.f32 [tilespmem:s9], [sflag:$0x3], $0x80, s3, s14, $0xb8;
	[tilespmem:$0x6180] =	vst v63  }
0x1ae: {  	_ =	swait.ge [sflag:s6], $0x4000  }
0x1af: {  	[sflag:s6] =	ssyncset.done $0x0  }
0x1b0: {  	[sflag:s6] =	ssyncadd.s32 $0xFFFFC000  }
0x1b1: {  	_ =	swait.ge [sflag:s17], $0x80  }
0x1b2: {  	[sflag:s17] =	ssyncset.done $0x0  }
0x1b3: {  	s0 =	rddreg [dreg:$0x8];
	[sflag:s17] =	ssyncadd.s32 $0xFFFFFF80  }
0x1b4: {  	[tilespmem:s3], [sflag:$0x1] =	stream.linear.gather [hbm4b:s0+s3], $0x80, $0x38;
	[tilespmem:$0x6180] =	vst v63  }
0x1b5: {  	_ = 	snop  }
0x1b6: {  	[spmem:s2] =	stream.indirect.scatter.add.f32 [tilespmem:s9], [sflag:$0x3], $0x80, s14, s14, $0xb8;
	[tilespmem:$0x6180] =	vst v63  }
0x1b7: {  	_ =	swait.ge [sflag:s6], $0x4000  }
0x1b8: {  	[sflag:s6] =	ssyncset.done $0x0  }
0x1b9: {  	[sflag:s6] =	ssyncadd.s32 $0xFFFFC000  }
0x1ba: {  	_ =	swait.ge [sflag:s13], $0x80  }
0x1bb: {  	[sflag:s13] =	ssyncset.done $0x0  }
0x1bc: {  	s0 =	rddreg [dreg:$0x9];
	[sflag:s13] =	ssyncadd.s32 $0xFFFFFF80  }
0x1bd: {  	[tilespmem:s14], [sflag:$0x2] =	stream.linear.gather [hbm4b:s0+s3], $0x80, $0x38;
	[tilespmem:$0x6180] =	vst v63  }
0x1be: {  	_ = 	snop  }
0x1bf: {  	[spmem:s2] =	stream.indirect.scatter.add.f32 [tilespmem:s9], [sflag:$0x3], $0x80, s3, s14, $0xb8;
	[tilespmem:$0x6180] =	vst v63  }
0x1c0: {  	_ =	swait.ge [sflag:s6], $0x4000  }
0x1c1: {  	[sflag:s6] =	ssyncset.done $0x0  }
0x1c2: {  	[sflag:s6] =	ssyncadd.s32 $0xFFFFC000  }
0x1c3: {  	_ =	swait.ge [sflag:s17], $0x80  }
0x1c4: {  	[sflag:s17] =	ssyncset.done $0x0  }
0x1c5: {  	s0 =	rddreg [dreg:$0xa];
	[sflag:s17] =	ssyncadd.s32 $0xFFFFFF80  }
0x1c6: {  	[tilespmem:s3], [sflag:$0x1] =	stream.linear.gather [hbm4b:s0+s3], $0x80, $0x38;
	[tilespmem:$0x6180] =	vst v63  }
0x1c7: {  	_ = 	snop  }
0x1c8: {  	[spmem:s2] =	stream.indirect.scatter.add.f32 [tilespmem:s9], [sflag:$0x3], $0x80, s14, s14, $0xb8;
	[tilespmem:$0x6180] =	vst v63  }
0x1c9: {  	_ =	swait.ge [sflag:s6], $0x4000  }
0x1ca: {  	[sflag:s6] =	ssyncset.done $0x0  }
0x1cb: {  	[sflag:s6] =	ssyncadd.s32 $0xFFFFC000  }
0x1cc: {  	_ =	swait.ge [sflag:s13], $0x80  }
0x1cd: {  	[sflag:s13] =	ssyncset.done $0x0  }
0x1ce: {  	s0 =	rddreg [dreg:$0xb];
	[sflag:s13] =	ssyncadd.s32 $0xFFFFFF80  }
0x1cf: {  	[tilespmem:s14], [sflag:$0x2] =	stream.linear.gather [hbm4b:s0+s3], $0x80, $0x38;
	[tilespmem:$0x6180] =	vst v63  }
0x1d0: {  	_ = 	snop  }
0x1d1: {  	[spmem:s2] =	stream.indirect.scatter.add.f32 [tilespmem:s9], [sflag:$0x3], $0x80, s3, s14, $0xb8;
	[tilespmem:$0x6180] =	vst v63  }
0x1d2: {  	_ =	swait.ge [sflag:s6], $0x4000  }
0x1d3: {  	[sflag:s6] =	ssyncset.done $0x0  }
0x1d4: {  	[sflag:s6] =	ssyncadd.s32 $0xFFFFC000  }
0x1d5: {  	_ =	swait.ge [sflag:s17], $0x80  }
0x1d6: {  	[sflag:s17] =	ssyncset.done $0x0  }
0x1d7: {  	s0 =	rddreg [dreg:$0xc];
	[sflag:s17] =	ssyncadd.s32 $0xFFFFFF80  }
0x1d8: {  	[tilespmem:s3], [sflag:$0x1] =	stream.linear.gather [hbm4b:s0+s3], $0x80, $0x38;
	[tilespmem:$0x6180] =	vst v63  }
0x1d9: {  	_ = 	snop  }
0x1da: {  	[spmem:s2] =	stream.indirect.scatter.add.f32 [tilespmem:s9], [sflag:$0x3], $0x80, s14, s14, $0xb8;
	[tilespmem:$0x6180] =	vst v63  }
0x1db: {  	_ =	swait.ge [sflag:s6], $0x4000  }
0x1dc: {  	[sflag:s6] =	ssyncset.done $0x0  }
0x1dd: {  	[sflag:s6] =	ssyncadd.s32 $0xFFFFC000  }
0x1de: {  	_ =	swait.ge [sflag:s13], $0x80  }
0x1df: {  	[sflag:s13] =	ssyncset.done $0x0  }
0x1e0: {  	s0 =	rddreg [dreg:$0xd];
	[sflag:s13] =	ssyncadd.s32 $0xFFFFFF80  }
0x1e1: {  	[tilespmem:s14], [sflag:$0x2] =	stream.linear.gather [hbm4b:s0+s3], $0x80, $0x38;
	[tilespmem:$0x6180] =	vst v63  }
0x1e2: {  	_ = 	snop  }
0x1e3: {  	[spmem:s2] =	stream.indirect.scatter.add.f32 [tilespmem:s9], [sflag:$0x3], $0x80, s3, s14, $0xb8;
	[tilespmem:$0x6180] =	vst v63  }
0x1e4: {  	_ =	swait.ge [sflag:s6], $0x4000  }
0x1e5: {  	[sflag:s6] =	ssyncset.done $0x0  }
0x1e6: {  	[sflag:s6] =	ssyncadd.s32 $0xFFFFC000  }
0x1e7: {  	_ =	swait.ge [sflag:s17], $0x80  }
0x1e8: {  	[sflag:s17] =	ssyncset.done $0x0  }
0x1e9: {  	s0 =	rddreg [dreg:$0xe];
	[sflag:s17] =	ssyncadd.s32 $0xFFFFFF80  }
0x1ea: {  	[tilespmem:s3], [sflag:$0x1] =	stream.linear.gather [hbm4b:s0+s3], $0x80, $0x38;
	[tilespmem:$0x6180] =	vst v63  }
0x1eb: {  	_ = 	snop  }
0x1ec: {  	[spmem:s2] =	stream.indirect.scatter.add.f32 [tilespmem:s9], [sflag:$0x3], $0x80, s14, s14, $0xb8;
	[tilespmem:$0x6180] =	vst v63  }
0x1ed: {  	_ =	swait.ge [sflag:s6], $0x4000  }
0x1ee: {  	[sflag:s6] =	ssyncset.done $0x0  }
0x1ef: {  	[sflag:s6] =	ssyncadd.s32 $0xFFFFC000  }
0x1f0: {  	_ =	swait.ge [sflag:s13], $0x80  }
0x1f1: {  	[sflag:s13] =	ssyncset.done $0x0  }
0x1f2: {  	s0 =	rddreg [dreg:$0xf];
	[sflag:s13] =	ssyncadd.s32 $0xFFFFFF80  }
0x1f3: {  	[tilespmem:s14], [sflag:$0x2] =	stream.linear.gather [hbm4b:s0+s3], $0x80, $0x38;
	[tilespmem:$0x6180] =	vst v63  }
0x1f4: {  	_ = 	snop  }
0x1f5: {  	[spmem:s2] =	stream.indirect.scatter.add.f32 [tilespmem:s9], [sflag:$0x3], $0x80, s3, s14, $0xb8;
	[tilespmem:$0x6180] =	vst v63  }
0x1f6: {  	_ =	swait.ge [sflag:s6], $0x4000  }
0x1f7: {  	[sflag:s6] =	ssyncset.done $0x0  }
0x1f8: {  	[sflag:s6] =	ssyncadd.s32 $0xFFFFC000  }
0x1f9: {  	_ =	swait.ge [sflag:s17], $0x80  }
0x1fa: {  	[sflag:s17] =	ssyncset.done $0x0  }
0x1fb: {  	s0 =	rddreg [dreg:$0x10];
	[sflag:s17] =	ssyncadd.s32 $0xFFFFFF80  }
0x1fc: {  	[tilespmem:s3], [sflag:$0x1] =	stream.linear.gather [hbm4b:s0+s3], $0x80, $0x38;
	[tilespmem:$0x6180] =	vst v63  }
0x1fd: {  	_ = 	snop  }
0x1fe: {  	[spmem:s2] =	stream.indirect.scatter.add.f32 [tilespmem:s9], [sflag:$0x3], $0x80, s14, s14, $0xb8;
	[tilespmem:$0x6180] =	vst v63  }
0x1ff: {  	_ =	swait.ge [sflag:s6], $0x4000  }
0x200: {  	[sflag:s6] =	ssyncset.done $0x0  }
0x201: {  	[sflag:s6] =	ssyncadd.s32 $0xFFFFC000  }
0x202: {  	_ =	swait.ge [sflag:s13], $0x80  }
0x203: {  	[sflag:s13] =	ssyncset.done $0x0  }
0x204: {  	s0 =	rddreg [dreg:$0x11];
	[sflag:s13] =	ssyncadd.s32 $0xFFFFFF80  }
0x205: {  	[tilespmem:s14], [sflag:$0x2] =	stream.linear.gather [hbm4b:s0+s3], $0x80, $0x38;
	[tilespmem:$0x6180] =	vst v63  }
0x206: {  	_ = 	snop  }
0x207: {  	[spmem:s2] =	stream.indirect.scatter.add.f32 [tilespmem:s9], [sflag:$0x3], $0x80, s3, s14, $0xb8;
	[tilespmem:$0x6180] =	vst v63  }
0x208: {  	_ =	swait.ge [sflag:s6], $0x4000  }
0x209: {  	[sflag:s6] =	ssyncset.done $0x0  }
0x20a: {  	[sflag:s6] =	ssyncadd.s32 $0xFFFFC000  }
0x20b: {  	_ =	swait.ge [sflag:s17], $0x80  }
0x20c: {  	[sflag:s17] =	ssyncset.done $0x0  }
0x20d: {  	s0 =	rddreg [dreg:$0x12];
	[sflag:s17] =	ssyncadd.s32 $0xFFFFFF80  }
0x20e: {  	[tilespmem:s3], [sflag:$0x1] =	stream.linear.gather [hbm4b:s0+s3], $0x80, $0x38;
	[tilespmem:$0x6180] =	vst v63  }
0x20f: {  	_ = 	snop  }
0x210: {  	[spmem:s2] =	stream.indirect.scatter.add.f32 [tilespmem:s9], [sflag:$0x3], $0x80, s14, s14, $0xb8;
	[tilespmem:$0x6180] =	vst v63  }
0x211: {  	_ =	swait.ge [sflag:s6], $0x4000  }
0x212: {  	[sflag:s6] =	ssyncset.done $0x0  }
0x213: {  	[sflag:s6] =	ssyncadd.s32 $0xFFFFC000  }
0x214: {  	_ =	swait.ge [sflag:s13], $0x80  }
0x215: {  	[sflag:s13] =	ssyncset.done $0x0  }
0x216: {  	s0 =	rddreg [dreg:$0x13];
	[sflag:s13] =	ssyncadd.s32 $0xFFFFFF80  }
0x217: {  	[tilespmem:s14], [sflag:$0x2] =	stream.linear.gather [hbm4b:s0+s3], $0x80, $0x38;
	[tilespmem:$0x6180] =	vst v63  }
0x218: {  	_ = 	snop  }
0x219: {  	[spmem:s2] =	stream.indirect.scatter.add.f32 [tilespmem:s9], [sflag:$0x3], $0x80, s3, s14, $0xb8;
	[tilespmem:$0x6180] =	vst v63  }
0x21a: {  	_ =	swait.ge [sflag:s6], $0x4000  }
0x21b: {  	[sflag:s6] =	ssyncset.done $0x0  }
0x21c: {  	[sflag:s6] =	ssyncadd.s32 $0xFFFFC000  }
0x21d: {  	_ =	swait.ge [sflag:s17], $0x80  }
0x21e: {  	[sflag:s17] =	ssyncset.done $0x0  }
0x21f: {  	s0 =	rddreg [dreg:$0x14];
	[sflag:s17] =	ssyncadd.s32 $0xFFFFFF80  }
0x220: {  	[tilespmem:s3], [sflag:$0x1] =	stream.linear.gather [hbm4b:s0+s3], $0x80, $0x38;
	[tilespmem:$0x6180] =	vst v63  }
0x221: {  	_ = 	snop  }
0x222: {  	[spmem:s2] =	stream.indirect.scatter.add.f32 [tilespmem:s9], [sflag:$0x3], $0x80, s14, s14, $0xb8;
	[tilespmem:$0x6180] =	vst v63  }
0x223: {  	_ =	swait.ge [sflag:s6], $0x4000  }
0x224: {  	[sflag:s6] =	ssyncset.done $0x0  }
0x225: {  	[sflag:s6] =	ssyncadd.s32 $0xFFFFC000  }
0x226: {  	_ =	swait.ge [sflag:s13], $0x80  }
0x227: {  	[sflag:s13] =	ssyncset.done $0x0  }
0x228: {  	s0 =	rddreg [dreg:$0x15];
	[sflag:s13] =	ssyncadd.s32 $0xFFFFFF80  }
0x229: {  	[tilespmem:s14], [sflag:$0x2] =	stream.linear.gather [hbm4b:s0+s3], $0x80, $0x38;
	[tilespmem:$0x6180] =	vst v63  }
0x22a: {  	_ = 	snop  }
0x22b: {  	[spmem:s2] =	stream.indirect.scatter.add.f32 [tilespmem:s9], [sflag:$0x3], $0x80, s3, s14, $0xb8;
	[tilespmem:$0x6180] =	vst v63  }
0x22c: {  	_ =	swait.ge [sflag:s6], $0x4000  }
0x22d: {  	[sflag:s6] =	ssyncset.done $0x0  }
0x22e: {  	[sflag:s6] =	ssyncadd.s32 $0xFFFFC000  }
0x22f: {  	_ =	swait.ge [sflag:s17], $0x80  }
0x230: {  	[sflag:s17] =	ssyncset.done $0x0  }
0x231: {  	s0 =	rddreg [dreg:$0x16];
	[sflag:s17] =	ssyncadd.s32 $0xFFFFFF80  }
0x232: {  	[tilespmem:s3], [sflag:$0x1] =	stream.linear.gather [hbm4b:s0+s3], $0x80, $0x38;
	[tilespmem:$0x6180] =	vst v63  }
0x233: {  	_ = 	snop  }
0x234: {  	[spmem:s2] =	stream.indirect.scatter.add.f32 [tilespmem:s9], [sflag:$0x3], $0x80, s14, s14, $0xb8;
	[tilespmem:$0x6180] =	vst v63  }
0x235: {  	_ =	swait.ge [sflag:s6], $0x4000  }
0x236: {  	[sflag:s6] =	ssyncset.done $0x0  }
0x237: {  	[sflag:s6] =	ssyncadd.s32 $0xFFFFC000  }
0x238: {  	_ =	swait.ge [sflag:s13], $0x80  }
0x239: {  	[sflag:s13] =	ssyncset.done $0x0  }
0x23a: {  	s0 =	rddreg [dreg:$0x17];
	[sflag:s13] =	ssyncadd.s32 $0xFFFFFF80  }
0x23b: {  	[tilespmem:s14], [sflag:$0x2] =	stream.linear.gather [hbm4b:s0+s3], $0x80, $0x38;
	[tilespmem:$0x6180] =	vst v63  }
0x23c: {  	_ = 	snop  }
0x23d: {  	[spmem:s2] =	stream.indirect.scatter.add.f32 [tilespmem:s9], [sflag:$0x3], $0x80, s3, s14, $0xb8;
	[tilespmem:$0x6180] =	vst v63  }
0x23e: {  	_ =	swait.ge [sflag:s6], $0x4000  }
0x23f: {  	[sflag:s6] =	ssyncset.done $0x0  }
0x240: {  	[sflag:s6] =	ssyncadd.s32 $0xFFFFC000  }
0x241: {  	_ =	swait.ge [sflag:s17], $0x80  }
0x242: {  	[sflag:s17] =	ssyncset.done $0x0  }
0x243: {  	s0 =	rddreg [dreg:$0x18];
	[sflag:s17] =	ssyncadd.s32 $0xFFFFFF80  }
0x244: {  	[tilespmem:s3], [sflag:$0x1] =	stream.linear.gather [hbm4b:s0+s3], $0x80, $0x38;
	[tilespmem:$0x6180] =	vst v63  }
0x245: {  	_ = 	snop  }
0x246: {  	[spmem:s2] =	stream.indirect.scatter.add.f32 [tilespmem:s9], [sflag:$0x3], $0x80, s14, s14, $0xb8;
	[tilespmem:$0x6180] =	vst v63  }
0x247: {  	_ =	swait.ge [sflag:s6], $0x4000  }
0x248: {  	[sflag:s6] =	ssyncset.done $0x0  }
0x249: {  	[sflag:s6] =	ssyncadd.s32 $0xFFFFC000  }
0x24a: {  	_ =	swait.ge [sflag:s13], $0x80  }
0x24b: {  	[sflag:s13] =	ssyncset.done $0x0  }
0x24c: {  	s0 =	rddreg [dreg:$0x19];
	[sflag:s13] =	ssyncadd.s32 $0xFFFFFF80  }
0x24d: {  	[tilespmem:s14], [sflag:$0x2] =	stream.linear.gather [hbm4b:s0+s3], $0x80, $0x38;
	[tilespmem:$0x6180] =	vst v63  }
0x24e: {  	_ = 	snop  }
0x24f: {  	[spmem:s2] =	stream.indirect.scatter.add.f32 [tilespmem:s9], [sflag:$0x3], $0x80, s3, s14, $0xb8;
	[tilespmem:$0x6180] =	vst v63  }
0x250: {  	_ =	swait.ge [sflag:s6], $0x4000  }
0x251: {  	[sflag:s6] =	ssyncset.done $0x0  }
0x252: {  	[sflag:s6] =	ssyncadd.s32 $0xFFFFC000  }
0x253: {  	_ =	swait.ge [sflag:s17], $0x80  }
0x254: {  	[sflag:s17] =	ssyncset.done $0x0  }
0x255: {  	s0 =	rddreg [dreg:$0x1a];
	[sflag:s17] =	ssyncadd.s32 $0xFFFFFF80  }
0x256: {  	[tilespmem:s3], [sflag:$0x1] =	stream.linear.gather [hbm4b:s0+s3], $0x80, $0x38;
	[tilespmem:$0x6180] =	vst v63  }
0x257: {  	_ = 	snop  }
0x258: {  	[spmem:s2] =	stream.indirect.scatter.add.f32 [tilespmem:s9], [sflag:$0x3], $0x80, s14, s14, $0xb8;
	[tilespmem:$0x6180] =	vst v63  }
0x259: {  	_ =	swait.ge [sflag:s6], $0x4000  }
0x25a: {  	[sflag:s6] =	ssyncset.done $0x0  }
0x25b: {  	[sflag:s6] =	ssyncadd.s32 $0xFFFFC000  }
0x25c: {  	_ =	swait.ge [sflag:s13], $0x80  }
0x25d: {  	[sflag:s13] =	ssyncset.done $0x0  }
0x25e: {  	s0 =	rddreg [dreg:$0x1b];
	[sflag:s13] =	ssyncadd.s32 $0xFFFFFF80  }
0x25f: {  	[tilespmem:s14], [sflag:$0x2] =	stream.linear.gather [hbm4b:s0+s3], $0x80, $0x38;
	[tilespmem:$0x6180] =	vst v63  }
0x260: {  	_ = 	snop  }
0x261: {  	[spmem:s2] =	stream.indirect.scatter.add.f32 [tilespmem:s9], [sflag:$0x3], $0x80, s3, s14, $0xb8;
	[tilespmem:$0x6180] =	vst v63  }
0x262: {  	_ =	swait.ge [sflag:s6], $0x4000  }
0x263: {  	[sflag:s6] =	ssyncset.done $0x0  }
0x264: {  	[sflag:s6] =	ssyncadd.s32 $0xFFFFC000  }
0x265: {  	_ =	swait.ge [sflag:s17], $0x80  }
0x266: {  	[sflag:s17] =	ssyncset.done $0x0  }
0x267: {  	s0 =	rddreg [dreg:$0x1c];
	[sflag:s17] =	ssyncadd.s32 $0xFFFFFF80  }
0x268: {  	[tilespmem:s3], [sflag:$0x1] =	stream.linear.gather [hbm4b:s0+s3], $0x80, $0x38;
	[tilespmem:$0x6180] =	vst v63  }
0x269: {  	_ = 	snop  }
0x26a: {  	[spmem:s2] =	stream.indirect.scatter.add.f32 [tilespmem:s9], [sflag:$0x3], $0x80, s14, s14, $0xb8;
	[tilespmem:$0x6180] =	vst v63  }
0x26b: {  	_ =	swait.ge [sflag:s6], $0x4000  }
0x26c: {  	[sflag:s6] =	ssyncset.done $0x0  }
0x26d: {  	[sflag:s6] =	ssyncadd.s32 $0xFFFFC000  }
0x26e: {  	_ =	swait.ge [sflag:s13], $0x80  }
0x26f: {  	[sflag:s13] =	ssyncset.done $0x0  }
0x270: {  	s0 =	rddreg [dreg:$0x1d];
	[sflag:s13] =	ssyncadd.s32 $0xFFFFFF80  }
0x271: {  	[tilespmem:s14], [sflag:$0x2] =	stream.linear.gather [hbm4b:s0+s3], $0x80, $0x38;
	[tilespmem:$0x6180] =	vst v63  }
0x272: {  	_ = 	snop  }
0x273: {  	[spmem:s2] =	stream.indirect.scatter.add.f32 [tilespmem:s9], [sflag:$0x3], $0x80, s3, s14, $0xb8;
	[tilespmem:$0x6180] =	vst v63  }
0x274: {  	_ =	swait.ge [sflag:s6], $0x4000  }
0x275: {  	[sflag:s6] =	ssyncset.done $0x0  }
0x276: {  	[sflag:s6] =	ssyncadd.s32 $0xFFFFC000  }
0x277: {  	_ =	swait.ge [sflag:s17], $0x80  }
0x278: {  	[sflag:s17] =	ssyncset.done $0x0  }
0x279: {  	[sflag:s17] =	ssyncadd.s32 $0xFFFFFF80  }
0x27a: {  	[tilespmem:s3], [sflag:$0x1] =	stream.linear.gather [hbm4b:s30+s3], $0x80, $0x38;
	[tilespmem:$0x6180] =	vst v63  }
0x27b: {  	_ = 	snop  }
0x27c: {  	[spmem:s2] =	stream.indirect.scatter.add.f32 [tilespmem:s9], [sflag:$0x3], $0x80, s14, s14, $0xb8;
	[tilespmem:$0x6180] =	vst v63  }
0x27d: {  	_ =	swait.ge [sflag:s6], $0x4000  }
0x27e: {  	[sflag:s6] =	ssyncset.done $0x0  }
0x27f: {  	[sflag:s6] =	ssyncadd.s32 $0xFFFFC000  }
0x280: {  	_ =	swait.ge [sflag:s13], $0x80  }
0x281: {  	[sflag:s13] =	ssyncset.done $0x0  }
0x282: {  	[sflag:s13] =	ssyncadd.s32 $0xFFFFFF80  }
0x283: {  	[tilespmem:s14], [sflag:$0x2] =	stream.linear.gather [hbm4b:s29+s3], $0x80, $0x38;
	[tilespmem:$0x6180] =	vst v63  }
0x284: {  	_ = 	snop  }
0x285: {  	[spmem:s2] =	stream.indirect.scatter.add.f32 [tilespmem:s9], [sflag:$0x3], $0x80, s3, s14, $0xb8;
	[tilespmem:$0x6180] =	vst v63  }
0x286: {  	_ =	swait.ge [sflag:s6], $0x4000  }
0x287: {  	[sflag:s6] =	ssyncset.done $0x0  }
0x288: {  	[sflag:s6] =	ssyncadd.s32 $0xFFFFC000  }
0x289: {  	_ =	swait.ge [sflag:s17], $0x80  }
0x28a: {  	[sflag:s17] =	ssyncset.done $0x0  }
0x28b: {  	[sflag:s17] =	ssyncadd.s32 $0xFFFFFF80  }
0x28c: {  	[tilespmem:s3], [sflag:$0x1] =	stream.linear.gather [hbm4b:s28+s3], $0x80, $0x38;
	[tilespmem:$0x6180] =	vst v63  }
0x28d: {  	_ = 	snop  }
0x28e: {  	[spmem:s2] =	stream.indirect.scatter.add.f32 [tilespmem:s9], [sflag:$0x3], $0x80, s14, s14, $0xb8;
	[tilespmem:$0x6180] =	vst v63  }
0x28f: {  	_ =	swait.ge [sflag:s6], $0x4000  }
0x290: {  	[sflag:s6] =	ssyncset.done $0x0  }
0x291: {  	[sflag:s6] =	ssyncadd.s32 $0xFFFFC000  }
0x292: {  	_ =	swait.ge [sflag:s13], $0x80  }
0x293: {  	[sflag:s13] =	ssyncset.done $0x0  }
0x294: {  	[sflag:s13] =	ssyncadd.s32 $0xFFFFFF80  }
0x295: {  	[tilespmem:s14], [sflag:$0x2] =	stream.linear.gather [hbm4b:s26+s3], $0x80, $0x38;
	[tilespmem:$0x6180] =	vst v63  }
0x296: {  	_ = 	snop  }
0x297: {  	[spmem:s2] =	stream.indirect.scatter.add.f32 [tilespmem:s9], [sflag:$0x3], $0x80, s3, s14, $0xb8;
	[tilespmem:$0x6180] =	vst v63  }
0x298: {  	_ =	swait.ge [sflag:s6], $0x4000  }
0x299: {  	[sflag:s6] =	ssyncset.done $0x0  }
0x29a: {  	[sflag:s6] =	ssyncadd.s32 $0xFFFFC000  }
0x29b: {  	_ =	swait.ge [sflag:s17], $0x80  }
0x29c: {  	[sflag:s17] =	ssyncset.done $0x0  }
0x29d: {  	[sflag:s17] =	ssyncadd.s32 $0xFFFFFF80  }
0x29e: {  	[tilespmem:s3], [sflag:$0x1] =	stream.linear.gather [hbm4b:s25+s3], $0x80, $0x38;
	[tilespmem:$0x6180] =	vst v63  }
0x29f: {  	_ = 	snop  }
0x2a0: {  	[spmem:s2] =	stream.indirect.scatter.add.f32 [tilespmem:s9], [sflag:$0x3], $0x80, s14, s14, $0xb8;
	[tilespmem:$0x6180] =	vst v63  }
0x2a1: {  	_ =	swait.ge [sflag:s6], $0x4000  }
0x2a2: {  	[sflag:s6] =	ssyncset.done $0x0  }
0x2a3: {  	[sflag:s6] =	ssyncadd.s32 $0xFFFFC000  }
0x2a4: {  	_ =	swait.ge [sflag:s13], $0x80  }
0x2a5: {  	[sflag:s13] =	ssyncset.done $0x0  }
0x2a6: {  	[sflag:s13] =	ssyncadd.s32 $0xFFFFFF80  }
0x2a7: {  	[tilespmem:s14], [sflag:$0x2] =	stream.linear.gather [hbm4b:s24+s3], $0x80, $0x38;
	[tilespmem:$0x6180] =	vst v63  }
0x2a8: {  	_ = 	snop  }
0x2a9: {  	[spmem:s2] =	stream.indirect.scatter.add.f32 [tilespmem:s9], [sflag:$0x3], $0x80, s3, s14, $0xb8;
	[tilespmem:$0x6180] =	vst v63  }
0x2aa: {  	_ =	swait.ge [sflag:s6], $0x4000  }
0x2ab: {  	[sflag:s6] =	ssyncset.done $0x0  }
0x2ac: {  	[sflag:s6] =	ssyncadd.s32 $0xFFFFC000  }
0x2ad: {  	_ =	swait.ge [sflag:s17], $0x80  }
0x2ae: {  	[sflag:s17] =	ssyncset.done $0x0  }
0x2af: {  	[sflag:s17] =	ssyncadd.s32 $0xFFFFFF80  }
0x2b0: {  	[tilespmem:s3], [sflag:$0x1] =	stream.linear.gather [hbm4b:s23+s3], $0x80, $0x38;
	[tilespmem:$0x6180] =	vst v63  }
0x2b1: {  	_ = 	snop  }
0x2b2: {  	[spmem:s2] =	stream.indirect.scatter.add.f32 [tilespmem:s9], [sflag:$0x3], $0x80, s14, s14, $0xb8;
	[tilespmem:$0x6180] =	vst v63  }
0x2b3: {  	_ =	swait.ge [sflag:s6], $0x4000  }
0x2b4: {  	[sflag:s6] =	ssyncset.done $0x0  }
0x2b5: {  	[sflag:s6] =	ssyncadd.s32 $0xFFFFC000  }
0x2b6: {  	_ =	swait.ge [sflag:s13], $0x80  }
0x2b7: {  	[sflag:s13] =	ssyncset.done $0x0  }
0x2b8: {  	[sflag:s13] =	ssyncadd.s32 $0xFFFFFF80  }
0x2b9: {  	[tilespmem:s14], [sflag:$0x2] =	stream.linear.gather [hbm4b:s22+s3], $0x80, $0x38;
	[tilespmem:$0x6180] =	vst v63  }
0x2ba: {  	_ = 	snop  }
0x2bb: {  	[spmem:s2] =	stream.indirect.scatter.add.f32 [tilespmem:s9], [sflag:$0x3], $0x80, s3, s14, $0xb8;
	[tilespmem:$0x6180] =	vst v63  }
0x2bc: {  	_ =	swait.ge [sflag:s6], $0x4000  }
0x2bd: {  	[sflag:s6] =	ssyncset.done $0x0  }
0x2be: {  	[sflag:s6] =	ssyncadd.s32 $0xFFFFC000  }
0x2bf: {  	_ =	swait.ge [sflag:s17], $0x80  }
0x2c0: {  	[sflag:s17] =	ssyncset.done $0x0  }
0x2c1: {  	[sflag:s17] =	ssyncadd.s32 $0xFFFFFF80  }
0x2c2: {  	[tilespmem:s3], [sflag:$0x1] =	stream.linear.gather [hbm4b:s21+s3], $0x80, $0x38;
	[tilespmem:$0x6180] =	vst v63  }
0x2c3: {  	_ = 	snop  }
0x2c4: {  	[spmem:s2] =	stream.indirect.scatter.add.f32 [tilespmem:s9], [sflag:$0x3], $0x80, s14, s14, $0xb8;
	[tilespmem:$0x6180] =	vst v63  }
0x2c5: {  	_ =	swait.ge [sflag:s6], $0x4000  }
0x2c6: {  	[sflag:s6] =	ssyncset.done $0x0  }
0x2c7: {  	[sflag:s6] =	ssyncadd.s32 $0xFFFFC000  }
0x2c8: {  	_ =	swait.ge [sflag:s13], $0x80  }
0x2c9: {  	[sflag:s13] =	ssyncset.done $0x0  }
0x2ca: {  	[sflag:s13] =	ssyncadd.s32 $0xFFFFFF80  }
0x2cb: {  	[tilespmem:s14], [sflag:$0x2] =	stream.linear.gather [hbm4b:s20+s3], $0x80, $0x38;
	[tilespmem:$0x6180] =	vst v63  }
0x2cc: {  	_ = 	snop  }
0x2cd: {  	[spmem:s2] =	stream.indirect.scatter.add.f32 [tilespmem:s9], [sflag:$0x3], $0x80, s3, s14, $0xb8;
	[tilespmem:$0x6180] =	vst v63  }
0x2ce: {  	_ =	swait.ge [sflag:s6], $0x4000  }
0x2cf: {  	[sflag:s6] =	ssyncset.done $0x0  }
0x2d0: {  	[sflag:s6] =	ssyncadd.s32 $0xFFFFC000  }
0x2d1: {  	_ =	swait.ge [sflag:s17], $0x80  }
0x2d2: {  	[sflag:s17] =	ssyncset.done $0x0  }
0x2d3: {  	[sflag:s17] =	ssyncadd.s32 $0xFFFFFF80  }
0x2d4: {  	[tilespmem:s3], [sflag:$0x1] =	stream.linear.gather [hbm4b:s19+s3], $0x80, $0x38;
	[tilespmem:$0x6180] =	vst v63  }
0x2d5: {  	_ = 	snop  }
0x2d6: {  	[spmem:s2] =	stream.indirect.scatter.add.f32 [tilespmem:s9], [sflag:$0x3], $0x80, s14, s14, $0xb8;
	[tilespmem:$0x6180] =	vst v63  }
0x2d7: {  	_ =	swait.ge [sflag:s6], $0x4000  }
0x2d8: {  	[sflag:s6] =	ssyncset.done $0x0  }
0x2d9: {  	[sflag:s6] =	ssyncadd.s32 $0xFFFFC000  }
0x2da: {  	_ =	swait.ge [sflag:s13], $0x80  }
0x2db: {  	[sflag:s13] =	ssyncset.done $0x0  }
0x2dc: {  	[sflag:s13] =	ssyncadd.s32 $0xFFFFFF80  }
0x2dd: {  	[tilespmem:s14], [sflag:$0x2] =	stream.linear.gather [hbm4b:s18+s3], $0x80, $0x38;
	[tilespmem:$0x6180] =	vst v63  }
0x2de: {  	_ = 	snop  }
0x2df: {  	[spmem:s2] =	stream.indirect.scatter.add.f32 [tilespmem:s9], [sflag:$0x3], $0x80, s3, s14, $0xb8;
	[tilespmem:$0x6180] =	vst v63  }
0x2e0: {  	_ =	swait.ge [sflag:s6], $0x4000  }
0x2e1: {  	[sflag:s6] =	ssyncset.done $0x0  }
0x2e2: {  	[sflag:s6] =	ssyncadd.s32 $0xFFFFC000  }
0x2e3: {  	_ =	swait.ge [sflag:s17], $0x80  }
0x2e4: {  	[sflag:s17] =	ssyncset.done $0x0  }
0x2e5: {  	[sflag:s17] =	ssyncadd.s32 $0xFFFFFF80  }
0x2e6: {  	[tilespmem:s3], [sflag:$0x1] =	stream.linear.gather [hbm4b:s16+s3], $0x80, $0x38;
	[tilespmem:$0x6180] =	vst v63  }
0x2e7: {  	_ = 	snop  }
0x2e8: {  	[spmem:s2] =	stream.indirect.scatter.add.f32 [tilespmem:s9], [sflag:$0x3], $0x80, s14, s14, $0xb8;
	[tilespmem:$0x6180] =	vst v63  }
0x2e9: {  	_ =	swait.ge [sflag:s6], $0x4000  }
0x2ea: {  	[sflag:s6] =	ssyncset.done $0x0  }
0x2eb: {  	[sflag:s6] =	ssyncadd.s32 $0xFFFFC000  }
0x2ec: {  	_ =	swait.ge [sflag:s13], $0x80  }
0x2ed: {  	[sflag:s13] =	ssyncset.done $0x0  }
0x2ee: {  	[sflag:s13] =	ssyncadd.s32 $0xFFFFFF80  }
0x2ef: {  	[tilespmem:s14], [sflag:$0x2] =	stream.linear.gather [hbm4b:s15+s3], $0x80, $0x38;
	[tilespmem:$0x6180] =	vst v63  }
0x2f0: {  	_ = 	snop  }
0x2f1: {  	[spmem:s2] =	stream.indirect.scatter.add.f32 [tilespmem:s9], [sflag:$0x3], $0x80, s3, s14, $0xb8;
	[tilespmem:$0x6180] =	vst v63  }
0x2f2: {  	_ =	swait.ge [sflag:s6], $0x4000  }
0x2f3: {  	[sflag:s6] =	ssyncset.done $0x0  }
0x2f4: {  	[sflag:s6] =	ssyncadd.s32 $0xFFFFC000  }
0x2f5: {  	_ =	swait.ge [sflag:s17], $0x80  }
0x2f6: {  	[sflag:s17] =	ssyncset.done $0x0  }
0x2f7: {  	[sflag:s17] =	ssyncadd.s32 $0xFFFFFF80  }
0x2f8: {  	[tilespmem:s3], [sflag:$0x1] =	stream.linear.gather [hbm4b:s12+s3], $0x80, $0x38;
	[tilespmem:$0x6180] =	vst v63  }
0x2f9: {  	_ = 	snop  }
0x2fa: {  	[spmem:s2] =	stream.indirect.scatter.add.f32 [tilespmem:s9], [sflag:$0x3], $0x80, s14, s14, $0xb8;
	[tilespmem:$0x6180] =	vst v63  }
0x2fb: {  	_ =	swait.ge [sflag:s6], $0x4000  }
0x2fc: {  	[sflag:s6] =	ssyncset.done $0x0  }
0x2fd: {  	[sflag:s6] =	ssyncadd.s32 $0xFFFFC000  }
0x2fe: {  	_ =	swait.ge [sflag:s13], $0x80  }
0x2ff: {  	[sflag:s13] =	ssyncset.done $0x0  }
0x300: {  	[sflag:s13] =	ssyncadd.s32 $0xFFFFFF80  }
0x301: {  	[spmem:s2] =	stream.indirect.scatter.add.f32 [tilespmem:s9], [sflag:$0x3], $0x80, s3, s14, $0xb8;
	[tilespmem:$0x6180] =	vst v63  }
0x302: {  	_ =	swait.ge [sflag:s6], $0x4000  }
0x303: {  	[sflag:s6] =	ssyncset.done $0x0  }
0x304: {  	[sflag:s6] =	ssyncadd.s32 $0xFFFFC000  }
0x305: {  	[tilespmem:s10], [sflag:$0x3] =	stream.linear.gather [hbm4b:s8+s3], $0x8, $0x38;
	[tilespmem:$0x6180] =	vst v63  }
0x306: {  	_ =	swait.ge [sflag:s6], $0x8  }
0x307: {  	[sflag:s6] =	ssyncset.done $0x0  }
0x308: {  	[sflag:s6] =	ssyncadd.s32 $0xFFFFFFF8  }
0x309: {  	[spmem:s2] =	stream.indirect.scatter.add.f32 [tilespmem:s9], [sflag:$0x3], $0x80, s10, s11, $0xb8;
	[tilespmem:$0x6180] =	vst v63  }
0x30a: {  	_ =	swait.ge [sflag:s6], $0x400  }
0x30b: {  	p1 =	sne.s32 s1, $0x1;
	[sflag:s6] =	ssyncset.done $0x0  }
.Ltmp2:
0x30c: {  	[sflag:s6] =	ssyncadd.s32 $0xFFFFFC00;
	(pc) =	sbr.rel @p1 .LBB2_2-.Ltmp2, $4  }
0x30d: {  	[bflag:$0x0] =	sbarrier.arrive $0xFFFF  }
0x30e: {  	[hbm:s5], [sflag:s4] =	dma.local [spmem:s7], $0x400  }
0x30f: {  	_ =	swait.ge [sflag:s6], $0x400  }
0x310: {  	s1 =	sadd.s32 $0xFFFFFFFF, s1;
	s0 =	rddreg [dreg:$0x6];
	[sflag:s6] =	ssyncset.done $0x0  }
.LBB2_3:
0x311: {  	[sflag:s6] =	ssyncadd.s32 @p0 $0xFFFFFC00  }
0x312: {  	[spmem:s7], [sflag:s4] =	dma.local [hbm:s0], $0x400  }
0x313: {  	_ =	swait.ge [sflag:s6], $0x400  }
0x314: {  	[sflag:s6] =	ssyncset.done $0x0  }
0x315: {  	s1 =	rddreg [dreg:$0x5];
	[sflag:s6] =	ssyncadd.s32 $0xFFFFFC00  }
0x316: {  	[tilespmem:s9], [sflag:$0x3] =	stream.linear.gather [hbm4b:s1+s3], $0x4000, $0x38;
	[tilespmem:$0x6180] =	vst v63  }
0x317: {  	_ =	swait.ge [sflag:s6], $0x4000  }
0x318: {  	[sflag:s6] =	ssyncset.done $0x0  }
0x319: {  	[sflag:s6] =	ssyncadd.s32 $0xFFFFC000  }
0x31a: {  	[bflag:$0x0] =	sbarrier.arrive $0xFFFF  }
0x31b: {  	[tilespmem:s3], [sflag:$0x1] =	stream.linear.gather [hbm4b:s31+s3], $0x80, $0x38;
	[tilespmem:$0x6180] =	vst v63  }
0x31c: {  	_ =	swait.ge [sflag:s13], $0x80  }
0x31d: {  	[sflag:s13] =	ssyncset.done $0x0  }
0x31e: {  	s1 =	rddreg [dreg:$0x7];
	[sflag:s13] =	ssyncadd.s32 $0xFFFFFF80  }
0x31f: {  	[tilespmem:s14], [sflag:$0x2] =	stream.linear.gather [hbm4b:s1+s3], $0x80, $0x38;
	[tilespmem:$0x6180] =	vst v63  }
0x320: {  	_ = 	snop  }
0x321: {  	[spmem:s2] =	stream.indirect.scatter.add.f32 [tilespmem:s9], [sflag:$0x3], $0x80, s3, s14, $0xb8;
	[tilespmem:$0x6180] =	vst v63  }
0x322: {  	_ =	swait.ge [sflag:s6], $0x4000  }
0x323: {  	[sflag:s6] =	ssyncset.done $0x0  }
0x324: {  	[sflag:s6] =	ssyncadd.s32 $0xFFFFC000  }
0x325: {  	_ =	swait.ge [sflag:s17], $0x80  }
0x326: {  	[sflag:s17] =	ssyncset.done $0x0  }
0x327: {  	s31 =	rddreg [dreg:$0x8];
	[sflag:s17] =	ssyncadd.s32 $0xFFFFFF80  }
0x328: {  	[tilespmem:s3], [sflag:$0x1] =	stream.linear.gather [hbm4b:s31+s3], $0x80, $0x38;
	[tilespmem:$0x6180] =	vst v63  }
0x329: {  	_ = 	snop  }
0x32a: {  	[spmem:s2] =	stream.indirect.scatter.add.f32 [tilespmem:s9], [sflag:$0x3], $0x80, s14, s14, $0xb8;
	[tilespmem:$0x6180] =	vst v63  }
0x32b: {  	_ =	swait.ge [sflag:s6], $0x4000  }
0x32c: {  	[sflag:s6] =	ssyncset.done $0x0  }
0x32d: {  	[sflag:s6] =	ssyncadd.s32 $0xFFFFC000  }
0x32e: {  	_ =	swait.ge [sflag:s13], $0x80  }
0x32f: {  	[sflag:s13] =	ssyncset.done $0x0  }
0x330: {  	s1 =	rddreg [dreg:$0x9];
	[sflag:s13] =	ssyncadd.s32 $0xFFFFFF80  }
0x331: {  	[tilespmem:s14], [sflag:$0x2] =	stream.linear.gather [hbm4b:s1+s3], $0x80, $0x38;
	[tilespmem:$0x6180] =	vst v63  }
0x332: {  	_ = 	snop  }
0x333: {  	[spmem:s2] =	stream.indirect.scatter.add.f32 [tilespmem:s9], [sflag:$0x3], $0x80, s3, s14, $0xb8;
	[tilespmem:$0x6180] =	vst v63  }
0x334: {  	_ =	swait.ge [sflag:s6], $0x4000  }
0x335: {  	[sflag:s6] =	ssyncset.done $0x0  }
0x336: {  	[sflag:s6] =	ssyncadd.s32 $0xFFFFC000  }
0x337: {  	_ =	swait.ge [sflag:s17], $0x80  }
0x338: {  	[sflag:s17] =	ssyncset.done $0x0  }
0x339: {  	s31 =	rddreg [dreg:$0xa];
	[sflag:s17] =	ssyncadd.s32 $0xFFFFFF80  }
0x33a: {  	[tilespmem:s3], [sflag:$0x1] =	stream.linear.gather [hbm4b:s31+s3], $0x80, $0x38;
	[tilespmem:$0x6180] =	vst v63  }
0x33b: {  	_ = 	snop  }
0x33c: {  	[spmem:s2] =	stream.indirect.scatter.add.f32 [tilespmem:s9], [sflag:$0x3], $0x80, s14, s14, $0xb8;
	[tilespmem:$0x6180] =	vst v63  }
0x33d: {  	_ =	swait.ge [sflag:s6], $0x4000  }
0x33e: {  	[sflag:s6] =	ssyncset.done $0x0  }
0x33f: {  	[sflag:s6] =	ssyncadd.s32 $0xFFFFC000  }
0x340: {  	_ =	swait.ge [sflag:s13], $0x80  }
0x341: {  	[sflag:s13] =	ssyncset.done $0x0  }
0x342: {  	s1 =	rddreg [dreg:$0xb];
	[sflag:s13] =	ssyncadd.s32 $0xFFFFFF80  }
0x343: {  	[tilespmem:s14], [sflag:$0x2] =	stream.linear.gather [hbm4b:s1+s3], $0x80, $0x38;
	[tilespmem:$0x6180] =	vst v63  }
0x344: {  	_ = 	snop  }
0x345: {  	[spmem:s2] =	stream.indirect.scatter.add.f32 [tilespmem:s9], [sflag:$0x3], $0x80, s3, s14, $0xb8;
	[tilespmem:$0x6180] =	vst v63  }
0x346: {  	_ =	swait.ge [sflag:s6], $0x4000  }
0x347: {  	[sflag:s6] =	ssyncset.done $0x0  }
0x348: {  	[sflag:s6] =	ssyncadd.s32 $0xFFFFC000  }
0x349: {  	_ =	swait.ge [sflag:s17], $0x80  }
0x34a: {  	[sflag:s17] =	ssyncset.done $0x0  }
0x34b: {  	s31 =	rddreg [dreg:$0xc];
	[sflag:s17] =	ssyncadd.s32 $0xFFFFFF80  }
0x34c: {  	[tilespmem:s3], [sflag:$0x1] =	stream.linear.gather [hbm4b:s31+s3], $0x80, $0x38;
	[tilespmem:$0x6180] =	vst v63  }
0x34d: {  	_ = 	snop  }
0x34e: {  	[spmem:s2] =	stream.indirect.scatter.add.f32 [tilespmem:s9], [sflag:$0x3], $0x80, s14, s14, $0xb8;
	[tilespmem:$0x6180] =	vst v63  }
0x34f: {  	_ =	swait.ge [sflag:s6], $0x4000  }
0x350: {  	[sflag:s6] =	ssyncset.done $0x0  }
0x351: {  	[sflag:s6] =	ssyncadd.s32 $0xFFFFC000  }
0x352: {  	_ =	swait.ge [sflag:s13], $0x80  }
0x353: {  	[sflag:s13] =	ssyncset.done $0x0  }
0x354: {  	s1 =	rddreg [dreg:$0xd];
	[sflag:s13] =	ssyncadd.s32 $0xFFFFFF80  }
0x355: {  	[tilespmem:s14], [sflag:$0x2] =	stream.linear.gather [hbm4b:s1+s3], $0x80, $0x38;
	[tilespmem:$0x6180] =	vst v63  }
0x356: {  	_ = 	snop  }
0x357: {  	[spmem:s2] =	stream.indirect.scatter.add.f32 [tilespmem:s9], [sflag:$0x3], $0x80, s3, s14, $0xb8;
	[tilespmem:$0x6180] =	vst v63  }
0x358: {  	_ =	swait.ge [sflag:s6], $0x4000  }
0x359: {  	[sflag:s6] =	ssyncset.done $0x0  }
0x35a: {  	[sflag:s6] =	ssyncadd.s32 $0xFFFFC000  }
0x35b: {  	_ =	swait.ge [sflag:s17], $0x80  }
0x35c: {  	[sflag:s17] =	ssyncset.done $0x0  }
0x35d: {  	s31 =	rddreg [dreg:$0xe];
	[sflag:s17] =	ssyncadd.s32 $0xFFFFFF80  }
0x35e: {  	[tilespmem:s3], [sflag:$0x1] =	stream.linear.gather [hbm4b:s31+s3], $0x80, $0x38;
	[tilespmem:$0x6180] =	vst v63  }
0x35f: {  	_ = 	snop  }
0x360: {  	[spmem:s2] =	stream.indirect.scatter.add.f32 [tilespmem:s9], [sflag:$0x3], $0x80, s14, s14, $0xb8;
	[tilespmem:$0x6180] =	vst v63  }
0x361: {  	_ =	swait.ge [sflag:s6], $0x4000  }
0x362: {  	[sflag:s6] =	ssyncset.done $0x0  }
0x363: {  	[sflag:s6] =	ssyncadd.s32 $0xFFFFC000  }
0x364: {  	_ =	swait.ge [sflag:s13], $0x80  }
0x365: {  	[sflag:s13] =	ssyncset.done $0x0  }
0x366: {  	s1 =	rddreg [dreg:$0xf];
	[sflag:s13] =	ssyncadd.s32 $0xFFFFFF80  }
0x367: {  	[tilespmem:s14], [sflag:$0x2] =	stream.linear.gather [hbm4b:s1+s3], $0x80, $0x38;
	[tilespmem:$0x6180] =	vst v63  }
0x368: {  	_ = 	snop  }
0x369: {  	[spmem:s2] =	stream.indirect.scatter.add.f32 [tilespmem:s9], [sflag:$0x3], $0x80, s3, s14, $0xb8;
	[tilespmem:$0x6180] =	vst v63  }
0x36a: {  	_ =	swait.ge [sflag:s6], $0x4000  }
0x36b: {  	[sflag:s6] =	ssyncset.done $0x0  }
0x36c: {  	[sflag:s6] =	ssyncadd.s32 $0xFFFFC000  }
0x36d: {  	_ =	swait.ge [sflag:s17], $0x80  }
0x36e: {  	[sflag:s17] =	ssyncset.done $0x0  }
0x36f: {  	s31 =	rddreg [dreg:$0x10];
	[sflag:s17] =	ssyncadd.s32 $0xFFFFFF80  }
0x370: {  	[tilespmem:s3], [sflag:$0x1] =	stream.linear.gather [hbm4b:s31+s3], $0x80, $0x38;
	[tilespmem:$0x6180] =	vst v63  }
0x371: {  	_ = 	snop  }
0x372: {  	[spmem:s2] =	stream.indirect.scatter.add.f32 [tilespmem:s9], [sflag:$0x3], $0x80, s14, s14, $0xb8;
	[tilespmem:$0x6180] =	vst v63  }
0x373: {  	_ =	swait.ge [sflag:s6], $0x4000  }
0x374: {  	[sflag:s6] =	ssyncset.done $0x0  }
0x375: {  	[sflag:s6] =	ssyncadd.s32 $0xFFFFC000  }
0x376: {  	_ =	swait.ge [sflag:s13], $0x80  }
0x377: {  	[sflag:s13] =	ssyncset.done $0x0  }
0x378: {  	s1 =	rddreg [dreg:$0x11];
	[sflag:s13] =	ssyncadd.s32 $0xFFFFFF80  }
0x379: {  	[tilespmem:s14], [sflag:$0x2] =	stream.linear.gather [hbm4b:s1+s3], $0x80, $0x38;
	[tilespmem:$0x6180] =	vst v63  }
0x37a: {  	_ = 	snop  }
0x37b: {  	[spmem:s2] =	stream.indirect.scatter.add.f32 [tilespmem:s9], [sflag:$0x3], $0x80, s3, s14, $0xb8;
	[tilespmem:$0x6180] =	vst v63  }
0x37c: {  	_ =	swait.ge [sflag:s6], $0x4000  }
0x37d: {  	[sflag:s6] =	ssyncset.done $0x0  }
0x37e: {  	[sflag:s6] =	ssyncadd.s32 $0xFFFFC000  }
0x37f: {  	_ =	swait.ge [sflag:s17], $0x80  }
0x380: {  	[sflag:s17] =	ssyncset.done $0x0  }
0x381: {  	s31 =	rddreg [dreg:$0x12];
	[sflag:s17] =	ssyncadd.s32 $0xFFFFFF80  }
0x382: {  	[tilespmem:s3], [sflag:$0x1] =	stream.linear.gather [hbm4b:s31+s3], $0x80, $0x38;
	[tilespmem:$0x6180] =	vst v63  }
0x383: {  	_ = 	snop  }
0x384: {  	[spmem:s2] =	stream.indirect.scatter.add.f32 [tilespmem:s9], [sflag:$0x3], $0x80, s14, s14, $0xb8;
	[tilespmem:$0x6180] =	vst v63  }
0x385: {  	_ =	swait.ge [sflag:s6], $0x4000  }
0x386: {  	[sflag:s6] =	ssyncset.done $0x0  }
0x387: {  	[sflag:s6] =	ssyncadd.s32 $0xFFFFC000  }
0x388: {  	_ =	swait.ge [sflag:s13], $0x80  }
0x389: {  	[sflag:s13] =	ssyncset.done $0x0  }
0x38a: {  	s1 =	rddreg [dreg:$0x13];
	[sflag:s13] =	ssyncadd.s32 $0xFFFFFF80  }
0x38b: {  	[tilespmem:s14], [sflag:$0x2] =	stream.linear.gather [hbm4b:s1+s3], $0x80, $0x38;
	[tilespmem:$0x6180] =	vst v63  }
0x38c: {  	_ = 	snop  }
0x38d: {  	[spmem:s2] =	stream.indirect.scatter.add.f32 [tilespmem:s9], [sflag:$0x3], $0x80, s3, s14, $0xb8;
	[tilespmem:$0x6180] =	vst v63  }
0x38e: {  	_ =	swait.ge [sflag:s6], $0x4000  }
0x38f: {  	[sflag:s6] =	ssyncset.done $0x0  }
0x390: {  	[sflag:s6] =	ssyncadd.s32 $0xFFFFC000  }
0x391: {  	_ =	swait.ge [sflag:s17], $0x80  }
0x392: {  	[sflag:s17] =	ssyncset.done $0x0  }
0x393: {  	s31 =	rddreg [dreg:$0x14];
	[sflag:s17] =	ssyncadd.s32 $0xFFFFFF80  }
0x394: {  	[tilespmem:s3], [sflag:$0x1] =	stream.linear.gather [hbm4b:s31+s3], $0x80, $0x38;
	[tilespmem:$0x6180] =	vst v63  }
0x395: {  	_ = 	snop  }
0x396: {  	[spmem:s2] =	stream.indirect.scatter.add.f32 [tilespmem:s9], [sflag:$0x3], $0x80, s14, s14, $0xb8;
	[tilespmem:$0x6180] =	vst v63  }
0x397: {  	_ =	swait.ge [sflag:s6], $0x4000  }
0x398: {  	[sflag:s6] =	ssyncset.done $0x0  }
0x399: {  	[sflag:s6] =	ssyncadd.s32 $0xFFFFC000  }
0x39a: {  	_ =	swait.ge [sflag:s13], $0x80  }
0x39b: {  	[sflag:s13] =	ssyncset.done $0x0  }
0x39c: {  	s1 =	rddreg [dreg:$0x15];
	[sflag:s13] =	ssyncadd.s32 $0xFFFFFF80  }
0x39d: {  	[tilespmem:s14], [sflag:$0x2] =	stream.linear.gather [hbm4b:s1+s3], $0x80, $0x38;
	[tilespmem:$0x6180] =	vst v63  }
0x39e: {  	_ = 	snop  }
0x39f: {  	[spmem:s2] =	stream.indirect.scatter.add.f32 [tilespmem:s9], [sflag:$0x3], $0x80, s3, s14, $0xb8;
	[tilespmem:$0x6180] =	vst v63  }
0x3a0: {  	_ =	swait.ge [sflag:s6], $0x4000  }
0x3a1: {  	[sflag:s6] =	ssyncset.done $0x0  }
0x3a2: {  	[sflag:s6] =	ssyncadd.s32 $0xFFFFC000  }
0x3a3: {  	_ =	swait.ge [sflag:s17], $0x80  }
0x3a4: {  	[sflag:s17] =	ssyncset.done $0x0  }
0x3a5: {  	s31 =	rddreg [dreg:$0x16];
	[sflag:s17] =	ssyncadd.s32 $0xFFFFFF80  }
0x3a6: {  	[tilespmem:s3], [sflag:$0x1] =	stream.linear.gather [hbm4b:s31+s3], $0x80, $0x38;
	[tilespmem:$0x6180] =	vst v63  }
0x3a7: {  	_ = 	snop  }
0x3a8: {  	[spmem:s2] =	stream.indirect.scatter.add.f32 [tilespmem:s9], [sflag:$0x3], $0x80, s14, s14, $0xb8;
	[tilespmem:$0x6180] =	vst v63  }
0x3a9: {  	_ =	swait.ge [sflag:s6], $0x4000  }
0x3aa: {  	[sflag:s6] =	ssyncset.done $0x0  }
0x3ab: {  	[sflag:s6] =	ssyncadd.s32 $0xFFFFC000  }
0x3ac: {  	_ =	swait.ge [sflag:s13], $0x80  }
0x3ad: {  	[sflag:s13] =	ssyncset.done $0x0  }
0x3ae: {  	s1 =	rddreg [dreg:$0x17];
	[sflag:s13] =	ssyncadd.s32 $0xFFFFFF80  }
0x3af: {  	[tilespmem:s14], [sflag:$0x2] =	stream.linear.gather [hbm4b:s1+s3], $0x80, $0x38;
	[tilespmem:$0x6180] =	vst v63  }
0x3b0: {  	_ = 	snop  }
0x3b1: {  	[spmem:s2] =	stream.indirect.scatter.add.f32 [tilespmem:s9], [sflag:$0x3], $0x80, s3, s14, $0xb8;
	[tilespmem:$0x6180] =	vst v63  }
0x3b2: {  	_ =	swait.ge [sflag:s6], $0x4000  }
0x3b3: {  	[sflag:s6] =	ssyncset.done $0x0  }
0x3b4: {  	[sflag:s6] =	ssyncadd.s32 $0xFFFFC000  }
0x3b5: {  	_ =	swait.ge [sflag:s17], $0x80  }
0x3b6: {  	[sflag:s17] =	ssyncset.done $0x0  }
0x3b7: {  	s31 =	rddreg [dreg:$0x18];
	[sflag:s17] =	ssyncadd.s32 $0xFFFFFF80  }
0x3b8: {  	[tilespmem:s3], [sflag:$0x1] =	stream.linear.gather [hbm4b:s31+s3], $0x80, $0x38;
	[tilespmem:$0x6180] =	vst v63  }
0x3b9: {  	_ = 	snop  }
0x3ba: {  	[spmem:s2] =	stream.indirect.scatter.add.f32 [tilespmem:s9], [sflag:$0x3], $0x80, s14, s14, $0xb8;
	[tilespmem:$0x6180] =	vst v63  }
0x3bb: {  	_ =	swait.ge [sflag:s6], $0x4000  }
0x3bc: {  	[sflag:s6] =	ssyncset.done $0x0  }
0x3bd: {  	[sflag:s6] =	ssyncadd.s32 $0xFFFFC000  }
0x3be: {  	_ =	swait.ge [sflag:s13], $0x80  }
0x3bf: {  	[sflag:s13] =	ssyncset.done $0x0  }
0x3c0: {  	s1 =	rddreg [dreg:$0x19];
	[sflag:s13] =	ssyncadd.s32 $0xFFFFFF80  }
0x3c1: {  	[tilespmem:s14], [sflag:$0x2] =	stream.linear.gather [hbm4b:s1+s3], $0x80, $0x38;
	[tilespmem:$0x6180] =	vst v63  }
0x3c2: {  	_ = 	snop  }
0x3c3: {  	[spmem:s2] =	stream.indirect.scatter.add.f32 [tilespmem:s9], [sflag:$0x3], $0x80, s3, s14, $0xb8;
	[tilespmem:$0x6180] =	vst v63  }
0x3c4: {  	_ =	swait.ge [sflag:s6], $0x4000  }
0x3c5: {  	[sflag:s6] =	ssyncset.done $0x0  }
0x3c6: {  	[sflag:s6] =	ssyncadd.s32 $0xFFFFC000  }
0x3c7: {  	_ =	swait.ge [sflag:s17], $0x80  }
0x3c8: {  	[sflag:s17] =	ssyncset.done $0x0  }
0x3c9: {  	s31 =	rddreg [dreg:$0x1a];
	[sflag:s17] =	ssyncadd.s32 $0xFFFFFF80  }
0x3ca: {  	[tilespmem:s3], [sflag:$0x1] =	stream.linear.gather [hbm4b:s31+s3], $0x80, $0x38;
	[tilespmem:$0x6180] =	vst v63  }
0x3cb: {  	_ = 	snop  }
0x3cc: {  	[spmem:s2] =	stream.indirect.scatter.add.f32 [tilespmem:s9], [sflag:$0x3], $0x80, s14, s14, $0xb8;
	[tilespmem:$0x6180] =	vst v63  }
0x3cd: {  	_ =	swait.ge [sflag:s6], $0x4000  }
0x3ce: {  	[sflag:s6] =	ssyncset.done $0x0  }
0x3cf: {  	[sflag:s6] =	ssyncadd.s32 $0xFFFFC000  }
0x3d0: {  	_ =	swait.ge [sflag:s13], $0x80  }
0x3d1: {  	[sflag:s13] =	ssyncset.done $0x0  }
0x3d2: {  	s1 =	rddreg [dreg:$0x1b];
	[sflag:s13] =	ssyncadd.s32 $0xFFFFFF80  }
0x3d3: {  	[tilespmem:s14], [sflag:$0x2] =	stream.linear.gather [hbm4b:s1+s3], $0x80, $0x38;
	[tilespmem:$0x6180] =	vst v63  }
0x3d4: {  	_ = 	snop  }
0x3d5: {  	[spmem:s2] =	stream.indirect.scatter.add.f32 [tilespmem:s9], [sflag:$0x3], $0x80, s3, s14, $0xb8;
	[tilespmem:$0x6180] =	vst v63  }
0x3d6: {  	_ =	swait.ge [sflag:s6], $0x4000  }
0x3d7: {  	[sflag:s6] =	ssyncset.done $0x0  }
0x3d8: {  	[sflag:s6] =	ssyncadd.s32 $0xFFFFC000  }
0x3d9: {  	_ =	swait.ge [sflag:s17], $0x80  }
0x3da: {  	[sflag:s17] =	ssyncset.done $0x0  }
0x3db: {  	s31 =	rddreg [dreg:$0x1c];
	[sflag:s17] =	ssyncadd.s32 $0xFFFFFF80  }
0x3dc: {  	[tilespmem:s3], [sflag:$0x1] =	stream.linear.gather [hbm4b:s31+s3], $0x80, $0x38;
	[tilespmem:$0x6180] =	vst v63  }
0x3dd: {  	_ = 	snop  }
0x3de: {  	[spmem:s2] =	stream.indirect.scatter.add.f32 [tilespmem:s9], [sflag:$0x3], $0x80, s14, s14, $0xb8;
	[tilespmem:$0x6180] =	vst v63  }
0x3df: {  	_ =	swait.ge [sflag:s6], $0x4000  }
0x3e0: {  	[sflag:s6] =	ssyncset.done $0x0  }
0x3e1: {  	[sflag:s6] =	ssyncadd.s32 $0xFFFFC000  }
0x3e2: {  	_ =	swait.ge [sflag:s13], $0x80  }
0x3e3: {  	[sflag:s13] =	ssyncset.done $0x0  }
0x3e4: {  	s1 =	rddreg [dreg:$0x1d];
	[sflag:s13] =	ssyncadd.s32 $0xFFFFFF80  }
0x3e5: {  	[tilespmem:s14], [sflag:$0x2] =	stream.linear.gather [hbm4b:s1+s3], $0x80, $0x38;
	[tilespmem:$0x6180] =	vst v63  }
0x3e6: {  	_ = 	snop  }
0x3e7: {  	[spmem:s2] =	stream.indirect.scatter.add.f32 [tilespmem:s9], [sflag:$0x3], $0x80, s3, s14, $0xb8;
	[tilespmem:$0x6180] =	vst v63  }
0x3e8: {  	_ =	swait.ge [sflag:s6], $0x4000  }
0x3e9: {  	[sflag:s6] =	ssyncset.done $0x0  }
0x3ea: {  	[sflag:s6] =	ssyncadd.s32 $0xFFFFC000  }
0x3eb: {  	_ =	swait.ge [sflag:s17], $0x80  }
0x3ec: {  	[sflag:s17] =	ssyncset.done $0x0  }
0x3ed: {  	[sflag:s17] =	ssyncadd.s32 $0xFFFFFF80  }
0x3ee: {  	[tilespmem:s3], [sflag:$0x1] =	stream.linear.gather [hbm4b:s30+s3], $0x80, $0x38;
	[tilespmem:$0x6180] =	vst v63  }
0x3ef: {  	_ = 	snop  }
0x3f0: {  	[spmem:s2] =	stream.indirect.scatter.add.f32 [tilespmem:s9], [sflag:$0x3], $0x80, s14, s14, $0xb8;
	[tilespmem:$0x6180] =	vst v63  }
0x3f1: {  	_ =	swait.ge [sflag:s6], $0x4000  }
0x3f2: {  	[sflag:s6] =	ssyncset.done $0x0  }
0x3f3: {  	[sflag:s6] =	ssyncadd.s32 $0xFFFFC000  }
0x3f4: {  	_ =	swait.ge [sflag:s13], $0x80  }
0x3f5: {  	[sflag:s13] =	ssyncset.done $0x0  }
0x3f6: {  	[sflag:s13] =	ssyncadd.s32 $0xFFFFFF80  }
0x3f7: {  	[tilespmem:s14], [sflag:$0x2] =	stream.linear.gather [hbm4b:s29+s3], $0x80, $0x38;
	[tilespmem:$0x6180] =	vst v63  }
0x3f8: {  	_ = 	snop  }
0x3f9: {  	[spmem:s2] =	stream.indirect.scatter.add.f32 [tilespmem:s9], [sflag:$0x3], $0x80, s3, s14, $0xb8;
	[tilespmem:$0x6180] =	vst v63  }
0x3fa: {  	_ =	swait.ge [sflag:s6], $0x4000  }
0x3fb: {  	[sflag:s6] =	ssyncset.done $0x0  }
0x3fc: {  	[sflag:s6] =	ssyncadd.s32 $0xFFFFC000  }
0x3fd: {  	_ =	swait.ge [sflag:s17], $0x80  }
0x3fe: {  	[sflag:s17] =	ssyncset.done $0x0  }
0x3ff: {  	[sflag:s17] =	ssyncadd.s32 $0xFFFFFF80  }
0x400: {  	[tilespmem:s3], [sflag:$0x1] =	stream.linear.gather [hbm4b:s28+s3], $0x80, $0x38;
	[tilespmem:$0x6180] =	vst v63  }
0x401: {  	_ = 	snop  }
0x402: {  	[spmem:s2] =	stream.indirect.scatter.add.f32 [tilespmem:s9], [sflag:$0x3], $0x80, s14, s14, $0xb8;
	[tilespmem:$0x6180] =	vst v63  }
0x403: {  	_ =	swait.ge [sflag:s6], $0x4000  }
0x404: {  	[sflag:s6] =	ssyncset.done $0x0  }
0x405: {  	[sflag:s6] =	ssyncadd.s32 $0xFFFFC000  }
0x406: {  	_ =	swait.ge [sflag:s13], $0x80  }
0x407: {  	[sflag:s13] =	ssyncset.done $0x0  }
0x408: {  	[sflag:s13] =	ssyncadd.s32 $0xFFFFFF80  }
0x409: {  	[tilespmem:s14], [sflag:$0x2] =	stream.linear.gather [hbm4b:s26+s3], $0x80, $0x38;
	[tilespmem:$0x6180] =	vst v63  }
0x40a: {  	_ = 	snop  }
0x40b: {  	[spmem:s2] =	stream.indirect.scatter.add.f32 [tilespmem:s9], [sflag:$0x3], $0x80, s3, s14, $0xb8;
	[tilespmem:$0x6180] =	vst v63  }
0x40c: {  	_ =	swait.ge [sflag:s6], $0x4000  }
0x40d: {  	[sflag:s6] =	ssyncset.done $0x0  }
0x40e: {  	[sflag:s6] =	ssyncadd.s32 $0xFFFFC000  }
0x40f: {  	_ =	swait.ge [sflag:s17], $0x80  }
0x410: {  	[sflag:s17] =	ssyncset.done $0x0  }
0x411: {  	[sflag:s17] =	ssyncadd.s32 $0xFFFFFF80  }
0x412: {  	[tilespmem:s3], [sflag:$0x1] =	stream.linear.gather [hbm4b:s25+s3], $0x80, $0x38;
	[tilespmem:$0x6180] =	vst v63  }
0x413: {  	_ = 	snop  }
0x414: {  	[spmem:s2] =	stream.indirect.scatter.add.f32 [tilespmem:s9], [sflag:$0x3], $0x80, s14, s14, $0xb8;
	[tilespmem:$0x6180] =	vst v63  }
0x415: {  	_ =	swait.ge [sflag:s6], $0x4000  }
0x416: {  	[sflag:s6] =	ssyncset.done $0x0  }
0x417: {  	[sflag:s6] =	ssyncadd.s32 $0xFFFFC000  }
0x418: {  	_ =	swait.ge [sflag:s13], $0x80  }
0x419: {  	[sflag:s13] =	ssyncset.done $0x0  }
0x41a: {  	[sflag:s13] =	ssyncadd.s32 $0xFFFFFF80  }
0x41b: {  	[tilespmem:s14], [sflag:$0x2] =	stream.linear.gather [hbm4b:s24+s3], $0x80, $0x38;
	[tilespmem:$0x6180] =	vst v63  }
0x41c: {  	_ = 	snop  }
0x41d: {  	[spmem:s2] =	stream.indirect.scatter.add.f32 [tilespmem:s9], [sflag:$0x3], $0x80, s3, s14, $0xb8;
	[tilespmem:$0x6180] =	vst v63  }
0x41e: {  	_ =	swait.ge [sflag:s6], $0x4000  }
0x41f: {  	[sflag:s6] =	ssyncset.done $0x0  }
0x420: {  	[sflag:s6] =	ssyncadd.s32 $0xFFFFC000  }
0x421: {  	_ =	swait.ge [sflag:s17], $0x80  }
0x422: {  	[sflag:s17] =	ssyncset.done $0x0  }
0x423: {  	[sflag:s17] =	ssyncadd.s32 $0xFFFFFF80  }
0x424: {  	[tilespmem:s3], [sflag:$0x1] =	stream.linear.gather [hbm4b:s23+s3], $0x80, $0x38;
	[tilespmem:$0x6180] =	vst v63  }
0x425: {  	_ = 	snop  }
0x426: {  	[spmem:s2] =	stream.indirect.scatter.add.f32 [tilespmem:s9], [sflag:$0x3], $0x80, s14, s14, $0xb8;
	[tilespmem:$0x6180] =	vst v63  }
0x427: {  	_ =	swait.ge [sflag:s6], $0x4000  }
0x428: {  	[sflag:s6] =	ssyncset.done $0x0  }
0x429: {  	[sflag:s6] =	ssyncadd.s32 $0xFFFFC000  }
0x42a: {  	_ =	swait.ge [sflag:s13], $0x80  }
0x42b: {  	[sflag:s13] =	ssyncset.done $0x0  }
0x42c: {  	[sflag:s13] =	ssyncadd.s32 $0xFFFFFF80  }
0x42d: {  	[tilespmem:s14], [sflag:$0x2] =	stream.linear.gather [hbm4b:s22+s3], $0x80, $0x38;
	[tilespmem:$0x6180] =	vst v63  }
0x42e: {  	_ = 	snop  }
0x42f: {  	[spmem:s2] =	stream.indirect.scatter.add.f32 [tilespmem:s9], [sflag:$0x3], $0x80, s3, s14, $0xb8;
	[tilespmem:$0x6180] =	vst v63  }
0x430: {  	_ =	swait.ge [sflag:s6], $0x4000  }
0x431: {  	[sflag:s6] =	ssyncset.done $0x0  }
0x432: {  	[sflag:s6] =	ssyncadd.s32 $0xFFFFC000  }
0x433: {  	_ =	swait.ge [sflag:s17], $0x80  }
0x434: {  	[sflag:s17] =	ssyncset.done $0x0  }
0x435: {  	[sflag:s17] =	ssyncadd.s32 $0xFFFFFF80  }
0x436: {  	[tilespmem:s3], [sflag:$0x1] =	stream.linear.gather [hbm4b:s21+s3], $0x80, $0x38;
	[tilespmem:$0x6180] =	vst v63  }
0x437: {  	_ = 	snop  }
0x438: {  	[spmem:s2] =	stream.indirect.scatter.add.f32 [tilespmem:s9], [sflag:$0x3], $0x80, s14, s14, $0xb8;
	[tilespmem:$0x6180] =	vst v63  }
0x439: {  	_ =	swait.ge [sflag:s6], $0x4000  }
0x43a: {  	[sflag:s6] =	ssyncset.done $0x0  }
0x43b: {  	[sflag:s6] =	ssyncadd.s32 $0xFFFFC000  }
0x43c: {  	_ =	swait.ge [sflag:s13], $0x80  }
0x43d: {  	[sflag:s13] =	ssyncset.done $0x0  }
0x43e: {  	[sflag:s13] =	ssyncadd.s32 $0xFFFFFF80  }
0x43f: {  	[tilespmem:s14], [sflag:$0x2] =	stream.linear.gather [hbm4b:s20+s3], $0x80, $0x38;
	[tilespmem:$0x6180] =	vst v63  }
0x440: {  	_ = 	snop  }
0x441: {  	[spmem:s2] =	stream.indirect.scatter.add.f32 [tilespmem:s9], [sflag:$0x3], $0x80, s3, s14, $0xb8;
	[tilespmem:$0x6180] =	vst v63  }
0x442: {  	_ =	swait.ge [sflag:s6], $0x4000  }
0x443: {  	[sflag:s6] =	ssyncset.done $0x0  }
0x444: {  	[sflag:s6] =	ssyncadd.s32 $0xFFFFC000  }
0x445: {  	_ =	swait.ge [sflag:s17], $0x80  }
0x446: {  	[sflag:s17] =	ssyncset.done $0x0  }
0x447: {  	[sflag:s17] =	ssyncadd.s32 $0xFFFFFF80  }
0x448: {  	[tilespmem:s3], [sflag:$0x1] =	stream.linear.gather [hbm4b:s19+s3], $0x80, $0x38;
	[tilespmem:$0x6180] =	vst v63  }
0x449: {  	_ = 	snop  }
0x44a: {  	[spmem:s2] =	stream.indirect.scatter.add.f32 [tilespmem:s9], [sflag:$0x3], $0x80, s14, s14, $0xb8;
	[tilespmem:$0x6180] =	vst v63  }
0x44b: {  	_ =	swait.ge [sflag:s6], $0x4000  }
0x44c: {  	[sflag:s6] =	ssyncset.done $0x0  }
0x44d: {  	[sflag:s6] =	ssyncadd.s32 $0xFFFFC000  }
0x44e: {  	_ =	swait.ge [sflag:s13], $0x80  }
0x44f: {  	[sflag:s13] =	ssyncset.done $0x0  }
0x450: {  	[sflag:s13] =	ssyncadd.s32 $0xFFFFFF80  }
0x451: {  	[tilespmem:s14], [sflag:$0x2] =	stream.linear.gather [hbm4b:s18+s3], $0x80, $0x38;
	[tilespmem:$0x6180] =	vst v63  }
0x452: {  	_ = 	snop  }
0x453: {  	[spmem:s2] =	stream.indirect.scatter.add.f32 [tilespmem:s9], [sflag:$0x3], $0x80, s3, s14, $0xb8;
	[tilespmem:$0x6180] =	vst v63  }
0x454: {  	_ =	swait.ge [sflag:s6], $0x4000  }
0x455: {  	[sflag:s6] =	ssyncset.done $0x0  }
0x456: {  	[sflag:s6] =	ssyncadd.s32 $0xFFFFC000  }
0x457: {  	_ =	swait.ge [sflag:s17], $0x80  }
0x458: {  	[sflag:s17] =	ssyncset.done $0x0  }
0x459: {  	[sflag:s17] =	ssyncadd.s32 $0xFFFFFF80  }
0x45a: {  	[tilespmem:s3], [sflag:$0x1] =	stream.linear.gather [hbm4b:s16+s3], $0x80, $0x38;
	[tilespmem:$0x6180] =	vst v63  }
0x45b: {  	_ = 	snop  }
0x45c: {  	[spmem:s2] =	stream.indirect.scatter.add.f32 [tilespmem:s9], [sflag:$0x3], $0x80, s14, s14, $0xb8;
	[tilespmem:$0x6180] =	vst v63  }
0x45d: {  	_ =	swait.ge [sflag:s6], $0x4000  }
0x45e: {  	[sflag:s6] =	ssyncset.done $0x0  }
0x45f: {  	[sflag:s6] =	ssyncadd.s32 $0xFFFFC000  }
0x460: {  	_ =	swait.ge [sflag:s13], $0x80  }
0x461: {  	[sflag:s13] =	ssyncset.done $0x0  }
0x462: {  	[sflag:s13] =	ssyncadd.s32 $0xFFFFFF80  }
0x463: {  	[tilespmem:s14], [sflag:$0x2] =	stream.linear.gather [hbm4b:s15+s3], $0x80, $0x38;
	[tilespmem:$0x6180] =	vst v63  }
0x464: {  	_ = 	snop  }
0x465: {  	[spmem:s2] =	stream.indirect.scatter.add.f32 [tilespmem:s9], [sflag:$0x3], $0x80, s3, s14, $0xb8;
	[tilespmem:$0x6180] =	vst v63  }
0x466: {  	_ =	swait.ge [sflag:s6], $0x4000  }
0x467: {  	[sflag:s6] =	ssyncset.done $0x0  }
0x468: {  	[sflag:s6] =	ssyncadd.s32 $0xFFFFC000  }
0x469: {  	_ =	swait.ge [sflag:s17], $0x80  }
0x46a: {  	[sflag:s17] =	ssyncset.done $0x0  }
0x46b: {  	[sflag:s17] =	ssyncadd.s32 $0xFFFFFF80  }
0x46c: {  	[tilespmem:s3], [sflag:$0x1] =	stream.linear.gather [hbm4b:s12+s3], $0x80, $0x38;
	[tilespmem:$0x6180] =	vst v63  }
0x46d: {  	_ = 	snop  }
0x46e: {  	[spmem:s2] =	stream.indirect.scatter.add.f32 [tilespmem:s9], [sflag:$0x3], $0x80, s14, s14, $0xb8;
	[tilespmem:$0x6180] =	vst v63  }
0x46f: {  	_ =	swait.ge [sflag:s6], $0x4000  }
0x470: {  	[sflag:s6] =	ssyncset.done $0x0  }
0x471: {  	[sflag:s6] =	ssyncadd.s32 $0xFFFFC000  }
0x472: {  	_ =	swait.ge [sflag:s13], $0x80  }
0x473: {  	[sflag:s13] =	ssyncset.done $0x0  }
0x474: {  	[sflag:s13] =	ssyncadd.s32 $0xFFFFFF80  }
0x475: {  	[spmem:s2] =	stream.indirect.scatter.add.f32 [tilespmem:s9], [sflag:$0x3], $0x80, s3, s14, $0xb8;
	[tilespmem:$0x6180] =	vst v63  }
0x476: {  	_ =	swait.ge [sflag:s6], $0x4000  }
0x477: {  	[sflag:s6] =	ssyncset.done $0x0  }
0x478: {  	[sflag:s6] =	ssyncadd.s32 $0xFFFFC000  }
0x479: {  	[tilespmem:s10], [sflag:$0x3] =	stream.linear.gather [hbm4b:s8+s3], $0x8, $0x38;
	[tilespmem:$0x6180] =	vst v63  }
0x47a: {  	_ =	swait.ge [sflag:s6], $0x8  }
0x47b: {  	[sflag:s6] =	ssyncset.done $0x0  }
0x47c: {  	[sflag:s6] =	ssyncadd.s32 $0xFFFFFFF8  }
0x47d: {  	[spmem:s2] =	stream.indirect.scatter.add.f32 [tilespmem:s9], [sflag:$0x3], $0x80, s10, s11, $0xb8;
	[tilespmem:$0x6180] =	vst v63  }
0x47e: {  	_ =	swait.ge [sflag:s6], $0x400  }
0x47f: {  	[sflag:s6] =	ssyncset.done $0x0  }
0x480: {  	[sflag:s6] =	ssyncadd.s32 $0xFFFFFC00  }
0x481: {  	[bflag:$0x0] =	sbarrier.arrive $0xFFFF  }
0x482: {  	[hbm:s5], [sflag:s4] =	dma.local [spmem:s7], $0x400  }
0x483: {  	_ =	swait.ge [sflag:s6], $0x400  }
0x484: {  	[sflag:s6] =	ssyncset.done $0x0  }
0x485: {  	[sflag:s6] =	ssyncadd.s32 $0xFFFFFC00  }
0x486: {  	_ =	sfence.sel $0x180000  }
0x487: {  	[bflag:$0x0] =	sbarrier.arrive $0xFFFF  }
0x488: {  	_ =	strace $0x90000047  }
0x489: {  	s31 =	stileid.u32;
	[bflag:$0x2] =	sbarrier.arrive $0xFFFF  }
0x48a: {  	p0 =	sne.s32 s31, $0x0;
	s0 =	rddreg [dreg:$0x4]  }
0x48b: {  	s0 =	sadd.s32 @!p0 $0x100000, s0  }
0x48c: {  	[sflag:s0] =	ssyncadd.tile.s32 @!p0 $0x1;
	_ =	shalt  }
.Lfunc_end2:
_tile_overlayer_lowered:
.L_overlay_start_2:
0x48d: {  	(tag) =	ssettag $0x2  }
0x48e: {  	s0 =	rddreg [dreg:$0x0];
	s2 =	stileid.u32  }
0x48f: {  	s1 =	rddreg [dreg:$0x1];
	p0 =	sne.s32 s2, $0x0  }
0x490: {  	s3 =	rddreg [dreg:$0x2];
	[bflag:$0x3] =	sbarrier.arrive $0xFFFF;
	s2 =	simm.s32 @!p0 $0x1C03  }
0x491: {  	[timem:s3], [sflag:s2] =	dma.local @!p0 [hbm:s0], s1  }
0x492: {  	s0 =	simm.s32 @!p0 $0x3  }
0x493: {  	_ =	swait.ge @!p0 [sflag:s0], s1  }
0x494: {  	s1 =	ssub.s32 @!p0 $0x0, s1;
	[sflag:s0] =	ssyncset.done @!p0 $0x0  }
0x495: {  	[sflag:s0] =	ssyncadd.s32 @!p0 s1  }
0x496: {  	[bflag:$0x3] =	sbarrier.arrive $0xFFFF  }
0x497: {  	_ =	shalt  }

</sc_bundles>
